<compile_context>
chip_gen: v7x
topology: tpu7x:2x2x1
jax: 0.10.2.dev20260603
libtpu: 0.0.44.dev20260713+nightly
codegen_flags: <defaults>
</compile_context>

<pallas_src>
import functools

import jax
import jax.numpy as jnp
from jax import lax
from jax.experimental import pallas as pl
from jax.experimental.pallas import tpu as pltpu
from jax.experimental.pallas import tpu_sc as plsc

N_NODES = 10000
N_EDGES = 320000
D = 128
N_GRAPHS = 64

NC, NS = 2, 16
NW = NC * NS
CHUNK = 128
CHUNKS_PER_W = 80
E_PAD = NW * CHUNKS_PER_W * CHUNK
N_PAD = 10240
ROWS_PER_TILE = N_PAD // NS

NBUF = 2
HALF = CHUNKS_PER_W // 2
NGROUP = HALF // NBUF

_mesh = plsc.VectorSubcoreMesh(
    core_axis_name="c", subcore_axis_name="s", num_cores=NC, num_subcores=NS
)



@functools.partial(
    pl.kernel,
    out_type=jax.ShapeDtypeStruct((NC, N_PAD, D), jnp.float32),
    mesh=_mesh,
    scratch_types=[
        pltpu.VMEM((CHUNKS_PER_W, CHUNK), jnp.int32),
        pltpu.VMEM((CHUNK, D), jnp.float32),
        pltpu.VMEM_SHARED((N_PAD, D), jnp.float32),
    ],
)
def _deg_kernel(dst_hbm, deg_out, dst_v, buf_v, acc):
    cid = lax.axis_index("c")
    sid = lax.axis_index("s")
    wid = sid * NC + cid

    def fill(val):
        def frow(i, carry):
            def fcol(k, carry2):
                buf_v[i, pl.ds(k * 16, 16)] = jnp.full((16,), val, jnp.float32)
                return carry2

            return lax.fori_loop(0, D // 16, fcol, carry)

        lax.fori_loop(0, CHUNK, frow, None)

    fill(0.0)
    base = sid * ROWS_PER_TILE
    for b in range(ROWS_PER_TILE // CHUNK):
        pltpu.sync_copy(buf_v, acc.at[pl.ds(base + b * CHUNK, CHUNK)])
    plsc.subcore_barrier()

    fill(1.0)
    pltpu.sync_copy(dst_hbm.at[wid], dst_v)

    def ebody(j, carry):
        pltpu.sync_copy(buf_v, acc.at[dst_v.at[j]], add=True)
        return carry

    lax.fori_loop(0, CHUNKS_PER_W, ebody, None)
    plsc.subcore_barrier()

    pltpu.sync_copy(
        acc.at[pl.ds(base, ROWS_PER_TILE)],
        deg_out.at[cid, pl.ds(base, ROWS_PER_TILE)],
    )


@functools.partial(
    pl.kernel,
    out_type=jax.ShapeDtypeStruct((NC, N_PAD, D), jnp.float32),
    mesh=_mesh,
    scratch_types=[
        pltpu.VMEM((HALF, CHUNK), jnp.int32),
        pltpu.VMEM((HALF, CHUNK), jnp.int32),
        pltpu.VMEM((NBUF, CHUNK, D), jnp.float32),
        pltpu.VMEM_SHARED((N_PAD, D), jnp.float32),
        [pltpu.SemaphoreType.DMA] * NBUF,
        [pltpu.SemaphoreType.DMA] * NBUF,
    ],
)
def _agg_kernel(u_hbm, src_hbm, dst_hbm, agg_out, src_v, dst_v, rows, acc, gsem, ssem):
    cid = lax.axis_index("c")
    sid = lax.axis_index("s")
    wid = sid * NC + cid

    def zrow(i, carry):
        def zcol(k, carry2):
            rows[0, i, pl.ds(k * 16, 16)] = jnp.zeros((16,), jnp.float32)
            return carry2

        return lax.fori_loop(0, D // 16, zcol, carry)

    lax.fori_loop(0, CHUNK, zrow, None)
    base = sid * ROWS_PER_TILE
    for b in range(ROWS_PER_TILE // CHUNK):
        pltpu.sync_copy(rows.at[0], acc.at[pl.ds(base + b * CHUNK, CHUNK)])
    plsc.subcore_barrier()

    def gather_issue(j, b):
        return pltpu.async_copy(u_hbm.at[src_v.at[j]], rows.at[b], gsem[b])

    for h in range(2):
        pltpu.sync_copy(src_hbm.at[wid, pl.ds(h * HALF, HALF)], src_v)
        pltpu.sync_copy(dst_hbm.at[wid, pl.ds(h * HALF, HALF)], dst_v)

        def group(g, carry):
            gd = [gather_issue(g * NBUF + b, b) for b in range(NBUF)]
            for b in range(NBUF):
                gd[b].wait()
                pltpu.sync_copy(
                    rows.at[b], acc.at[dst_v.at[g * NBUF + b]], add=True
                )
            return carry

        lax.fori_loop(0, NGROUP, group, None)
    plsc.subcore_barrier()

    pltpu.sync_copy(
        acc.at[pl.ds(base, ROWS_PER_TILE)],
        agg_out.at[cid, pl.ds(base, ROWS_PER_TILE)],
    )



def _b1_body(deg2_ref, x_ref, w_ref, dinv_ref, u_ref):
    deg = deg2_ref[0, :, 0:1] + deg2_ref[1, :, 0:1]
    row = lax.broadcasted_iota(jnp.int32, (N_PAD, 1), 0)
    dinv = jnp.where(row < N_NODES, lax.rsqrt(deg + 1.0), 0.0)
    dinv_ref[...] = dinv
    u_ref[...] = dinv * jnp.dot(
        x_ref[...], w_ref[...], preferred_element_type=jnp.float32
    )


_b1 = pl.pallas_call(
    _b1_body,
    out_shape=(
        jax.ShapeDtypeStruct((N_PAD, 1), jnp.float32),
        jax.ShapeDtypeStruct((N_PAD, D), jnp.float32),
    ),
)


def _mid_body(dinv_ref, agg_ref, u_ref, w_ref, out_ref):
    dinv = dinv_ref[...]
    h = dinv * (agg_ref[0] + agg_ref[1] + u_ref[...])
    h = jnp.maximum(h, 0.0)
    out_ref[...] = dinv * jnp.dot(
        h, w_ref[...], preferred_element_type=jnp.float32
    )


_mid = pl.pallas_call(
    _mid_body,
    out_shape=jax.ShapeDtypeStruct((N_PAD, D), jnp.float32),
)


def _final_body(dinv_ref, agg_ref, u_ref, batch_ref, lw_ref, lb_ref, out_ref):
    dinv = dinv_ref[...]
    h = dinv * (agg_ref[0] + agg_ref[1] + u_ref[...])
    g = lax.broadcasted_iota(jnp.int32, (N_GRAPHS, N_PAD), 0)
    onehot = (batch_ref[...] == g).astype(jnp.float32)
    sums = jnp.dot(onehot, h, preferred_element_type=jnp.float32)
    counts = jnp.sum(onehot, axis=1)[:, None]
    pooled = sums / jnp.maximum(counts, 1.0)
    out_ref[...] = (
        jnp.dot(pooled, lw_ref[...], preferred_element_type=jnp.float32)
        + lb_ref[...]
    )


_final = pl.pallas_call(
    _final_body,
    out_shape=jax.ShapeDtypeStruct((N_GRAPHS, D), jnp.float32),
)



def kernel(x, edge_index, batch, W1, W2, W3, lin_w, lin_b):
    src = edge_index[0].astype(jnp.int32)
    dst = edge_index[1].astype(jnp.int32)
    n_pad_e = E_PAD - N_EDGES
    pad_src = jnp.full((n_pad_e,), N_NODES, jnp.int32)
    pad_dst = N_NODES + (jnp.arange(n_pad_e, dtype=jnp.int32) % (N_PAD - N_NODES))
    src3 = jnp.concatenate([src, pad_src]).reshape(NW, CHUNKS_PER_W, CHUNK)
    dst3 = jnp.concatenate([dst, pad_dst]).reshape(NW, CHUNKS_PER_W, CHUNK)
    x_p = jnp.zeros((N_PAD, D), jnp.float32).at[:N_NODES].set(x)
    batch_p = (
        jnp.full((1, N_PAD), N_GRAPHS, jnp.int32)
        .at[0, :N_NODES]
        .set(batch.astype(jnp.int32))
    )

    deg2 = _deg_kernel(dst3)
    dinv, u1 = _b1(deg2, x_p, W1)
    agg1 = _agg_kernel(u1, src3, dst3)
    u2 = _mid(dinv, agg1, u1, W2)
    agg2 = _agg_kernel(u2, src3, dst3)
    u3 = _mid(dinv, agg2, u2, W3)
    agg3 = _agg_kernel(u3, src3, dst3)
    return _final(dinv, agg3, u3, batch_p, lin_w, lin_b.reshape(1, D))

# --- scband reference (transcript-rebuilt; emitter-appended) ---
"""Pipeline reference for scband-gcn-3-layer-37211596652978 (READ-ONLY COPY).

The authoritative reference and input builder live on the scoring server;
editing this copy changes nothing except your own understanding.
"""

import jax, jax.numpy as jnp
import numpy as np

N_NODES = 10000
N_EDGES = 320000
D_IN = 128
D_HID = 128
D_OUT = 128
N_GRAPHS = 64


def setup_inputs(seed: int = 0) -> dict:
    key = jax.random.key(seed)
    k = jax.random.split(key, 9)
    x = jax.random.normal(k[0], (N_NODES, D_IN), dtype=jnp.float32)
    edge_index = jax.random.randint(k[1], (2, N_EDGES), 0, N_NODES, dtype=jnp.int64)
    batch = jnp.sort(jax.random.randint(k[2], (N_NODES,), 0, N_GRAPHS, dtype=jnp.int64))
    s1 = 1.0 / np.sqrt(D_IN)
    s2 = 1.0 / np.sqrt(D_HID)
    W1 = jax.random.normal(k[3], (D_IN, D_HID), dtype=jnp.float32) * s1
    W2 = jax.random.normal(k[4], (D_HID, D_HID), dtype=jnp.float32) * s2
    W3 = jax.random.normal(k[5], (D_HID, D_HID), dtype=jnp.float32) * s2
    lin_w = jax.random.normal(k[6], (D_HID, D_OUT), dtype=jnp.float32) * s2
    lin_b = jax.random.normal(k[7], (D_OUT,), dtype=jnp.float32) * 0.01
    return {"x": x, "edge_index": edge_index, "batch": batch,
            "W1": W1, "W2": W2, "W3": W3, "lin_w": lin_w, "lin_b": lin_b}


def _gcn_conv(h, W, src_f, dst_f, n_nodes):
    # PyG GCNConv(normalize=True, bias=False): add self-loops, symmetric norm
    h = h @ W
    ones = jnp.ones((src_f.shape[0],), dtype=h.dtype)
    deg = jax.ops.segment_sum(ones, dst_f, num_segments=n_nodes)
    dinv = jnp.where(deg > 0, deg ** -0.5, 0.0)
    norm = dinv[src_f] * dinv[dst_f]
    msgs = h[src_f] * norm[:, None]
    return jax.ops.segment_sum(msgs, dst_f, num_segments=n_nodes)


def reference(x, edge_index, batch, W1, W2, W3, lin_w, lin_b):
    n_nodes = x.shape[0]
    loop = jnp.arange(n_nodes, dtype=edge_index.dtype)
    src_f = jnp.concatenate([edge_index[0], loop])
    dst_f = jnp.concatenate([edge_index[1], loop])
    h = _gcn_conv(x, W1, src_f, dst_f, n_nodes)
    h = jax.nn.relu(h)
    h = _gcn_conv(h, W2, src_f, dst_f, n_nodes)
    h = jax.nn.relu(h)
    h = _gcn_conv(h, W3, src_f, dst_f, n_nodes)
    # global_mean_pool over batch segment ids
    sums = jax.ops.segment_sum(h, batch, num_segments=N_GRAPHS)
    counts = jax.ops.segment_sum(jnp.ones((n_nodes,), dtype=h.dtype), batch, num_segments=N_GRAPHS)
    pooled = sums / jnp.maximum(counts, 1.0)[:, None]
    return pooled @ lin_w + lin_b

if __name__ == "__main__":
    import jax
    _d = setup_inputs()
    print(jax.jit(kernel)(*tuple(_d.values())))

</pallas_src>

<mosaic_0001>
#map = affine_map<(d0, d1) -> (0, 0)>
#map1 = affine_map<(d0, d1) -> (0, 0, 0)>
module attributes {stable_mosaic.version = 14 : i64} {
  func.func @_agg_kernel(%arg0: i32, %arg1: i32, %arg2: memref<10240x128xf32, #tpu.memory_space<hbm>>, %arg3: memref<32x80x128xi32, #tpu.memory_space<hbm>>, %arg4: memref<32x80x128xi32, #tpu.memory_space<hbm>>, %arg5: memref<2x10240x128xf32, #tpu.memory_space<hbm>>, %arg6: memref<40x128xi32, #tpu.memory_space<vmem>>, %arg7: memref<40x128xi32, #tpu.memory_space<vmem>>, %arg8: memref<2x128x128xf32, #tpu.memory_space<vmem>>, %arg9: memref<10240x128xf32, #tpu.memory_space<vmem_shared>>, %arg10: memref<!tpu.dma_semaphore, #tpu.memory_space<semaphore_mem>>, %arg11: memref<!tpu.dma_semaphore, #tpu.memory_space<semaphore_mem>>, %arg12: memref<!tpu.dma_semaphore, #tpu.memory_space<semaphore_mem>>, %arg13: memref<!tpu.dma_semaphore, #tpu.memory_space<semaphore_mem>>) attributes {dimension_semantics = [#tpu.dimension_semantics<core_parallel>, #tpu.dimension_semantics<subcore_parallel>], iteration_bounds = array<i64: 2, 16>, scalar_prefetch = 0 : i64, scratch_operands = 8 : i64, tpu.core_type = #tpu.core_type<sc_vector_subcore>, window_params = [{transform_indices = #map}, {transform_indices = #map1}, {transform_indices = #map1}, {transform_indices = #map1}]} {
    %mul3A = arith.constant 2 : i32
    %mul3A_0 = arith.muli %arg1, %mul3A : i32
    %add3A = arith.addi %mul3A_0, %arg0 : i32
    %scan3A = arith.constant 0 : i32
    %scan3A_1 = arith.constant 128 : i32
    %scan3A_2 = arith.addi %scan3A, %scan3A_1 : i32
    %scan3A_3 = arith.constant 1 : i32
    scf.for %scan3A_32 = %scan3A to %scan3A_2 step %scan3A_3  : i32 {
      %scan3A_33 = arith.constant 0 : i32
      %scan3A_34 = arith.constant 8 : i32
      %scan3A_35 = arith.addi %scan3A_33, %scan3A_34 : i32
      %scan3A_36 = arith.constant 1 : i32
      scf.for %scan3A_38 = %scan3A_33 to %scan3A_35 step %scan3A_36  : i32 {
        %broadcast_in_dim3A = arith.constant 0.000000e+00 : f32
        %broadcast_in_dim3A_39 = vector.broadcast %broadcast_in_dim3A : f32 to vector<16xf32>
        %mul3A_40 = arith.constant 16 : i32
        %mul3A_41 = arith.muli %scan3A_38, %mul3A_40 : i32
        %swap3A = arith.constant 0 : i32
        %swap3A_42 = arith.index_cast %swap3A : i32 to index
        %swap3A_43 = arith.index_cast %scan3A_32 : i32 to index
        %swap3A_44 = arith.index_cast %mul3A_41 : i32 to index
        %swap3A_45 = tpu.vector_load %arg8[%swap3A_42, %swap3A_43, %swap3A_44] {strides = array<i32>} : memref<2x128x128xf32, #tpu.memory_space<vmem>>, vector<1x1x16xf32>,
        %swap3A_46 = vector.shape_cast %swap3A_45 : vector<1x1x16xf32> to vector<16xf32>
        %swap3A_47 = vector.shape_cast %broadcast_in_dim3A_39 : vector<16xf32> to vector<1x1x16xf32>
        tpu.vector_store %arg8[%swap3A_42, %swap3A_43, %swap3A_44], %swap3A_47 {strides = array<i32>} : memref<2x128x128xf32, #tpu.memory_space<vmem>>, vector<1x1x16xf32>,
      }
      %scan3A_37 = arith.constant 8 : i32
    }
    %scan3A_4 = arith.constant 128 : i32
    %mul3A_5 = arith.constant 640 : i32
    %mul3A_6 = arith.muli %arg1, %mul3A_5 : i32
    %add3A_7 = arith.constant 0 : i32
    %add3A_8 = arith.addi %mul3A_6, %add3A_7 : i32
    %run_scoped3A = arith.constant 0 : i32
    "tpu.region"() ({
      %run_scoped3A_32 = tpu.sem_alloc : memref<!tpu.dma_semaphore, #tpu.memory_space<semaphore_mem>>
      %dma_start3A = arith.constant 0 : i32
      %dma_start3A_33 = arith.constant 0 : i32
      %dma_start3A_34 = tpu.memref_slice %arg8[%run_scoped3A, %dma_start3A, %dma_start3A_33] : memref<2x128x128xf32, #tpu.memory_space<vmem>> -> memref<1x128x128xf32, #tpu.memory_space<vmem>>
      %dma_start3A_35 = tpu.memref_squeeze %dma_start3A_34 : memref<1x128x128xf32, #tpu.memory_space<vmem>> -> memref<128x128xf32, #tpu.memory_space<vmem>>
      %dma_start3A_36 = arith.constant 0 : i32
      %dma_start3A_37 = tpu.memref_slice %arg9[%add3A_8, %dma_start3A_36] : memref<10240x128xf32, #tpu.memory_space<vmem_shared>> -> memref<128x128xf32, #tpu.memory_space<vmem_shared>>
      %dma_start3A_38 = arith.constant 0 : i32
      %dma_start3A_39 = tpu.memref_slice %arg9[%add3A_8, %dma_start3A_38] : memref<10240x128xf32, #tpu.memory_space<vmem_shared>> -> memref<128x128xf32, #tpu.memory_space<vmem_shared>>
      %dma_start3A_40 = arith.constant 0 : i32
      %dma_start3A_41 = arith.constant 0 : i32
      %dma_start3A_42 = tpu.memref_slice %arg8[%run_scoped3A, %dma_start3A_40, %dma_start3A_41] : memref<2x128x128xf32, #tpu.memory_space<vmem>> -> memref<1x128x128xf32, #tpu.memory_space<vmem>>
      %dma_start3A_43 = tpu.memref_squeeze %dma_start3A_42 : memref<1x128x128xf32, #tpu.memory_space<vmem>> -> memref<128x128xf32, #tpu.memory_space<vmem>>
      tpu.enqueue_dma source(%dma_start3A_43 : memref<128x128xf32, #tpu.memory_space<vmem>>) target(%dma_start3A_39 : memref<128x128xf32, #tpu.memory_space<vmem_shared>>) target_semaphore(%run_scoped3A_32 : memref<!tpu.dma_semaphore, #tpu.memory_space<semaphore_mem>>)
      %dma_wait3A = arith.constant 0 : i32
      %dma_wait3A_44 = arith.constant 0 : i32
      %dma_wait3A_45 = tpu.memref_slice %arg8[%run_scoped3A, %dma_wait3A, %dma_wait3A_44] : memref<2x128x128xf32, #tpu.memory_space<vmem>> -> memref<1x128x128xf32, #tpu.memory_space<vmem>>
      %dma_wait3A_46 = tpu.memref_squeeze %dma_wait3A_45 : memref<1x128x128xf32, #tpu.memory_space<vmem>> -> memref<128x128xf32, #tpu.memory_space<vmem>>
      %dma_wait3A_47 = arith.constant 0 : i32
      %dma_wait3A_48 = tpu.memref_slice %arg9[%add3A_8, %dma_wait3A_47] : memref<10240x128xf32, #tpu.memory_space<vmem_shared>> -> memref<128x128xf32, #tpu.memory_space<vmem_shared>>
      %dma_wait3A_49 = arith.constant 0 : i32
      %dma_wait3A_50 = tpu.memref_slice %arg9[%add3A_8, %dma_wait3A_49] : memref<10240x128xf32, #tpu.memory_space<vmem_shared>> -> memref<128x128xf32, #tpu.memory_space<vmem_shared>>
      %dma_wait3A_51 = arith.constant 0 : i32
      %dma_wait3A_52 = arith.constant 0 : i32
      %dma_wait3A_53 = tpu.memref_slice %arg8[%run_scoped3A, %dma_wait3A_51, %dma_wait3A_52] : memref<2x128x128xf32, #tpu.memory_space<vmem>> -> memref<1x128x128xf32, #tpu.memory_space<vmem>>
      %dma_wait3A_54 = tpu.memref_squeeze %dma_wait3A_53 : memref<1x128x128xf32, #tpu.memory_space<vmem>> -> memref<128x128xf32, #tpu.memory_space<vmem>>
      tpu.wait_dma2 semaphore(%run_scoped3A_32 : memref<!tpu.dma_semaphore, #tpu.memory_space<semaphore_mem>>) src(%dma_wait3A_54 : memref<128x128xf32, #tpu.memory_space<vmem>>) dst(%dma_wait3A_50 : memref<128x128xf32, #tpu.memory_space<vmem_shared>>)
      tpu.yield
    }) : () -> ()
    %add3A_9 = arith.constant 128 : i32
    %add3A_10 = arith.addi %mul3A_6, %add3A_9 : i32
    %run_scoped3A_11 = arith.constant 0 : i32
    "tpu.region"() ({
      %run_scoped3A_32 = tpu.sem_alloc : memref<!tpu.dma_semaphore, #tpu.memory_space<semaphore_mem>>
      %dma_start3A = arith.constant 0 : i32
      %dma_start3A_33 = arith.constant 0 : i32
      %dma_start3A_34 = tpu.memref_slice %arg8[%run_scoped3A_11, %dma_start3A, %dma_start3A_33] : memref<2x128x128xf32, #tpu.memory_space<vmem>> -> memref<1x128x128xf32, #tpu.memory_space<vmem>>
      %dma_start3A_35 = tpu.memref_squeeze %dma_start3A_34 : memref<1x128x128xf32, #tpu.memory_space<vmem>> -> memref<128x128xf32, #tpu.memory_space<vmem>>
      %dma_start3A_36 = arith.constant 0 : i32
      %dma_start3A_37 = tpu.memref_slice %arg9[%add3A_10, %dma_start3A_36] : memref<10240x128xf32, #tpu.memory_space<vmem_shared>> -> memref<128x128xf32, #tpu.memory_space<vmem_shared>>
      %dma_start3A_38 = arith.constant 0 : i32
      %dma_start3A_39 = tpu.memref_slice %arg9[%add3A_10, %dma_start3A_38] : memref<10240x128xf32, #tpu.memory_space<vmem_shared>> -> memref<128x128xf32, #tpu.memory_space<vmem_shared>>
      %dma_start3A_40 = arith.constant 0 : i32
      %dma_start3A_41 = arith.constant 0 : i32
      %dma_start3A_42 = tpu.memref_slice %arg8[%run_scoped3A_11, %dma_start3A_40, %dma_start3A_41] : memref<2x128x128xf32, #tpu.memory_space<vmem>> -> memref<1x128x128xf32, #tpu.memory_space<vmem>>
      %dma_start3A_43 = tpu.memref_squeeze %dma_start3A_42 : memref<1x128x128xf32, #tpu.memory_space<vmem>> -> memref<128x128xf32, #tpu.memory_space<vmem>>
      tpu.enqueue_dma source(%dma_start3A_43 : memref<128x128xf32, #tpu.memory_space<vmem>>) target(%dma_start3A_39 : memref<128x128xf32, #tpu.memory_space<vmem_shared>>) target_semaphore(%run_scoped3A_32 : memref<!tpu.dma_semaphore, #tpu.memory_space<semaphore_mem>>)
      %dma_wait3A = arith.constant 0 : i32
      %dma_wait3A_44 = arith.constant 0 : i32
      %dma_wait3A_45 = tpu.memref_slice %arg8[%run_scoped3A_11, %dma_wait3A, %dma_wait3A_44] : memref<2x128x128xf32, #tpu.memory_space<vmem>> -> memref<1x128x128xf32, #tpu.memory_space<vmem>>
      %dma_wait3A_46 = tpu.memref_squeeze %dma_wait3A_45 : memref<1x128x128xf32, #tpu.memory_space<vmem>> -> memref<128x128xf32, #tpu.memory_space<vmem>>
      %dma_wait3A_47 = arith.constant 0 : i32
      %dma_wait3A_48 = tpu.memref_slice %arg9[%add3A_10, %dma_wait3A_47] : memref<10240x128xf32, #tpu.memory_space<vmem_shared>> -> memref<128x128xf32, #tpu.memory_space<vmem_shared>>
      %dma_wait3A_49 = arith.constant 0 : i32
      %dma_wait3A_50 = tpu.memref_slice %arg9[%add3A_10, %dma_wait3A_49] : memref<10240x128xf32, #tpu.memory_space<vmem_shared>> -> memref<128x128xf32, #tpu.memory_space<vmem_shared>>
      %dma_wait3A_51 = arith.constant 0 : i32
      %dma_wait3A_52 = arith.constant 0 : i32
      %dma_wait3A_53 = tpu.memref_slice %arg8[%run_scoped3A_11, %dma_wait3A_51, %dma_wait3A_52] : memref<2x128x128xf32, #tpu.memory_space<vmem>> -> memref<1x128x128xf32, #tpu.memory_space<vmem>>
      %dma_wait3A_54 = tpu.memref_squeeze %dma_wait3A_53 : memref<1x128x128xf32, #tpu.memory_space<vmem>> -> memref<128x128xf32, #tpu.memory_space<vmem>>
      tpu.wait_dma2 semaphore(%run_scoped3A_32 : memref<!tpu.dma_semaphore, #tpu.memory_space<semaphore_mem>>) src(%dma_wait3A_54 : memref<128x128xf32, #tpu.memory_space<vmem>>) dst(%dma_wait3A_50 : memref<128x128xf32, #tpu.memory_space<vmem_shared>>)
      tpu.yield
    }) : () -> ()
    %add3A_12 = arith.constant 256 : i32
    %add3A_13 = arith.addi %mul3A_6, %add3A_12 : i32
    %run_scoped3A_14 = arith.constant 0 : i32
    "tpu.region"() ({
      %run_scoped3A_32 = tpu.sem_alloc : memref<!tpu.dma_semaphore, #tpu.memory_space<semaphore_mem>>
      %dma_start3A = arith.constant 0 : i32
      %dma_start3A_33 = arith.constant 0 : i32
      %dma_start3A_34 = tpu.memref_slice %arg8[%run_scoped3A_14, %dma_start3A, %dma_start3A_33] : memref<2x128x128xf32, #tpu.memory_space<vmem>> -> memref<1x128x128xf32, #tpu.memory_space<vmem>>
      %dma_start3A_35 = tpu.memref_squeeze %dma_start3A_34 : memref<1x128x128xf32, #tpu.memory_space<vmem>> -> memref<128x128xf32, #tpu.memory_space<vmem>>
      %dma_start3A_36 = arith.constant 0 : i32
      %dma_start3A_37 = tpu.memref_slice %arg9[%add3A_13, %dma_start3A_36] : memref<10240x128xf32, #tpu.memory_space<vmem_shared>> -> memref<128x128xf32, #tpu.memory_space<vmem_shared>>
      %dma_start3A_38 = arith.constant 0 : i32
      %dma_start3A_39 = tpu.memref_slice %arg9[%add3A_13, %dma_start3A_38] : memref<10240x128xf32, #tpu.memory_space<vmem_shared>> -> memref<128x128xf32, #tpu.memory_space<vmem_shared>>
      %dma_start3A_40 = arith.constant 0 : i32
      %dma_start3A_41 = arith.constant 0 : i32
      %dma_start3A_42 = tpu.memref_slice %arg8[%run_scoped3A_14, %dma_start3A_40, %dma_start3A_41] : memref<2x128x128xf32, #tpu.memory_space<vmem>> -> memref<1x128x128xf32, #tpu.memory_space<vmem>>
      %dma_start3A_43 = tpu.memref_squeeze %dma_start3A_42 : memref<1x128x128xf32, #tpu.memory_space<vmem>> -> memref<128x128xf32, #tpu.memory_space<vmem>>
      tpu.enqueue_dma source(%dma_start3A_43 : memref<128x128xf32, #tpu.memory_space<vmem>>) target(%dma_start3A_39 : memref<128x128xf32, #tpu.memory_space<vmem_shared>>) target_semaphore(%run_scoped3A_32 : memref<!tpu.dma_semaphore, #tpu.memory_space<semaphore_mem>>)
      %dma_wait3A = arith.constant 0 : i32
      %dma_wait3A_44 = arith.constant 0 : i32
      %dma_wait3A_45 = tpu.memref_slice %arg8[%run_scoped3A_14, %dma_wait3A, %dma_wait3A_44] : memref<2x128x128xf32, #tpu.memory_space<vmem>> -> memref<1x128x128xf32, #tpu.memory_space<vmem>>
      %dma_wait3A_46 = tpu.memref_squeeze %dma_wait3A_45 : memref<1x128x128xf32, #tpu.memory_space<vmem>> -> memref<128x128xf32, #tpu.memory_space<vmem>>
      %dma_wait3A_47 = arith.constant 0 : i32
      %dma_wait3A_48 = tpu.memref_slice %arg9[%add3A_13, %dma_wait3A_47] : memref<10240x128xf32, #tpu.memory_space<vmem_shared>> -> memref<128x128xf32, #tpu.memory_space<vmem_shared>>
      %dma_wait3A_49 = arith.constant 0 : i32
      %dma_wait3A_50 = tpu.memref_slice %arg9[%add3A_13, %dma_wait3A_49] : memref<10240x128xf32, #tpu.memory_space<vmem_shared>> -> memref<128x128xf32, #tpu.memory_space<vmem_shared>>
      %dma_wait3A_51 = arith.constant 0 : i32
      %dma_wait3A_52 = arith.constant 0 : i32
      %dma_wait3A_53 = tpu.memref_slice %arg8[%run_scoped3A_14, %dma_wait3A_51, %dma_wait3A_52] : memref<2x128x128xf32, #tpu.memory_space<vmem>> -> memref<1x128x128xf32, #tpu.memory_space<vmem>>
      %dma_wait3A_54 = tpu.memref_squeeze %dma_wait3A_53 : memref<1x128x128xf32, #tpu.memory_space<vmem>> -> memref<128x128xf32, #tpu.memory_space<vmem>>
      tpu.wait_dma2 semaphore(%run_scoped3A_32 : memref<!tpu.dma_semaphore, #tpu.memory_space<semaphore_mem>>) src(%dma_wait3A_54 : memref<128x128xf32, #tpu.memory_space<vmem>>) dst(%dma_wait3A_50 : memref<128x128xf32, #tpu.memory_space<vmem_shared>>)
      tpu.yield
    }) : () -> ()
    %add3A_15 = arith.constant 384 : i32
    %add3A_16 = arith.addi %mul3A_6, %add3A_15 : i32
    %run_scoped3A_17 = arith.constant 0 : i32
    "tpu.region"() ({
      %run_scoped3A_32 = tpu.sem_alloc : memref<!tpu.dma_semaphore, #tpu.memory_space<semaphore_mem>>
      %dma_start3A = arith.constant 0 : i32
      %dma_start3A_33 = arith.constant 0 : i32
      %dma_start3A_34 = tpu.memref_slice %arg8[%run_scoped3A_17, %dma_start3A, %dma_start3A_33] : memref<2x128x128xf32, #tpu.memory_space<vmem>> -> memref<1x128x128xf32, #tpu.memory_space<vmem>>
      %dma_start3A_35 = tpu.memref_squeeze %dma_start3A_34 : memref<1x128x128xf32, #tpu.memory_space<vmem>> -> memref<128x128xf32, #tpu.memory_space<vmem>>
      %dma_start3A_36 = arith.constant 0 : i32
      %dma_start3A_37 = tpu.memref_slice %arg9[%add3A_16, %dma_start3A_36] : memref<10240x128xf32, #tpu.memory_space<vmem_shared>> -> memref<128x128xf32, #tpu.memory_space<vmem_shared>>
      %dma_start3A_38 = arith.constant 0 : i32
      %dma_start3A_39 = tpu.memref_slice %arg9[%add3A_16, %dma_start3A_38] : memref<10240x128xf32, #tpu.memory_space<vmem_shared>> -> memref<128x128xf32, #tpu.memory_space<vmem_shared>>
      %dma_start3A_40 = arith.constant 0 : i32
      %dma_start3A_41 = arith.constant 0 : i32
      %dma_start3A_42 = tpu.memref_slice %arg8[%run_scoped3A_17, %dma_start3A_40, %dma_start3A_41] : memref<2x128x128xf32, #tpu.memory_space<vmem>> -> memref<1x128x128xf32, #tpu.memory_space<vmem>>
      %dma_start3A_43 = tpu.memref_squeeze %dma_start3A_42 : memref<1x128x128xf32, #tpu.memory_space<vmem>> -> memref<128x128xf32, #tpu.memory_space<vmem>>
      tpu.enqueue_dma source(%dma_start3A_43 : memref<128x128xf32, #tpu.memory_space<vmem>>) target(%dma_start3A_39 : memref<128x128xf32, #tpu.memory_space<vmem_shared>>) target_semaphore(%run_scoped3A_32 : memref<!tpu.dma_semaphore, #tpu.memory_space<semaphore_mem>>)
      %dma_wait3A = arith.constant 0 : i32
      %dma_wait3A_44 = arith.constant 0 : i32
      %dma_wait3A_45 = tpu.memref_slice %arg8[%run_scoped3A_17, %dma_wait3A, %dma_wait3A_44] : memref<2x128x128xf32, #tpu.memory_space<vmem>> -> memref<1x128x128xf32, #tpu.memory_space<vmem>>
      %dma_wait3A_46 = tpu.memref_squeeze %dma_wait3A_45 : memref<1x128x128xf32, #tpu.memory_space<vmem>> -> memref<128x128xf32, #tpu.memory_space<vmem>>
      %dma_wait3A_47 = arith.constant 0 : i32
      %dma_wait3A_48 = tpu.memref_slice %arg9[%add3A_16, %dma_wait3A_47] : memref<10240x128xf32, #tpu.memory_space<vmem_shared>> -> memref<128x128xf32, #tpu.memory_space<vmem_shared>>
      %dma_wait3A_49 = arith.constant 0 : i32
      %dma_wait3A_50 = tpu.memref_slice %arg9[%add3A_16, %dma_wait3A_49] : memref<10240x128xf32, #tpu.memory_space<vmem_shared>> -> memref<128x128xf32, #tpu.memory_space<vmem_shared>>
      %dma_wait3A_51 = arith.constant 0 : i32
      %dma_wait3A_52 = arith.constant 0 : i32
      %dma_wait3A_53 = tpu.memref_slice %arg8[%run_scoped3A_17, %dma_wait3A_51, %dma_wait3A_52] : memref<2x128x128xf32, #tpu.memory_space<vmem>> -> memref<1x128x128xf32, #tpu.memory_space<vmem>>
      %dma_wait3A_54 = tpu.memref_squeeze %dma_wait3A_53 : memref<1x128x128xf32, #tpu.memory_space<vmem>> -> memref<128x128xf32, #tpu.memory_space<vmem>>
      tpu.wait_dma2 semaphore(%run_scoped3A_32 : memref<!tpu.dma_semaphore, #tpu.memory_space<semaphore_mem>>) src(%dma_wait3A_54 : memref<128x128xf32, #tpu.memory_space<vmem>>) dst(%dma_wait3A_50 : memref<128x128xf32, #tpu.memory_space<vmem_shared>>)
      tpu.yield
    }) : () -> ()
    %add3A_18 = arith.constant 512 : i32
    %add3A_19 = arith.addi %mul3A_6, %add3A_18 : i32
    %run_scoped3A_20 = arith.constant 0 : i32
    "tpu.region"() ({
      %run_scoped3A_32 = tpu.sem_alloc : memref<!tpu.dma_semaphore, #tpu.memory_space<semaphore_mem>>
      %dma_start3A = arith.constant 0 : i32
      %dma_start3A_33 = arith.constant 0 : i32
      %dma_start3A_34 = tpu.memref_slice %arg8[%run_scoped3A_20, %dma_start3A, %dma_start3A_33] : memref<2x128x128xf32, #tpu.memory_space<vmem>> -> memref<1x128x128xf32, #tpu.memory_space<vmem>>
      %dma_start3A_35 = tpu.memref_squeeze %dma_start3A_34 : memref<1x128x128xf32, #tpu.memory_space<vmem>> -> memref<128x128xf32, #tpu.memory_space<vmem>>
      %dma_start3A_36 = arith.constant 0 : i32
      %dma_start3A_37 = tpu.memref_slice %arg9[%add3A_19, %dma_start3A_36] : memref<10240x128xf32, #tpu.memory_space<vmem_shared>> -> memref<128x128xf32, #tpu.memory_space<vmem_shared>>
      %dma_start3A_38 = arith.constant 0 : i32
      %dma_start3A_39 = tpu.memref_slice %arg9[%add3A_19, %dma_start3A_38] : memref<10240x128xf32, #tpu.memory_space<vmem_shared>> -> memref<128x128xf32, #tpu.memory_space<vmem_shared>>
      %dma_start3A_40 = arith.constant 0 : i32
      %dma_start3A_41 = arith.constant 0 : i32
      %dma_start3A_42 = tpu.memref_slice %arg8[%run_scoped3A_20, %dma_start3A_40, %dma_start3A_41] : memref<2x128x128xf32, #tpu.memory_space<vmem>> -> memref<1x128x128xf32, #tpu.memory_space<vmem>>
      %dma_start3A_43 = tpu.memref_squeeze %dma_start3A_42 : memref<1x128x128xf32, #tpu.memory_space<vmem>> -> memref<128x128xf32, #tpu.memory_space<vmem>>
      tpu.enqueue_dma source(%dma_start3A_43 : memref<128x128xf32, #tpu.memory_space<vmem>>) target(%dma_start3A_39 : memref<128x128xf32, #tpu.memory_space<vmem_shared>>) target_semaphore(%run_scoped3A_32 : memref<!tpu.dma_semaphore, #tpu.memory_space<semaphore_mem>>)
      %dma_wait3A = arith.constant 0 : i32
      %dma_wait3A_44 = arith.constant 0 : i32
      %dma_wait3A_45 = tpu.memref_slice %arg8[%run_scoped3A_20, %dma_wait3A, %dma_wait3A_44] : memref<2x128x128xf32, #tpu.memory_space<vmem>> -> memref<1x128x128xf32, #tpu.memory_space<vmem>>
      %dma_wait3A_46 = tpu.memref_squeeze %dma_wait3A_45 : memref<1x128x128xf32, #tpu.memory_space<vmem>> -> memref<128x128xf32, #tpu.memory_space<vmem>>
      %dma_wait3A_47 = arith.constant 0 : i32
      %dma_wait3A_48 = tpu.memref_slice %arg9[%add3A_19, %dma_wait3A_47] : memref<10240x128xf32, #tpu.memory_space<vmem_shared>> -> memref<128x128xf32, #tpu.memory_space<vmem_shared>>
      %dma_wait3A_49 = arith.constant 0 : i32
      %dma_wait3A_50 = tpu.memref_slice %arg9[%add3A_19, %dma_wait3A_49] : memref<10240x128xf32, #tpu.memory_space<vmem_shared>> -> memref<128x128xf32, #tpu.memory_space<vmem_shared>>
      %dma_wait3A_51 = arith.constant 0 : i32
      %dma_wait3A_52 = arith.constant 0 : i32
      %dma_wait3A_53 = tpu.memref_slice %arg8[%run_scoped3A_20, %dma_wait3A_51, %dma_wait3A_52] : memref<2x128x128xf32, #tpu.memory_space<vmem>> -> memref<1x128x128xf32, #tpu.memory_space<vmem>>
      %dma_wait3A_54 = tpu.memref_squeeze %dma_wait3A_53 : memref<1x128x128xf32, #tpu.memory_space<vmem>> -> memref<128x128xf32, #tpu.memory_space<vmem>>
      tpu.wait_dma2 semaphore(%run_scoped3A_32 : memref<!tpu.dma_semaphore, #tpu.memory_space<semaphore_mem>>) src(%dma_wait3A_54 : memref<128x128xf32, #tpu.memory_space<vmem>>) dst(%dma_wait3A_50 : memref<128x128xf32, #tpu.memory_space<vmem_shared>>)
      tpu.yield
    }) : () -> ()
    %barrier3A = arith.constant 0 : index
    tpu.barrier barrier_id(%barrier3A)
    "tpu.region"() ({
      %run_scoped3A_32 = tpu.sem_alloc : memref<!tpu.dma_semaphore, #tpu.memory_space<semaphore_mem>>
      %dma_start3A = arith.constant 0 : i32
      %dma_start3A_33 = arith.constant 0 : i32
      %dma_start3A_34 = tpu.memref_slice %arg3[%add3A, %dma_start3A, %dma_start3A_33] : memref<32x80x128xi32, #tpu.memory_space<hbm>> -> memref<1x40x128xi32, #tpu.memory_space<hbm>>
      %dma_start3A_35 = tpu.memref_squeeze %dma_start3A_34 : memref<1x40x128xi32, #tpu.memory_space<hbm>> -> memref<40x128xi32, #tpu.memory_space<hbm>>
      %dma_start3A_36 = arith.constant 0 : i32
      %dma_start3A_37 = arith.constant 0 : i32
      %dma_start3A_38 = tpu.memref_slice %arg3[%add3A, %dma_start3A_36, %dma_start3A_37] : memref<32x80x128xi32, #tpu.memory_space<hbm>> -> memref<1x40x128xi32, #tpu.memory_space<hbm>>
      %dma_start3A_39 = tpu.memref_squeeze %dma_start3A_38 : memref<1x40x128xi32, #tpu.memory_space<hbm>> -> memref<40x128xi32, #tpu.memory_space<hbm>>
      tpu.enqueue_dma source(%dma_start3A_39 : memref<40x128xi32, #tpu.memory_space<hbm>>) target(%arg6 : memref<40x128xi32, #tpu.memory_space<vmem>>) target_semaphore(%run_scoped3A_32 : memref<!tpu.dma_semaphore, #tpu.memory_space<semaphore_mem>>)
      %dma_wait3A = arith.constant 0 : i32
      %dma_wait3A_40 = arith.constant 0 : i32
      %dma_wait3A_41 = tpu.memref_slice %arg3[%add3A, %dma_wait3A, %dma_wait3A_40] : memref<32x80x128xi32, #tpu.memory_space<hbm>> -> memref<1x40x128xi32, #tpu.memory_space<hbm>>
      %dma_wait3A_42 = tpu.memref_squeeze %dma_wait3A_41 : memref<1x40x128xi32, #tpu.memory_space<hbm>> -> memref<40x128xi32, #tpu.memory_space<hbm>>
      %dma_wait3A_43 = arith.constant 0 : i32
      %dma_wait3A_44 = arith.constant 0 : i32
      %dma_wait3A_45 = tpu.memref_slice %arg3[%add3A, %dma_wait3A_43, %dma_wait3A_44] : memref<32x80x128xi32, #tpu.memory_space<hbm>> -> memref<1x40x128xi32, #tpu.memory_space<hbm>>
      %dma_wait3A_46 = tpu.memref_squeeze %dma_wait3A_45 : memref<1x40x128xi32, #tpu.memory_space<hbm>> -> memref<40x128xi32, #tpu.memory_space<hbm>>
      tpu.wait_dma2 semaphore(%run_scoped3A_32 : memref<!tpu.dma_semaphore, #tpu.memory_space<semaphore_mem>>) src(%dma_wait3A_46 : memref<40x128xi32, #tpu.memory_space<hbm>>) dst(%arg6 : memref<40x128xi32, #tpu.memory_space<vmem>>)
      tpu.yield
    }) : () -> ()
    "tpu.region"() ({
      %run_scoped3A_32 = tpu.sem_alloc : memref<!tpu.dma_semaphore, #tpu.memory_space<semaphore_mem>>
      %dma_start3A = arith.constant 0 : i32
      %dma_start3A_33 = arith.constant 0 : i32
      %dma_start3A_34 = tpu.memref_slice %arg4[%add3A, %dma_start3A, %dma_start3A_33] : memref<32x80x128xi32, #tpu.memory_space<hbm>> -> memref<1x40x128xi32, #tpu.memory_space<hbm>>
      %dma_start3A_35 = tpu.memref_squeeze %dma_start3A_34 : memref<1x40x128xi32, #tpu.memory_space<hbm>> -> memref<40x128xi32, #tpu.memory_space<hbm>>
      %dma_start3A_36 = arith.constant 0 : i32
      %dma_start3A_37 = arith.constant 0 : i32
      %dma_start3A_38 = tpu.memref_slice %arg4[%add3A, %dma_start3A_36, %dma_start3A_37] : memref<32x80x128xi32, #tpu.memory_space<hbm>> -> memref<1x40x128xi32, #tpu.memory_space<hbm>>
      %dma_start3A_39 = tpu.memref_squeeze %dma_start3A_38 : memref<1x40x128xi32, #tpu.memory_space<hbm>> -> memref<40x128xi32, #tpu.memory_space<hbm>>
      tpu.enqueue_dma source(%dma_start3A_39 : memref<40x128xi32, #tpu.memory_space<hbm>>) target(%arg7 : memref<40x128xi32, #tpu.memory_space<vmem>>) target_semaphore(%run_scoped3A_32 : memref<!tpu.dma_semaphore, #tpu.memory_space<semaphore_mem>>)
      %dma_wait3A = arith.constant 0 : i32
      %dma_wait3A_40 = arith.constant 0 : i32
      %dma_wait3A_41 = tpu.memref_slice %arg4[%add3A, %dma_wait3A, %dma_wait3A_40] : memref<32x80x128xi32, #tpu.memory_space<hbm>> -> memref<1x40x128xi32, #tpu.memory_space<hbm>>
      %dma_wait3A_42 = tpu.memref_squeeze %dma_wait3A_41 : memref<1x40x128xi32, #tpu.memory_space<hbm>> -> memref<40x128xi32, #tpu.memory_space<hbm>>
      %dma_wait3A_43 = arith.constant 0 : i32
      %dma_wait3A_44 = arith.constant 0 : i32
      %dma_wait3A_45 = tpu.memref_slice %arg4[%add3A, %dma_wait3A_43, %dma_wait3A_44] : memref<32x80x128xi32, #tpu.memory_space<hbm>> -> memref<1x40x128xi32, #tpu.memory_space<hbm>>
      %dma_wait3A_46 = tpu.memref_squeeze %dma_wait3A_45 : memref<1x40x128xi32, #tpu.memory_space<hbm>> -> memref<40x128xi32, #tpu.memory_space<hbm>>
      tpu.wait_dma2 semaphore(%run_scoped3A_32 : memref<!tpu.dma_semaphore, #tpu.memory_space<semaphore_mem>>) src(%dma_wait3A_46 : memref<40x128xi32, #tpu.memory_space<hbm>>) dst(%arg7 : memref<40x128xi32, #tpu.memory_space<vmem>>)
      tpu.yield
    }) : () -> ()
    %scan3A_21 = arith.constant 0 : i32
    %scan3A_22 = arith.constant 20 : i32
    %scan3A_23 = arith.addi %scan3A_21, %scan3A_22 : i32
    %scan3A_24 = arith.constant 1 : i32
    scf.for %scan3A_32 = %scan3A_21 to %scan3A_23 step %scan3A_24  : i32 {
      %mul3A_33 = arith.constant 2 : i32
      %mul3A_34 = arith.muli %scan3A_32, %mul3A_33 : i32
      %add3A_35 = arith.constant 0 : i32
      %add3A_36 = arith.addi %mul3A_34, %add3A_35 : i32
      %dma_start3A = arith.constant 0 : i32
      %dma_start3A_37 = arith.constant 0 : i32
      %dma_start3A_38 = arith.constant 0 : i32
      %dma_start3A_39 = tpu.memref_slice %arg8[%dma_start3A, %dma_start3A_37, %dma_start3A_38] : memref<2x128x128xf32, #tpu.memory_space<vmem>> -> memref<1x128x128xf32, #tpu.memory_space<vmem>>
      %dma_start3A_40 = tpu.memref_squeeze %dma_start3A_39 : memref<1x128x128xf32, #tpu.memory_space<vmem>> -> memref<128x128xf32, #tpu.memory_space<vmem>>
      %dma_start3A_41 = arith.constant 0 : i32
      %dma_start3A_42 = tpu.memref_slice %arg6[%add3A_36, %dma_start3A_41] : memref<40x128xi32, #tpu.memory_space<vmem>> -> memref<1x128xi32, #tpu.memory_space<vmem>>
      %dma_start3A_43 = tpu.memref_squeeze %dma_start3A_42 : memref<1x128xi32, #tpu.memory_space<vmem>> -> memref<128xi32, #tpu.memory_space<vmem>>
      %dma_start3A_44 = arith.constant 0 : i32
      %dma_start3A_45 = arith.constant 0 : i32
      %dma_start3A_46 = tpu.memref_slice %arg2[%dma_start3A_44, %dma_start3A_45] : memref<10240x128xf32, #tpu.memory_space<hbm>> -> memref<10240x128xf32, #tpu.memory_space<hbm>>
      tpu.enqueue_indirect_dma source(%dma_start3A_46 : memref<10240x128xf32, #tpu.memory_space<hbm>>) target(%dma_start3A_40 : memref<128x128xf32, #tpu.memory_space<vmem>>) offsets(%dma_start3A_43 : memref<128xi32, #tpu.memory_space<vmem>>) semaphore(%arg10 : memref<!tpu.dma_semaphore, #tpu.memory_space<semaphore_mem>>)
      %mul3A_47 = arith.constant 2 : i32
      %mul3A_48 = arith.muli %scan3A_32, %mul3A_47 : i32
      %add3A_49 = arith.constant 1 : i32
      %add3A_50 = arith.addi %mul3A_48, %add3A_49 : i32
      %dma_start3A_51 = arith.constant 1 : i32
      %dma_start3A_52 = arith.constant 0 : i32
      %dma_start3A_53 = arith.constant 0 : i32
      %dma_start3A_54 = tpu.memref_slice %arg8[%dma_start3A_51, %dma_start3A_52, %dma_start3A_53] : memref<2x128x128xf32, #tpu.memory_space<vmem>> -> memref<1x128x128xf32, #tpu.memory_space<vmem>>
      %dma_start3A_55 = tpu.memref_squeeze %dma_start3A_54 : memref<1x128x128xf32, #tpu.memory_space<vmem>> -> memref<128x128xf32, #tpu.memory_space<vmem>>
      %dma_start3A_56 = arith.constant 0 : i32
      %dma_start3A_57 = tpu.memref_slice %arg6[%add3A_50, %dma_start3A_56] : memref<40x128xi32, #tpu.memory_space<vmem>> -> memref<1x128xi32, #tpu.memory_space<vmem>>
      %dma_start3A_58 = tpu.memref_squeeze %dma_start3A_57 : memref<1x128xi32, #tpu.memory_space<vmem>> -> memref<128xi32, #tpu.memory_space<vmem>>
      %dma_start3A_59 = arith.constant 0 : i32
      %dma_start3A_60 = arith.constant 0 : i32
      %dma_start3A_61 = tpu.memref_slice %arg2[%dma_start3A_59, %dma_start3A_60] : memref<10240x128xf32, #tpu.memory_space<hbm>> -> memref<10240x128xf32, #tpu.memory_space<hbm>>
      tpu.enqueue_indirect_dma source(%dma_start3A_61 : memref<10240x128xf32, #tpu.memory_space<hbm>>) target(%dma_start3A_55 : memref<128x128xf32, #tpu.memory_space<vmem>>) offsets(%dma_start3A_58 : memref<128xi32, #tpu.memory_space<vmem>>) semaphore(%arg11 : memref<!tpu.dma_semaphore, #tpu.memory_space<semaphore_mem>>)
      %dma_wait3A = arith.constant 0 : i32
      %dma_wait3A_62 = arith.constant 0 : i32
      %dma_wait3A_63 = arith.constant 0 : i32
      %dma_wait3A_64 = tpu.memref_slice %arg8[%dma_wait3A, %dma_wait3A_62, %dma_wait3A_63] : memref<2x128x128xf32, #tpu.memory_space<vmem>> -> memref<1x128x128xf32, #tpu.memory_space<vmem>>
      %dma_wait3A_65 = tpu.memref_squeeze %dma_wait3A_64 : memref<1x128x128xf32, #tpu.memory_space<vmem>> -> memref<128x128xf32, #tpu.memory_space<vmem>>
      %dma_wait3A_66 = arith.constant 0 : i32
      %dma_wait3A_67 = tpu.memref_slice %arg6[%add3A_36, %dma_wait3A_66] : memref<40x128xi32, #tpu.memory_space<vmem>> -> memref<1x128xi32, #tpu.memory_space<vmem>>
      %dma_wait3A_68 = tpu.memref_squeeze %dma_wait3A_67 : memref<1x128xi32, #tpu.memory_space<vmem>> -> memref<128xi32, #tpu.memory_space<vmem>>
      %dma_wait3A_69 = arith.constant 0 : i32
      %dma_wait3A_70 = arith.constant 0 : i32
      %dma_wait3A_71 = tpu.memref_slice %arg2[%dma_wait3A_69, %dma_wait3A_70] : memref<10240x128xf32, #tpu.memory_space<hbm>> -> memref<10240x128xf32, #tpu.memory_space<hbm>>
      tpu.wait_indirect_dma semaphore(%arg10 : memref<!tpu.dma_semaphore, #tpu.memory_space<semaphore_mem>>) src(%dma_wait3A_71 : memref<10240x128xf32, #tpu.memory_space<hbm>>) dst(%dma_wait3A_65 : memref<128x128xf32, #tpu.memory_space<vmem>>)
      %mul3A_72 = arith.constant 2 : i32
      %mul3A_73 = arith.muli %scan3A_32, %mul3A_72 : i32
      %add3A_74 = arith.constant 0 : i32
      %add3A_75 = arith.addi %mul3A_73, %add3A_74 : i32
      %run_scoped3A_76 = arith.constant 0 : i32
      "tpu.region"() ({
        %run_scoped3A_93 = tpu.sem_alloc : memref<!tpu.dma_semaphore, #tpu.memory_space<semaphore_mem>>
        %dma_start3A_94 = arith.constant 0 : i32
        %dma_start3A_95 = arith.constant 0 : i32
        %dma_start3A_96 = tpu.memref_slice %arg8[%run_scoped3A_76, %dma_start3A_94, %dma_start3A_95] : memref<2x128x128xf32, #tpu.memory_space<vmem>> -> memref<1x128x128xf32, #tpu.memory_space<vmem>>
        %dma_start3A_97 = tpu.memref_squeeze %dma_start3A_96 : memref<1x128x128xf32, #tpu.memory_space<vmem>> -> memref<128x128xf32, #tpu.memory_space<vmem>>
        %dma_start3A_98 = arith.constant 0 : i32
        %dma_start3A_99 = tpu.memref_slice %arg7[%add3A_75, %dma_start3A_98] : memref<40x128xi32, #tpu.memory_space<vmem>> -> memref<1x128xi32, #tpu.memory_space<vmem>>
        %dma_start3A_100 = tpu.memref_squeeze %dma_start3A_99 : memref<1x128xi32, #tpu.memory_space<vmem>> -> memref<128xi32, #tpu.memory_space<vmem>>
        %dma_start3A_101 = arith.constant 0 : i32
        %dma_start3A_102 = arith.constant 0 : i32
        %dma_start3A_103 = tpu.memref_slice %arg9[%dma_start3A_101, %dma_start3A_102] : memref<10240x128xf32, #tpu.memory_space<vmem_shared>> -> memref<10240x128xf32, #tpu.memory_space<vmem_shared>>
        tpu.enqueue_indirect_dma source(%dma_start3A_97 : memref<128x128xf32, #tpu.memory_space<vmem>>) target(%dma_start3A_103 : memref<10240x128xf32, #tpu.memory_space<vmem_shared>>) offsets(%dma_start3A_100 : memref<128xi32, #tpu.memory_space<vmem>>) semaphore(%run_scoped3A_93 : memref<!tpu.dma_semaphore, #tpu.memory_space<semaphore_mem>>) {add = true}
        %dma_wait3A_104 = arith.constant 0 : i32
        %dma_wait3A_105 = arith.constant 0 : i32
        %dma_wait3A_106 = tpu.memref_slice %arg8[%run_scoped3A_76, %dma_wait3A_104, %dma_wait3A_105] : memref<2x128x128xf32, #tpu.memory_space<vmem>> -> memref<1x128x128xf32, #tpu.memory_space<vmem>>
        %dma_wait3A_107 = tpu.memref_squeeze %dma_wait3A_106 : memref<1x128x128xf32, #tpu.memory_space<vmem>> -> memref<128x128xf32, #tpu.memory_space<vmem>>
        %dma_wait3A_108 = arith.constant 0 : i32
        %dma_wait3A_109 = tpu.memref_slice %arg7[%add3A_75, %dma_wait3A_108] : memref<40x128xi32, #tpu.memory_space<vmem>> -> memref<1x128xi32, #tpu.memory_space<vmem>>
        %dma_wait3A_110 = tpu.memref_squeeze %dma_wait3A_109 : memref<1x128xi32, #tpu.memory_space<vmem>> -> memref<128xi32, #tpu.memory_space<vmem>>
        %dma_wait3A_111 = arith.constant 0 : i32
        %dma_wait3A_112 = arith.constant 0 : i32
        %dma_wait3A_113 = tpu.memref_slice %arg9[%dma_wait3A_111, %dma_wait3A_112] : memref<10240x128xf32, #tpu.memory_space<vmem_shared>> -> memref<10240x128xf32, #tpu.memory_space<vmem_shared>>
        tpu.wait_indirect_dma semaphore(%run_scoped3A_93 : memref<!tpu.dma_semaphore, #tpu.memory_space<semaphore_mem>>) src(%dma_wait3A_107 : memref<128x128xf32, #tpu.memory_space<vmem>>) dst(%dma_wait3A_113 : memref<10240x128xf32, #tpu.memory_space<vmem_shared>>)
        tpu.yield
      }) : () -> ()
      %dma_wait3A_77 = arith.constant 1 : i32
      %dma_wait3A_78 = arith.constant 0 : i32
      %dma_wait3A_79 = arith.constant 0 : i32
      %dma_wait3A_80 = tpu.memref_slice %arg8[%dma_wait3A_77, %dma_wait3A_78, %dma_wait3A_79] : memref<2x128x128xf32, #tpu.memory_space<vmem>> -> memref<1x128x128xf32, #tpu.memory_space<vmem>>
      %dma_wait3A_81 = tpu.memref_squeeze %dma_wait3A_80 : memref<1x128x128xf32, #tpu.memory_space<vmem>> -> memref<128x128xf32, #tpu.memory_space<vmem>>
      %dma_wait3A_82 = arith.constant 0 : i32
      %dma_wait3A_83 = tpu.memref_slice %arg6[%add3A_50, %dma_wait3A_82] : memref<40x128xi32, #tpu.memory_space<vmem>> -> memref<1x128xi32, #tpu.memory_space<vmem>>
      %dma_wait3A_84 = tpu.memref_squeeze %dma_wait3A_83 : memref<1x128xi32, #tpu.memory_space<vmem>> -> memref<128xi32, #tpu.memory_space<vmem>>
      %dma_wait3A_85 = arith.constant 0 : i32
      %dma_wait3A_86 = arith.constant 0 : i32
      %dma_wait3A_87 = tpu.memref_slice %arg2[%dma_wait3A_85, %dma_wait3A_86] : memref<10240x128xf32, #tpu.memory_space<hbm>> -> memref<10240x128xf32, #tpu.memory_space<hbm>>
      tpu.wait_indirect_dma semaphore(%arg11 : memref<!tpu.dma_semaphore, #tpu.memory_space<semaphore_mem>>) src(%dma_wait3A_87 : memref<10240x128xf32, #tpu.memory_space<hbm>>) dst(%dma_wait3A_81 : memref<128x128xf32, #tpu.memory_space<vmem>>)
      %mul3A_88 = arith.constant 2 : i32
      %mul3A_89 = arith.muli %scan3A_32, %mul3A_88 : i32
      %add3A_90 = arith.constant 1 : i32
      %add3A_91 = arith.addi %mul3A_89, %add3A_90 : i32
      %run_scoped3A_92 = arith.constant 1 : i32
      "tpu.region"() ({
        %run_scoped3A_93 = tpu.sem_alloc : memref<!tpu.dma_semaphore, #tpu.memory_space<semaphore_mem>>
        %dma_start3A_94 = arith.constant 0 : i32
        %dma_start3A_95 = arith.constant 0 : i32
        %dma_start3A_96 = tpu.memref_slice %arg8[%run_scoped3A_92, %dma_start3A_94, %dma_start3A_95] : memref<2x128x128xf32, #tpu.memory_space<vmem>> -> memref<1x128x128xf32, #tpu.memory_space<vmem>>
        %dma_start3A_97 = tpu.memref_squeeze %dma_start3A_96 : memref<1x128x128xf32, #tpu.memory_space<vmem>> -> memref<128x128xf32, #tpu.memory_space<vmem>>
        %dma_start3A_98 = arith.constant 0 : i32
        %dma_start3A_99 = tpu.memref_slice %arg7[%add3A_91, %dma_start3A_98] : memref<40x128xi32, #tpu.memory_space<vmem>> -> memref<1x128xi32, #tpu.memory_space<vmem>>
        %dma_start3A_100 = tpu.memref_squeeze %dma_start3A_99 : memref<1x128xi32, #tpu.memory_space<vmem>> -> memref<128xi32, #tpu.memory_space<vmem>>
        %dma_start3A_101 = arith.constant 0 : i32
        %dma_start3A_102 = arith.constant 0 : i32
        %dma_start3A_103 = tpu.memref_slice %arg9[%dma_start3A_101, %dma_start3A_102] : memref<10240x128xf32, #tpu.memory_space<vmem_shared>> -> memref<10240x128xf32, #tpu.memory_space<vmem_shared>>
        tpu.enqueue_indirect_dma source(%dma_start3A_97 : memref<128x128xf32, #tpu.memory_space<vmem>>) target(%dma_start3A_103 : memref<10240x128xf32, #tpu.memory_space<vmem_shared>>) offsets(%dma_start3A_100 : memref<128xi32, #tpu.memory_space<vmem>>) semaphore(%run_scoped3A_93 : memref<!tpu.dma_semaphore, #tpu.memory_space<semaphore_mem>>) {add = true}
        %dma_wait3A_104 = arith.constant 0 : i32
        %dma_wait3A_105 = arith.constant 0 : i32
        %dma_wait3A_106 = tpu.memref_slice %arg8[%run_scoped3A_92, %dma_wait3A_104, %dma_wait3A_105] : memref<2x128x128xf32, #tpu.memory_space<vmem>> -> memref<1x128x128xf32, #tpu.memory_space<vmem>>
        %dma_wait3A_107 = tpu.memref_squeeze %dma_wait3A_106 : memref<1x128x128xf32, #tpu.memory_space<vmem>> -> memref<128x128xf32, #tpu.memory_space<vmem>>
        %dma_wait3A_108 = arith.constant 0 : i32
        %dma_wait3A_109 = tpu.memref_slice %arg7[%add3A_91, %dma_wait3A_108] : memref<40x128xi32, #tpu.memory_space<vmem>> -> memref<1x128xi32, #tpu.memory_space<vmem>>
        %dma_wait3A_110 = tpu.memref_squeeze %dma_wait3A_109 : memref<1x128xi32, #tpu.memory_space<vmem>> -> memref<128xi32, #tpu.memory_space<vmem>>
        %dma_wait3A_111 = arith.constant 0 : i32
        %dma_wait3A_112 = arith.constant 0 : i32
        %dma_wait3A_113 = tpu.memref_slice %arg9[%dma_wait3A_111, %dma_wait3A_112] : memref<10240x128xf32, #tpu.memory_space<vmem_shared>> -> memref<10240x128xf32, #tpu.memory_space<vmem_shared>>
        tpu.wait_indirect_dma semaphore(%run_scoped3A_93 : memref<!tpu.dma_semaphore, #tpu.memory_space<semaphore_mem>>) src(%dma_wait3A_107 : memref<128x128xf32, #tpu.memory_space<vmem>>) dst(%dma_wait3A_113 : memref<10240x128xf32, #tpu.memory_space<vmem_shared>>)
        tpu.yield
      }) : () -> ()
    }
    %scan3A_25 = arith.constant 20 : i32
    "tpu.region"() ({
      %run_scoped3A_32 = tpu.sem_alloc : memref<!tpu.dma_semaphore, #tpu.memory_space<semaphore_mem>>
      %dma_start3A = arith.constant 40 : i32
      %dma_start3A_33 = arith.constant 0 : i32
      %dma_start3A_34 = tpu.memref_slice %arg3[%add3A, %dma_start3A, %dma_start3A_33] : memref<32x80x128xi32, #tpu.memory_space<hbm>> -> memref<1x40x128xi32, #tpu.memory_space<hbm>>
      %dma_start3A_35 = tpu.memref_squeeze %dma_start3A_34 : memref<1x40x128xi32, #tpu.memory_space<hbm>> -> memref<40x128xi32, #tpu.memory_space<hbm>>
      %dma_start3A_36 = arith.constant 40 : i32
      %dma_start3A_37 = arith.constant 0 : i32
      %dma_start3A_38 = tpu.memref_slice %arg3[%add3A, %dma_start3A_36, %dma_start3A_37] : memref<32x80x128xi32, #tpu.memory_space<hbm>> -> memref<1x40x128xi32, #tpu.memory_space<hbm>>
      %dma_start3A_39 = tpu.memref_squeeze %dma_start3A_38 : memref<1x40x128xi32, #tpu.memory_space<hbm>> -> memref<40x128xi32, #tpu.memory_space<hbm>>
      tpu.enqueue_dma source(%dma_start3A_39 : memref<40x128xi32, #tpu.memory_space<hbm>>) target(%arg6 : memref<40x128xi32, #tpu.memory_space<vmem>>) target_semaphore(%run_scoped3A_32 : memref<!tpu.dma_semaphore, #tpu.memory_space<semaphore_mem>>)
      %dma_wait3A = arith.constant 40 : i32
      %dma_wait3A_40 = arith.constant 0 : i32
      %dma_wait3A_41 = tpu.memref_slice %arg3[%add3A, %dma_wait3A, %dma_wait3A_40] : memref<32x80x128xi32, #tpu.memory_space<hbm>> -> memref<1x40x128xi32, #tpu.memory_space<hbm>>
      %dma_wait3A_42 = tpu.memref_squeeze %dma_wait3A_41 : memref<1x40x128xi32, #tpu.memory_space<hbm>> -> memref<40x128xi32, #tpu.memory_space<hbm>>
      %dma_wait3A_43 = arith.constant 40 : i32
      %dma_wait3A_44 = arith.constant 0 : i32
      %dma_wait3A_45 = tpu.memref_slice %arg3[%add3A, %dma_wait3A_43, %dma_wait3A_44] : memref<32x80x128xi32, #tpu.memory_space<hbm>> -> memref<1x40x128xi32, #tpu.memory_space<hbm>>
      %dma_wait3A_46 = tpu.memref_squeeze %dma_wait3A_45 : memref<1x40x128xi32, #tpu.memory_space<hbm>> -> memref<40x128xi32, #tpu.memory_space<hbm>>
      tpu.wait_dma2 semaphore(%run_scoped3A_32 : memref<!tpu.dma_semaphore, #tpu.memory_space<semaphore_mem>>) src(%dma_wait3A_46 : memref<40x128xi32, #tpu.memory_space<hbm>>) dst(%arg6 : memref<40x128xi32, #tpu.memory_space<vmem>>)
      tpu.yield
    }) : () -> ()
    "tpu.region"() ({
      %run_scoped3A_32 = tpu.sem_alloc : memref<!tpu.dma_semaphore, #tpu.memory_space<semaphore_mem>>
      %dma_start3A = arith.constant 40 : i32
      %dma_start3A_33 = arith.constant 0 : i32
      %dma_start3A_34 = tpu.memref_slice %arg4[%add3A, %dma_start3A, %dma_start3A_33] : memref<32x80x128xi32, #tpu.memory_space<hbm>> -> memref<1x40x128xi32, #tpu.memory_space<hbm>>
      %dma_start3A_35 = tpu.memref_squeeze %dma_start3A_34 : memref<1x40x128xi32, #tpu.memory_space<hbm>> -> memref<40x128xi32, #tpu.memory_space<hbm>>
      %dma_start3A_36 = arith.constant 40 : i32
      %dma_start3A_37 = arith.constant 0 : i32
      %dma_start3A_38 = tpu.memref_slice %arg4[%add3A, %dma_start3A_36, %dma_start3A_37] : memref<32x80x128xi32, #tpu.memory_space<hbm>> -> memref<1x40x128xi32, #tpu.memory_space<hbm>>
      %dma_start3A_39 = tpu.memref_squeeze %dma_start3A_38 : memref<1x40x128xi32, #tpu.memory_space<hbm>> -> memref<40x128xi32, #tpu.memory_space<hbm>>
      tpu.enqueue_dma source(%dma_start3A_39 : memref<40x128xi32, #tpu.memory_space<hbm>>) target(%arg7 : memref<40x128xi32, #tpu.memory_space<vmem>>) target_semaphore(%run_scoped3A_32 : memref<!tpu.dma_semaphore, #tpu.memory_space<semaphore_mem>>)
      %dma_wait3A = arith.constant 40 : i32
      %dma_wait3A_40 = arith.constant 0 : i32
      %dma_wait3A_41 = tpu.memref_slice %arg4[%add3A, %dma_wait3A, %dma_wait3A_40] : memref<32x80x128xi32, #tpu.memory_space<hbm>> -> memref<1x40x128xi32, #tpu.memory_space<hbm>>
      %dma_wait3A_42 = tpu.memref_squeeze %dma_wait3A_41 : memref<1x40x128xi32, #tpu.memory_space<hbm>> -> memref<40x128xi32, #tpu.memory_space<hbm>>
      %dma_wait3A_43 = arith.constant 40 : i32
      %dma_wait3A_44 = arith.constant 0 : i32
      %dma_wait3A_45 = tpu.memref_slice %arg4[%add3A, %dma_wait3A_43, %dma_wait3A_44] : memref<32x80x128xi32, #tpu.memory_space<hbm>> -> memref<1x40x128xi32, #tpu.memory_space<hbm>>
      %dma_wait3A_46 = tpu.memref_squeeze %dma_wait3A_45 : memref<1x40x128xi32, #tpu.memory_space<hbm>> -> memref<40x128xi32, #tpu.memory_space<hbm>>
      tpu.wait_dma2 semaphore(%run_scoped3A_32 : memref<!tpu.dma_semaphore, #tpu.memory_space<semaphore_mem>>) src(%dma_wait3A_46 : memref<40x128xi32, #tpu.memory_space<hbm>>) dst(%arg7 : memref<40x128xi32, #tpu.memory_space<vmem>>)
      tpu.yield
    }) : () -> ()
    %scan3A_26 = arith.constant 0 : i32
    %scan3A_27 = arith.constant 20 : i32
    %scan3A_28 = arith.addi %scan3A_26, %scan3A_27 : i32
    %scan3A_29 = arith.constant 1 : i32
    scf.for %scan3A_32 = %scan3A_26 to %scan3A_28 step %scan3A_29  : i32 {
      %mul3A_33 = arith.constant 2 : i32
      %mul3A_34 = arith.muli %scan3A_32, %mul3A_33 : i32
      %add3A_35 = arith.constant 0 : i32
      %add3A_36 = arith.addi %mul3A_34, %add3A_35 : i32
      %dma_start3A = arith.constant 0 : i32
      %dma_start3A_37 = arith.constant 0 : i32
      %dma_start3A_38 = arith.constant 0 : i32
      %dma_start3A_39 = tpu.memref_slice %arg8[%dma_start3A, %dma_start3A_37, %dma_start3A_38] : memref<2x128x128xf32, #tpu.memory_space<vmem>> -> memref<1x128x128xf32, #tpu.memory_space<vmem>>
      %dma_start3A_40 = tpu.memref_squeeze %dma_start3A_39 : memref<1x128x128xf32, #tpu.memory_space<vmem>> -> memref<128x128xf32, #tpu.memory_space<vmem>>
      %dma_start3A_41 = arith.constant 0 : i32
      %dma_start3A_42 = tpu.memref_slice %arg6[%add3A_36, %dma_start3A_41] : memref<40x128xi32, #tpu.memory_space<vmem>> -> memref<1x128xi32, #tpu.memory_space<vmem>>
      %dma_start3A_43 = tpu.memref_squeeze %dma_start3A_42 : memref<1x128xi32, #tpu.memory_space<vmem>> -> memref<128xi32, #tpu.memory_space<vmem>>
      %dma_start3A_44 = arith.constant 0 : i32
      %dma_start3A_45 = arith.constant 0 : i32
      %dma_start3A_46 = tpu.memref_slice %arg2[%dma_start3A_44, %dma_start3A_45] : memref<10240x128xf32, #tpu.memory_space<hbm>> -> memref<10240x128xf32, #tpu.memory_space<hbm>>
      tpu.enqueue_indirect_dma source(%dma_start3A_46 : memref<10240x128xf32, #tpu.memory_space<hbm>>) target(%dma_start3A_40 : memref<128x128xf32, #tpu.memory_space<vmem>>) offsets(%dma_start3A_43 : memref<128xi32, #tpu.memory_space<vmem>>) semaphore(%arg10 : memref<!tpu.dma_semaphore, #tpu.memory_space<semaphore_mem>>)
      %mul3A_47 = arith.constant 2 : i32
      %mul3A_48 = arith.muli %scan3A_32, %mul3A_47 : i32
      %add3A_49 = arith.constant 1 : i32
      %add3A_50 = arith.addi %mul3A_48, %add3A_49 : i32
      %dma_start3A_51 = arith.constant 1 : i32
      %dma_start3A_52 = arith.constant 0 : i32
      %dma_start3A_53 = arith.constant 0 : i32
      %dma_start3A_54 = tpu.memref_slice %arg8[%dma_start3A_51, %dma_start3A_52, %dma_start3A_53] : memref<2x128x128xf32, #tpu.memory_space<vmem>> -> memref<1x128x128xf32, #tpu.memory_space<vmem>>
      %dma_start3A_55 = tpu.memref_squeeze %dma_start3A_54 : memref<1x128x128xf32, #tpu.memory_space<vmem>> -> memref<128x128xf32, #tpu.memory_space<vmem>>
      %dma_start3A_56 = arith.constant 0 : i32
      %dma_start3A_57 = tpu.memref_slice %arg6[%add3A_50, %dma_start3A_56] : memref<40x128xi32, #tpu.memory_space<vmem>> -> memref<1x128xi32, #tpu.memory_space<vmem>>
      %dma_start3A_58 = tpu.memref_squeeze %dma_start3A_57 : memref<1x128xi32, #tpu.memory_space<vmem>> -> memref<128xi32, #tpu.memory_space<vmem>>
      %dma_start3A_59 = arith.constant 0 : i32
      %dma_start3A_60 = arith.constant 0 : i32
      %dma_start3A_61 = tpu.memref_slice %arg2[%dma_start3A_59, %dma_start3A_60] : memref<10240x128xf32, #tpu.memory_space<hbm>> -> memref<10240x128xf32, #tpu.memory_space<hbm>>
      tpu.enqueue_indirect_dma source(%dma_start3A_61 : memref<10240x128xf32, #tpu.memory_space<hbm>>) target(%dma_start3A_55 : memref<128x128xf32, #tpu.memory_space<vmem>>) offsets(%dma_start3A_58 : memref<128xi32, #tpu.memory_space<vmem>>) semaphore(%arg11 : memref<!tpu.dma_semaphore, #tpu.memory_space<semaphore_mem>>)
      %dma_wait3A = arith.constant 0 : i32
      %dma_wait3A_62 = arith.constant 0 : i32
      %dma_wait3A_63 = arith.constant 0 : i32
      %dma_wait3A_64 = tpu.memref_slice %arg8[%dma_wait3A, %dma_wait3A_62, %dma_wait3A_63] : memref<2x128x128xf32, #tpu.memory_space<vmem>> -> memref<1x128x128xf32, #tpu.memory_space<vmem>>
      %dma_wait3A_65 = tpu.memref_squeeze %dma_wait3A_64 : memref<1x128x128xf32, #tpu.memory_space<vmem>> -> memref<128x128xf32, #tpu.memory_space<vmem>>
      %dma_wait3A_66 = arith.constant 0 : i32
      %dma_wait3A_67 = tpu.memref_slice %arg6[%add3A_36, %dma_wait3A_66] : memref<40x128xi32, #tpu.memory_space<vmem>> -> memref<1x128xi32, #tpu.memory_space<vmem>>
      %dma_wait3A_68 = tpu.memref_squeeze %dma_wait3A_67 : memref<1x128xi32, #tpu.memory_space<vmem>> -> memref<128xi32, #tpu.memory_space<vmem>>
      %dma_wait3A_69 = arith.constant 0 : i32
      %dma_wait3A_70 = arith.constant 0 : i32
      %dma_wait3A_71 = tpu.memref_slice %arg2[%dma_wait3A_69, %dma_wait3A_70] : memref<10240x128xf32, #tpu.memory_space<hbm>> -> memref<10240x128xf32, #tpu.memory_space<hbm>>
      tpu.wait_indirect_dma semaphore(%arg10 : memref<!tpu.dma_semaphore, #tpu.memory_space<semaphore_mem>>) src(%dma_wait3A_71 : memref<10240x128xf32, #tpu.memory_space<hbm>>) dst(%dma_wait3A_65 : memref<128x128xf32, #tpu.memory_space<vmem>>)
      %mul3A_72 = arith.constant 2 : i32
      %mul3A_73 = arith.muli %scan3A_32, %mul3A_72 : i32
      %add3A_74 = arith.constant 0 : i32
      %add3A_75 = arith.addi %mul3A_73, %add3A_74 : i32
      %run_scoped3A_76 = arith.constant 0 : i32
      "tpu.region"() ({
        %run_scoped3A_93 = tpu.sem_alloc : memref<!tpu.dma_semaphore, #tpu.memory_space<semaphore_mem>>
        %dma_start3A_94 = arith.constant 0 : i32
        %dma_start3A_95 = arith.constant 0 : i32
        %dma_start3A_96 = tpu.memref_slice %arg8[%run_scoped3A_76, %dma_start3A_94, %dma_start3A_95] : memref<2x128x128xf32, #tpu.memory_space<vmem>> -> memref<1x128x128xf32, #tpu.memory_space<vmem>>
        %dma_start3A_97 = tpu.memref_squeeze %dma_start3A_96 : memref<1x128x128xf32, #tpu.memory_space<vmem>> -> memref<128x128xf32, #tpu.memory_space<vmem>>
        %dma_start3A_98 = arith.constant 0 : i32
        %dma_start3A_99 = tpu.memref_slice %arg7[%add3A_75, %dma_start3A_98] : memref<40x128xi32, #tpu.memory_space<vmem>> -> memref<1x128xi32, #tpu.memory_space<vmem>>
        %dma_start3A_100 = tpu.memref_squeeze %dma_start3A_99 : memref<1x128xi32, #tpu.memory_space<vmem>> -> memref<128xi32, #tpu.memory_space<vmem>>
        %dma_start3A_101 = arith.constant 0 : i32
        %dma_start3A_102 = arith.constant 0 : i32
        %dma_start3A_103 = tpu.memref_slice %arg9[%dma_start3A_101, %dma_start3A_102] : memref<10240x128xf32, #tpu.memory_space<vmem_shared>> -> memref<10240x128xf32, #tpu.memory_space<vmem_shared>>
        tpu.enqueue_indirect_dma source(%dma_start3A_97 : memref<128x128xf32, #tpu.memory_space<vmem>>) target(%dma_start3A_103 : memref<10240x128xf32, #tpu.memory_space<vmem_shared>>) offsets(%dma_start3A_100 : memref<128xi32, #tpu.memory_space<vmem>>) semaphore(%run_scoped3A_93 : memref<!tpu.dma_semaphore, #tpu.memory_space<semaphore_mem>>) {add = true}
        %dma_wait3A_104 = arith.constant 0 : i32
        %dma_wait3A_105 = arith.constant 0 : i32
        %dma_wait3A_106 = tpu.memref_slice %arg8[%run_scoped3A_76, %dma_wait3A_104, %dma_wait3A_105] : memref<2x128x128xf32, #tpu.memory_space<vmem>> -> memref<1x128x128xf32, #tpu.memory_space<vmem>>
        %dma_wait3A_107 = tpu.memref_squeeze %dma_wait3A_106 : memref<1x128x128xf32, #tpu.memory_space<vmem>> -> memref<128x128xf32, #tpu.memory_space<vmem>>
        %dma_wait3A_108 = arith.constant 0 : i32
        %dma_wait3A_109 = tpu.memref_slice %arg7[%add3A_75, %dma_wait3A_108] : memref<40x128xi32, #tpu.memory_space<vmem>> -> memref<1x128xi32, #tpu.memory_space<vmem>>
        %dma_wait3A_110 = tpu.memref_squeeze %dma_wait3A_109 : memref<1x128xi32, #tpu.memory_space<vmem>> -> memref<128xi32, #tpu.memory_space<vmem>>
        %dma_wait3A_111 = arith.constant 0 : i32
        %dma_wait3A_112 = arith.constant 0 : i32
        %dma_wait3A_113 = tpu.memref_slice %arg9[%dma_wait3A_111, %dma_wait3A_112] : memref<10240x128xf32, #tpu.memory_space<vmem_shared>> -> memref<10240x128xf32, #tpu.memory_space<vmem_shared>>
        tpu.wait_indirect_dma semaphore(%run_scoped3A_93 : memref<!tpu.dma_semaphore, #tpu.memory_space<semaphore_mem>>) src(%dma_wait3A_107 : memref<128x128xf32, #tpu.memory_space<vmem>>) dst(%dma_wait3A_113 : memref<10240x128xf32, #tpu.memory_space<vmem_shared>>)
        tpu.yield
      }) : () -> ()
      %dma_wait3A_77 = arith.constant 1 : i32
      %dma_wait3A_78 = arith.constant 0 : i32
      %dma_wait3A_79 = arith.constant 0 : i32
      %dma_wait3A_80 = tpu.memref_slice %arg8[%dma_wait3A_77, %dma_wait3A_78, %dma_wait3A_79] : memref<2x128x128xf32, #tpu.memory_space<vmem>> -> memref<1x128x128xf32, #tpu.memory_space<vmem>>
      %dma_wait3A_81 = tpu.memref_squeeze %dma_wait3A_80 : memref<1x128x128xf32, #tpu.memory_space<vmem>> -> memref<128x128xf32, #tpu.memory_space<vmem>>
      %dma_wait3A_82 = arith.constant 0 : i32
      %dma_wait3A_83 = tpu.memref_slice %arg6[%add3A_50, %dma_wait3A_82] : memref<40x128xi32, #tpu.memory_space<vmem>> -> memref<1x128xi32, #tpu.memory_space<vmem>>
      %dma_wait3A_84 = tpu.memref_squeeze %dma_wait3A_83 : memref<1x128xi32, #tpu.memory_space<vmem>> -> memref<128xi32, #tpu.memory_space<vmem>>
      %dma_wait3A_85 = arith.constant 0 : i32
      %dma_wait3A_86 = arith.constant 0 : i32
      %dma_wait3A_87 = tpu.memref_slice %arg2[%dma_wait3A_85, %dma_wait3A_86] : memref<10240x128xf32, #tpu.memory_space<hbm>> -> memref<10240x128xf32, #tpu.memory_space<hbm>>
      tpu.wait_indirect_dma semaphore(%arg11 : memref<!tpu.dma_semaphore, #tpu.memory_space<semaphore_mem>>) src(%dma_wait3A_87 : memref<10240x128xf32, #tpu.memory_space<hbm>>) dst(%dma_wait3A_81 : memref<128x128xf32, #tpu.memory_space<vmem>>)
      %mul3A_88 = arith.constant 2 : i32
      %mul3A_89 = arith.muli %scan3A_32, %mul3A_88 : i32
      %add3A_90 = arith.constant 1 : i32
      %add3A_91 = arith.addi %mul3A_89, %add3A_90 : i32
      %run_scoped3A_92 = arith.constant 1 : i32
      "tpu.region"() ({
        %run_scoped3A_93 = tpu.sem_alloc : memref<!tpu.dma_semaphore, #tpu.memory_space<semaphore_mem>>
        %dma_start3A_94 = arith.constant 0 : i32
        %dma_start3A_95 = arith.constant 0 : i32
        %dma_start3A_96 = tpu.memref_slice %arg8[%run_scoped3A_92, %dma_start3A_94, %dma_start3A_95] : memref<2x128x128xf32, #tpu.memory_space<vmem>> -> memref<1x128x128xf32, #tpu.memory_space<vmem>>
        %dma_start3A_97 = tpu.memref_squeeze %dma_start3A_96 : memref<1x128x128xf32, #tpu.memory_space<vmem>> -> memref<128x128xf32, #tpu.memory_space<vmem>>
        %dma_start3A_98 = arith.constant 0 : i32
        %dma_start3A_99 = tpu.memref_slice %arg7[%add3A_91, %dma_start3A_98] : memref<40x128xi32, #tpu.memory_space<vmem>> -> memref<1x128xi32, #tpu.memory_space<vmem>>
        %dma_start3A_100 = tpu.memref_squeeze %dma_start3A_99 : memref<1x128xi32, #tpu.memory_space<vmem>> -> memref<128xi32, #tpu.memory_space<vmem>>
        %dma_start3A_101 = arith.constant 0 : i32
        %dma_start3A_102 = arith.constant 0 : i32
        %dma_start3A_103 = tpu.memref_slice %arg9[%dma_start3A_101, %dma_start3A_102] : memref<10240x128xf32, #tpu.memory_space<vmem_shared>> -> memref<10240x128xf32, #tpu.memory_space<vmem_shared>>
        tpu.enqueue_indirect_dma source(%dma_start3A_97 : memref<128x128xf32, #tpu.memory_space<vmem>>) target(%dma_start3A_103 : memref<10240x128xf32, #tpu.memory_space<vmem_shared>>) offsets(%dma_start3A_100 : memref<128xi32, #tpu.memory_space<vmem>>) semaphore(%run_scoped3A_93 : memref<!tpu.dma_semaphore, #tpu.memory_space<semaphore_mem>>) {add = true}
        %dma_wait3A_104 = arith.constant 0 : i32
        %dma_wait3A_105 = arith.constant 0 : i32
        %dma_wait3A_106 = tpu.memref_slice %arg8[%run_scoped3A_92, %dma_wait3A_104, %dma_wait3A_105] : memref<2x128x128xf32, #tpu.memory_space<vmem>> -> memref<1x128x128xf32, #tpu.memory_space<vmem>>
        %dma_wait3A_107 = tpu.memref_squeeze %dma_wait3A_106 : memref<1x128x128xf32, #tpu.memory_space<vmem>> -> memref<128x128xf32, #tpu.memory_space<vmem>>
        %dma_wait3A_108 = arith.constant 0 : i32
        %dma_wait3A_109 = tpu.memref_slice %arg7[%add3A_91, %dma_wait3A_108] : memref<40x128xi32, #tpu.memory_space<vmem>> -> memref<1x128xi32, #tpu.memory_space<vmem>>
        %dma_wait3A_110 = tpu.memref_squeeze %dma_wait3A_109 : memref<1x128xi32, #tpu.memory_space<vmem>> -> memref<128xi32, #tpu.memory_space<vmem>>
        %dma_wait3A_111 = arith.constant 0 : i32
        %dma_wait3A_112 = arith.constant 0 : i32
        %dma_wait3A_113 = tpu.memref_slice %arg9[%dma_wait3A_111, %dma_wait3A_112] : memref<10240x128xf32, #tpu.memory_space<vmem_shared>> -> memref<10240x128xf32, #tpu.memory_space<vmem_shared>>
        tpu.wait_indirect_dma semaphore(%run_scoped3A_93 : memref<!tpu.dma_semaphore, #tpu.memory_space<semaphore_mem>>) src(%dma_wait3A_107 : memref<128x128xf32, #tpu.memory_space<vmem>>) dst(%dma_wait3A_113 : memref<10240x128xf32, #tpu.memory_space<vmem_shared>>)
        tpu.yield
      }) : () -> ()
    }
    %scan3A_30 = arith.constant 20 : i32
    %barrier3A_31 = arith.constant 0 : index
    tpu.barrier barrier_id(%barrier3A_31)
    "tpu.region"() ({
      %run_scoped3A_32 = tpu.sem_alloc : memref<!tpu.dma_semaphore, #tpu.memory_space<semaphore_mem>>
      %dma_start3A = arith.constant 0 : i32
      %dma_start3A_33 = tpu.memref_slice %arg5[%arg0, %mul3A_6, %dma_start3A] : memref<2x10240x128xf32, #tpu.memory_space<hbm>> -> memref<1x640x128xf32, #tpu.memory_space<hbm>>
      %dma_start3A_34 = tpu.memref_squeeze %dma_start3A_33 : memref<1x640x128xf32, #tpu.memory_space<hbm>> -> memref<640x128xf32, #tpu.memory_space<hbm>>
      %dma_start3A_35 = arith.constant 0 : i32
      %dma_start3A_36 = tpu.memref_slice %arg9[%mul3A_6, %dma_start3A_35] : memref<10240x128xf32, #tpu.memory_space<vmem_shared>> -> memref<640x128xf32, #tpu.memory_space<vmem_shared>>
      tpu.enqueue_dma source(%dma_start3A_36 : memref<640x128xf32, #tpu.memory_space<vmem_shared>>) target(%dma_start3A_34 : memref<640x128xf32, #tpu.memory_space<hbm>>) target_semaphore(%run_scoped3A_32 : memref<!tpu.dma_semaphore, #tpu.memory_space<semaphore_mem>>)
      %dma_wait3A = arith.constant 0 : i32
      %dma_wait3A_37 = tpu.memref_slice %arg5[%arg0, %mul3A_6, %dma_wait3A] : memref<2x10240x128xf32, #tpu.memory_space<hbm>> -> memref<1x640x128xf32, #tpu.memory_space<hbm>>
      %dma_wait3A_38 = tpu.memref_squeeze %dma_wait3A_37 : memref<1x640x128xf32, #tpu.memory_space<hbm>> -> memref<640x128xf32, #tpu.memory_space<hbm>>
      %dma_wait3A_39 = arith.constant 0 : i32
      %dma_wait3A_40 = tpu.memref_slice %arg9[%mul3A_6, %dma_wait3A_39] : memref<10240x128xf32, #tpu.memory_space<vmem_shared>> -> memref<640x128xf32, #tpu.memory_space<vmem_shared>>
      tpu.wait_dma2 semaphore(%run_scoped3A_32 : memref<!tpu.dma_semaphore, #tpu.memory_space<semaphore_mem>>) src(%dma_wait3A_40 : memref<640x128xf32, #tpu.memory_space<vmem_shared>>) dst(%dma_wait3A_38 : memref<640x128xf32, #tpu.memory_space<hbm>>)
      tpu.yield
    }) : () -> ()
    return
  }
}

#map = affine_map<(d0, d1) -> (0, 0, 0)>
module attributes {stable_mosaic.version = 14 : i64} {
  func.func @_deg_kernel(%arg0: i32, %arg1: i32, %arg2: memref<32x80x128xi32, #tpu.memory_space<hbm>>, %arg3: memref<2x10240x128xf32, #tpu.memory_space<hbm>>, %arg4: memref<80x128xi32, #tpu.memory_space<vmem>>, %arg5: memref<128x128xf32, #tpu.memory_space<vmem>>, %arg6: memref<10240x128xf32, #tpu.memory_space<vmem_shared>>) attributes {dimension_semantics = [#tpu.dimension_semantics<core_parallel>, #tpu.dimension_semantics<subcore_parallel>], iteration_bounds = array<i64: 2, 16>, scalar_prefetch = 0 : i64, scratch_operands = 3 : i64, tpu.core_type = #tpu.core_type<sc_vector_subcore>, window_params = [{transform_indices = #map}, {transform_indices = #map}]} {
    %mul3A = arith.constant 2 : i32
    %mul3A_0 = arith.muli %arg1, %mul3A : i32
    %add3A = arith.addi %mul3A_0, %arg0 : i32
    %scan3A = arith.constant 0 : i32
    %scan3A_1 = arith.constant 128 : i32
    %scan3A_2 = arith.addi %scan3A, %scan3A_1 : i32
    %scan3A_3 = arith.constant 1 : i32
    scf.for %scan3A_28 = %scan3A to %scan3A_2 step %scan3A_3  : i32 {
      %scan3A_29 = arith.constant 0 : i32
      %scan3A_30 = arith.constant 8 : i32
      %scan3A_31 = arith.addi %scan3A_29, %scan3A_30 : i32
      %scan3A_32 = arith.constant 1 : i32
      scf.for %scan3A_34 = %scan3A_29 to %scan3A_31 step %scan3A_32  : i32 {
        %broadcast_in_dim3A = arith.constant 0.000000e+00 : f32
        %broadcast_in_dim3A_35 = vector.broadcast %broadcast_in_dim3A : f32 to vector<16xf32>
        %mul3A_36 = arith.constant 16 : i32
        %mul3A_37 = arith.muli %scan3A_34, %mul3A_36 : i32
        %swap3A = arith.index_cast %scan3A_28 : i32 to index
        %swap3A_38 = arith.index_cast %mul3A_37 : i32 to index
        %swap3A_39 = tpu.vector_load %arg5[%swap3A, %swap3A_38] {strides = array<i32>} : memref<128x128xf32, #tpu.memory_space<vmem>>, vector<1x16xf32>,
        %swap3A_40 = vector.shape_cast %swap3A_39 : vector<1x16xf32> to vector<16xf32>
        %swap3A_41 = vector.shape_cast %broadcast_in_dim3A_35 : vector<16xf32> to vector<1x16xf32>
        tpu.vector_store %arg5[%swap3A, %swap3A_38], %swap3A_41 {strides = array<i32>} : memref<128x128xf32, #tpu.memory_space<vmem>>, vector<1x16xf32>,
      }
      %scan3A_33 = arith.constant 8 : i32
    }
    %scan3A_4 = arith.constant 128 : i32
    %mul3A_5 = arith.constant 640 : i32
    %mul3A_6 = arith.muli %arg1, %mul3A_5 : i32
    %add3A_7 = arith.constant 0 : i32
    %add3A_8 = arith.addi %mul3A_6, %add3A_7 : i32
    "tpu.region"() ({
      %run_scoped3A = tpu.sem_alloc : memref<!tpu.dma_semaphore, #tpu.memory_space<semaphore_mem>>
      %dma_start3A = arith.constant 0 : i32
      %dma_start3A_28 = tpu.memref_slice %arg6[%add3A_8, %dma_start3A] : memref<10240x128xf32, #tpu.memory_space<vmem_shared>> -> memref<128x128xf32, #tpu.memory_space<vmem_shared>>
      %dma_start3A_29 = arith.constant 0 : i32
      %dma_start3A_30 = tpu.memref_slice %arg6[%add3A_8, %dma_start3A_29] : memref<10240x128xf32, #tpu.memory_space<vmem_shared>> -> memref<128x128xf32, #tpu.memory_space<vmem_shared>>
      tpu.enqueue_dma source(%arg5 : memref<128x128xf32, #tpu.memory_space<vmem>>) target(%dma_start3A_30 : memref<128x128xf32, #tpu.memory_space<vmem_shared>>) target_semaphore(%run_scoped3A : memref<!tpu.dma_semaphore, #tpu.memory_space<semaphore_mem>>)
      %dma_wait3A = arith.constant 0 : i32
      %dma_wait3A_31 = tpu.memref_slice %arg6[%add3A_8, %dma_wait3A] : memref<10240x128xf32, #tpu.memory_space<vmem_shared>> -> memref<128x128xf32, #tpu.memory_space<vmem_shared>>
      %dma_wait3A_32 = arith.constant 0 : i32
      %dma_wait3A_33 = tpu.memref_slice %arg6[%add3A_8, %dma_wait3A_32] : memref<10240x128xf32, #tpu.memory_space<vmem_shared>> -> memref<128x128xf32, #tpu.memory_space<vmem_shared>>
      tpu.wait_dma2 semaphore(%run_scoped3A : memref<!tpu.dma_semaphore, #tpu.memory_space<semaphore_mem>>) src(%arg5 : memref<128x128xf32, #tpu.memory_space<vmem>>) dst(%dma_wait3A_33 : memref<128x128xf32, #tpu.memory_space<vmem_shared>>)
      tpu.yield
    }) : () -> ()
    %add3A_9 = arith.constant 128 : i32
    %add3A_10 = arith.addi %mul3A_6, %add3A_9 : i32
    "tpu.region"() ({
      %run_scoped3A = tpu.sem_alloc : memref<!tpu.dma_semaphore, #tpu.memory_space<semaphore_mem>>
      %dma_start3A = arith.constant 0 : i32
      %dma_start3A_28 = tpu.memref_slice %arg6[%add3A_10, %dma_start3A] : memref<10240x128xf32, #tpu.memory_space<vmem_shared>> -> memref<128x128xf32, #tpu.memory_space<vmem_shared>>
      %dma_start3A_29 = arith.constant 0 : i32
      %dma_start3A_30 = tpu.memref_slice %arg6[%add3A_10, %dma_start3A_29] : memref<10240x128xf32, #tpu.memory_space<vmem_shared>> -> memref<128x128xf32, #tpu.memory_space<vmem_shared>>
      tpu.enqueue_dma source(%arg5 : memref<128x128xf32, #tpu.memory_space<vmem>>) target(%dma_start3A_30 : memref<128x128xf32, #tpu.memory_space<vmem_shared>>) target_semaphore(%run_scoped3A : memref<!tpu.dma_semaphore, #tpu.memory_space<semaphore_mem>>)
      %dma_wait3A = arith.constant 0 : i32
      %dma_wait3A_31 = tpu.memref_slice %arg6[%add3A_10, %dma_wait3A] : memref<10240x128xf32, #tpu.memory_space<vmem_shared>> -> memref<128x128xf32, #tpu.memory_space<vmem_shared>>
      %dma_wait3A_32 = arith.constant 0 : i32
      %dma_wait3A_33 = tpu.memref_slice %arg6[%add3A_10, %dma_wait3A_32] : memref<10240x128xf32, #tpu.memory_space<vmem_shared>> -> memref<128x128xf32, #tpu.memory_space<vmem_shared>>
      tpu.wait_dma2 semaphore(%run_scoped3A : memref<!tpu.dma_semaphore, #tpu.memory_space<semaphore_mem>>) src(%arg5 : memref<128x128xf32, #tpu.memory_space<vmem>>) dst(%dma_wait3A_33 : memref<128x128xf32, #tpu.memory_space<vmem_shared>>)
      tpu.yield
    }) : () -> ()
    %add3A_11 = arith.constant 256 : i32
    %add3A_12 = arith.addi %mul3A_6, %add3A_11 : i32
    "tpu.region"() ({
      %run_scoped3A = tpu.sem_alloc : memref<!tpu.dma_semaphore, #tpu.memory_space<semaphore_mem>>
      %dma_start3A = arith.constant 0 : i32
      %dma_start3A_28 = tpu.memref_slice %arg6[%add3A_12, %dma_start3A] : memref<10240x128xf32, #tpu.memory_space<vmem_shared>> -> memref<128x128xf32, #tpu.memory_space<vmem_shared>>
      %dma_start3A_29 = arith.constant 0 : i32
      %dma_start3A_30 = tpu.memref_slice %arg6[%add3A_12, %dma_start3A_29] : memref<10240x128xf32, #tpu.memory_space<vmem_shared>> -> memref<128x128xf32, #tpu.memory_space<vmem_shared>>
      tpu.enqueue_dma source(%arg5 : memref<128x128xf32, #tpu.memory_space<vmem>>) target(%dma_start3A_30 : memref<128x128xf32, #tpu.memory_space<vmem_shared>>) target_semaphore(%run_scoped3A : memref<!tpu.dma_semaphore, #tpu.memory_space<semaphore_mem>>)
      %dma_wait3A = arith.constant 0 : i32
      %dma_wait3A_31 = tpu.memref_slice %arg6[%add3A_12, %dma_wait3A] : memref<10240x128xf32, #tpu.memory_space<vmem_shared>> -> memref<128x128xf32, #tpu.memory_space<vmem_shared>>
      %dma_wait3A_32 = arith.constant 0 : i32
      %dma_wait3A_33 = tpu.memref_slice %arg6[%add3A_12, %dma_wait3A_32] : memref<10240x128xf32, #tpu.memory_space<vmem_shared>> -> memref<128x128xf32, #tpu.memory_space<vmem_shared>>
      tpu.wait_dma2 semaphore(%run_scoped3A : memref<!tpu.dma_semaphore, #tpu.memory_space<semaphore_mem>>) src(%arg5 : memref<128x128xf32, #tpu.memory_space<vmem>>) dst(%dma_wait3A_33 : memref<128x128xf32, #tpu.memory_space<vmem_shared>>)
      tpu.yield
    }) : () -> ()
    %add3A_13 = arith.constant 384 : i32
    %add3A_14 = arith.addi %mul3A_6, %add3A_13 : i32
    "tpu.region"() ({
      %run_scoped3A = tpu.sem_alloc : memref<!tpu.dma_semaphore, #tpu.memory_space<semaphore_mem>>
      %dma_start3A = arith.constant 0 : i32
      %dma_start3A_28 = tpu.memref_slice %arg6[%add3A_14, %dma_start3A] : memref<10240x128xf32, #tpu.memory_space<vmem_shared>> -> memref<128x128xf32, #tpu.memory_space<vmem_shared>>
      %dma_start3A_29 = arith.constant 0 : i32
      %dma_start3A_30 = tpu.memref_slice %arg6[%add3A_14, %dma_start3A_29] : memref<10240x128xf32, #tpu.memory_space<vmem_shared>> -> memref<128x128xf32, #tpu.memory_space<vmem_shared>>
      tpu.enqueue_dma source(%arg5 : memref<128x128xf32, #tpu.memory_space<vmem>>) target(%dma_start3A_30 : memref<128x128xf32, #tpu.memory_space<vmem_shared>>) target_semaphore(%run_scoped3A : memref<!tpu.dma_semaphore, #tpu.memory_space<semaphore_mem>>)
      %dma_wait3A = arith.constant 0 : i32
      %dma_wait3A_31 = tpu.memref_slice %arg6[%add3A_14, %dma_wait3A] : memref<10240x128xf32, #tpu.memory_space<vmem_shared>> -> memref<128x128xf32, #tpu.memory_space<vmem_shared>>
      %dma_wait3A_32 = arith.constant 0 : i32
      %dma_wait3A_33 = tpu.memref_slice %arg6[%add3A_14, %dma_wait3A_32] : memref<10240x128xf32, #tpu.memory_space<vmem_shared>> -> memref<128x128xf32, #tpu.memory_space<vmem_shared>>
      tpu.wait_dma2 semaphore(%run_scoped3A : memref<!tpu.dma_semaphore, #tpu.memory_space<semaphore_mem>>) src(%arg5 : memref<128x128xf32, #tpu.memory_space<vmem>>) dst(%dma_wait3A_33 : memref<128x128xf32, #tpu.memory_space<vmem_shared>>)
      tpu.yield
    }) : () -> ()
    %add3A_15 = arith.constant 512 : i32
    %add3A_16 = arith.addi %mul3A_6, %add3A_15 : i32
    "tpu.region"() ({
      %run_scoped3A = tpu.sem_alloc : memref<!tpu.dma_semaphore, #tpu.memory_space<semaphore_mem>>
      %dma_start3A = arith.constant 0 : i32
      %dma_start3A_28 = tpu.memref_slice %arg6[%add3A_16, %dma_start3A] : memref<10240x128xf32, #tpu.memory_space<vmem_shared>> -> memref<128x128xf32, #tpu.memory_space<vmem_shared>>
      %dma_start3A_29 = arith.constant 0 : i32
      %dma_start3A_30 = tpu.memref_slice %arg6[%add3A_16, %dma_start3A_29] : memref<10240x128xf32, #tpu.memory_space<vmem_shared>> -> memref<128x128xf32, #tpu.memory_space<vmem_shared>>
      tpu.enqueue_dma source(%arg5 : memref<128x128xf32, #tpu.memory_space<vmem>>) target(%dma_start3A_30 : memref<128x128xf32, #tpu.memory_space<vmem_shared>>) target_semaphore(%run_scoped3A : memref<!tpu.dma_semaphore, #tpu.memory_space<semaphore_mem>>)
      %dma_wait3A = arith.constant 0 : i32
      %dma_wait3A_31 = tpu.memref_slice %arg6[%add3A_16, %dma_wait3A] : memref<10240x128xf32, #tpu.memory_space<vmem_shared>> -> memref<128x128xf32, #tpu.memory_space<vmem_shared>>
      %dma_wait3A_32 = arith.constant 0 : i32
      %dma_wait3A_33 = tpu.memref_slice %arg6[%add3A_16, %dma_wait3A_32] : memref<10240x128xf32, #tpu.memory_space<vmem_shared>> -> memref<128x128xf32, #tpu.memory_space<vmem_shared>>
      tpu.wait_dma2 semaphore(%run_scoped3A : memref<!tpu.dma_semaphore, #tpu.memory_space<semaphore_mem>>) src(%arg5 : memref<128x128xf32, #tpu.memory_space<vmem>>) dst(%dma_wait3A_33 : memref<128x128xf32, #tpu.memory_space<vmem_shared>>)
      tpu.yield
    }) : () -> ()
    %barrier3A = arith.constant 0 : index
    tpu.barrier barrier_id(%barrier3A)
    %scan3A_17 = arith.constant 0 : i32
    %scan3A_18 = arith.constant 128 : i32
    %scan3A_19 = arith.addi %scan3A_17, %scan3A_18 : i32
    %scan3A_20 = arith.constant 1 : i32
    scf.for %scan3A_28 = %scan3A_17 to %scan3A_19 step %scan3A_20  : i32 {
      %scan3A_29 = arith.constant 0 : i32
      %scan3A_30 = arith.constant 8 : i32
      %scan3A_31 = arith.addi %scan3A_29, %scan3A_30 : i32
      %scan3A_32 = arith.constant 1 : i32
      scf.for %scan3A_34 = %scan3A_29 to %scan3A_31 step %scan3A_32  : i32 {
        %broadcast_in_dim3A = arith.constant 1.000000e+00 : f32
        %broadcast_in_dim3A_35 = vector.broadcast %broadcast_in_dim3A : f32 to vector<16xf32>
        %mul3A_36 = arith.constant 16 : i32
        %mul3A_37 = arith.muli %scan3A_34, %mul3A_36 : i32
        %swap3A = arith.index_cast %scan3A_28 : i32 to index
        %swap3A_38 = arith.index_cast %mul3A_37 : i32 to index
        %swap3A_39 = tpu.vector_load %arg5[%swap3A, %swap3A_38] {strides = array<i32>} : memref<128x128xf32, #tpu.memory_space<vmem>>, vector<1x16xf32>,
        %swap3A_40 = vector.shape_cast %swap3A_39 : vector<1x16xf32> to vector<16xf32>
        %swap3A_41 = vector.shape_cast %broadcast_in_dim3A_35 : vector<16xf32> to vector<1x16xf32>
        tpu.vector_store %arg5[%swap3A, %swap3A_38], %swap3A_41 {strides = array<i32>} : memref<128x128xf32, #tpu.memory_space<vmem>>, vector<1x16xf32>,
      }
      %scan3A_33 = arith.constant 8 : i32
    }
    %scan3A_21 = arith.constant 128 : i32
    "tpu.region"() ({
      %run_scoped3A = tpu.sem_alloc : memref<!tpu.dma_semaphore, #tpu.memory_space<semaphore_mem>>
      %dma_start3A = arith.constant 0 : i32
      %dma_start3A_28 = arith.constant 0 : i32
      %dma_start3A_29 = tpu.memref_slice %arg2[%add3A, %dma_start3A, %dma_start3A_28] : memref<32x80x128xi32, #tpu.memory_space<hbm>> -> memref<1x80x128xi32, #tpu.memory_space<hbm>>
      %dma_start3A_30 = tpu.memref_squeeze %dma_start3A_29 : memref<1x80x128xi32, #tpu.memory_space<hbm>> -> memref<80x128xi32, #tpu.memory_space<hbm>>
      %dma_start3A_31 = arith.constant 0 : i32
      %dma_start3A_32 = arith.constant 0 : i32
      %dma_start3A_33 = tpu.memref_slice %arg2[%add3A, %dma_start3A_31, %dma_start3A_32] : memref<32x80x128xi32, #tpu.memory_space<hbm>> -> memref<1x80x128xi32, #tpu.memory_space<hbm>>
      %dma_start3A_34 = tpu.memref_squeeze %dma_start3A_33 : memref<1x80x128xi32, #tpu.memory_space<hbm>> -> memref<80x128xi32, #tpu.memory_space<hbm>>
      tpu.enqueue_dma source(%dma_start3A_34 : memref<80x128xi32, #tpu.memory_space<hbm>>) target(%arg4 : memref<80x128xi32, #tpu.memory_space<vmem>>) target_semaphore(%run_scoped3A : memref<!tpu.dma_semaphore, #tpu.memory_space<semaphore_mem>>)
      %dma_wait3A = arith.constant 0 : i32
      %dma_wait3A_35 = arith.constant 0 : i32
      %dma_wait3A_36 = tpu.memref_slice %arg2[%add3A, %dma_wait3A, %dma_wait3A_35] : memref<32x80x128xi32, #tpu.memory_space<hbm>> -> memref<1x80x128xi32, #tpu.memory_space<hbm>>
      %dma_wait3A_37 = tpu.memref_squeeze %dma_wait3A_36 : memref<1x80x128xi32, #tpu.memory_space<hbm>> -> memref<80x128xi32, #tpu.memory_space<hbm>>
      %dma_wait3A_38 = arith.constant 0 : i32
      %dma_wait3A_39 = arith.constant 0 : i32
      %dma_wait3A_40 = tpu.memref_slice %arg2[%add3A, %dma_wait3A_38, %dma_wait3A_39] : memref<32x80x128xi32, #tpu.memory_space<hbm>> -> memref<1x80x128xi32, #tpu.memory_space<hbm>>
      %dma_wait3A_41 = tpu.memref_squeeze %dma_wait3A_40 : memref<1x80x128xi32, #tpu.memory_space<hbm>> -> memref<80x128xi32, #tpu.memory_space<hbm>>
      tpu.wait_dma2 semaphore(%run_scoped3A : memref<!tpu.dma_semaphore, #tpu.memory_space<semaphore_mem>>) src(%dma_wait3A_41 : memref<80x128xi32, #tpu.memory_space<hbm>>) dst(%arg4 : memref<80x128xi32, #tpu.memory_space<vmem>>)
      tpu.yield
    }) : () -> ()
    %scan3A_22 = arith.constant 0 : i32
    %scan3A_23 = arith.constant 80 : i32
    %scan3A_24 = arith.addi %scan3A_22, %scan3A_23 : i32
    %scan3A_25 = arith.constant 1 : i32
    scf.for %scan3A_28 = %scan3A_22 to %scan3A_24 step %scan3A_25  : i32 {
      "tpu.region"() ({
        %run_scoped3A = tpu.sem_alloc : memref<!tpu.dma_semaphore, #tpu.memory_space<semaphore_mem>>
        %dma_start3A = arith.constant 0 : i32
        %dma_start3A_29 = tpu.memref_slice %arg4[%scan3A_28, %dma_start3A] : memref<80x128xi32, #tpu.memory_space<vmem>> -> memref<1x128xi32, #tpu.memory_space<vmem>>
        %dma_start3A_30 = tpu.memref_squeeze %dma_start3A_29 : memref<1x128xi32, #tpu.memory_space<vmem>> -> memref<128xi32, #tpu.memory_space<vmem>>
        %dma_start3A_31 = arith.constant 0 : i32
        %dma_start3A_32 = arith.constant 0 : i32
        %dma_start3A_33 = tpu.memref_slice %arg6[%dma_start3A_31, %dma_start3A_32] : memref<10240x128xf32, #tpu.memory_space<vmem_shared>> -> memref<10240x128xf32, #tpu.memory_space<vmem_shared>>
        tpu.enqueue_indirect_dma source(%arg5 : memref<128x128xf32, #tpu.memory_space<vmem>>) target(%dma_start3A_33 : memref<10240x128xf32, #tpu.memory_space<vmem_shared>>) offsets(%dma_start3A_30 : memref<128xi32, #tpu.memory_space<vmem>>) semaphore(%run_scoped3A : memref<!tpu.dma_semaphore, #tpu.memory_space<semaphore_mem>>) {add = true}
        %dma_wait3A = arith.constant 0 : i32
        %dma_wait3A_34 = tpu.memref_slice %arg4[%scan3A_28, %dma_wait3A] : memref<80x128xi32, #tpu.memory_space<vmem>> -> memref<1x128xi32, #tpu.memory_space<vmem>>
        %dma_wait3A_35 = tpu.memref_squeeze %dma_wait3A_34 : memref<1x128xi32, #tpu.memory_space<vmem>> -> memref<128xi32, #tpu.memory_space<vmem>>
        %dma_wait3A_36 = arith.constant 0 : i32
        %dma_wait3A_37 = arith.constant 0 : i32
        %dma_wait3A_38 = tpu.memref_slice %arg6[%dma_wait3A_36, %dma_wait3A_37] : memref<10240x128xf32, #tpu.memory_space<vmem_shared>> -> memref<10240x128xf32, #tpu.memory_space<vmem_shared>>
        tpu.wait_indirect_dma semaphore(%run_scoped3A : memref<!tpu.dma_semaphore, #tpu.memory_space<semaphore_mem>>) src(%arg5 : memref<128x128xf32, #tpu.memory_space<vmem>>) dst(%dma_wait3A_38 : memref<10240x128xf32, #tpu.memory_space<vmem_shared>>)
        tpu.yield
      }) : () -> ()
    }
    %scan3A_26 = arith.constant 80 : i32
    %barrier3A_27 = arith.constant 0 : index
    tpu.barrier barrier_id(%barrier3A_27)
    "tpu.region"() ({
      %run_scoped3A = tpu.sem_alloc : memref<!tpu.dma_semaphore, #tpu.memory_space<semaphore_mem>>
      %dma_start3A = arith.constant 0 : i32
      %dma_start3A_28 = tpu.memref_slice %arg3[%arg0, %mul3A_6, %dma_start3A] : memref<2x10240x128xf32, #tpu.memory_space<hbm>> -> memref<1x640x128xf32, #tpu.memory_space<hbm>>
      %dma_start3A_29 = tpu.memref_squeeze %dma_start3A_28 : memref<1x640x128xf32, #tpu.memory_space<hbm>> -> memref<640x128xf32, #tpu.memory_space<hbm>>
      %dma_start3A_30 = arith.constant 0 : i32
      %dma_start3A_31 = tpu.memref_slice %arg6[%mul3A_6, %dma_start3A_30] : memref<10240x128xf32, #tpu.memory_space<vmem_shared>> -> memref<640x128xf32, #tpu.memory_space<vmem_shared>>
      tpu.enqueue_dma source(%dma_start3A_31 : memref<640x128xf32, #tpu.memory_space<vmem_shared>>) target(%dma_start3A_29 : memref<640x128xf32, #tpu.memory_space<hbm>>) target_semaphore(%run_scoped3A : memref<!tpu.dma_semaphore, #tpu.memory_space<semaphore_mem>>)
      %dma_wait3A = arith.constant 0 : i32
      %dma_wait3A_32 = tpu.memref_slice %arg3[%arg0, %mul3A_6, %dma_wait3A] : memref<2x10240x128xf32, #tpu.memory_space<hbm>> -> memref<1x640x128xf32, #tpu.memory_space<hbm>>
      %dma_wait3A_33 = tpu.memref_squeeze %dma_wait3A_32 : memref<1x640x128xf32, #tpu.memory_space<hbm>> -> memref<640x128xf32, #tpu.memory_space<hbm>>
      %dma_wait3A_34 = arith.constant 0 : i32
      %dma_wait3A_35 = tpu.memref_slice %arg6[%mul3A_6, %dma_wait3A_34] : memref<10240x128xf32, #tpu.memory_space<vmem_shared>> -> memref<640x128xf32, #tpu.memory_space<vmem_shared>>
      tpu.wait_dma2 semaphore(%run_scoped3A : memref<!tpu.dma_semaphore, #tpu.memory_space<semaphore_mem>>) src(%dma_wait3A_35 : memref<640x128xf32, #tpu.memory_space<vmem_shared>>) dst(%dma_wait3A_33 : memref<640x128xf32, #tpu.memory_space<hbm>>)
      tpu.yield
    }) : () -> ()
    return
  }
}

#map = affine_map<(d0, d1) -> (0, 0)>
#map1 = affine_map<(d0, d1) -> (0, 0, 0)>
module attributes {stable_mosaic.version = 14 : i64} {
  func.func @_agg_kernel(%arg0: i32, %arg1: i32, %arg2: memref<10240x128xf32, #tpu.memory_space<hbm>>, %arg3: memref<32x80x128xi32, #tpu.memory_space<hbm>>, %arg4: memref<32x80x128xi32, #tpu.memory_space<hbm>>, %arg5: memref<2x10240x128xf32, #tpu.memory_space<hbm>>, %arg6: memref<40x128xi32, #tpu.memory_space<vmem>>, %arg7: memref<40x128xi32, #tpu.memory_space<vmem>>, %arg8: memref<2x128x128xf32, #tpu.memory_space<vmem>>, %arg9: memref<10240x128xf32, #tpu.memory_space<vmem_shared>>, %arg10: memref<!tpu.dma_semaphore, #tpu.memory_space<semaphore_mem>>, %arg11: memref<!tpu.dma_semaphore, #tpu.memory_space<semaphore_mem>>, %arg12: memref<!tpu.dma_semaphore, #tpu.memory_space<semaphore_mem>>, %arg13: memref<!tpu.dma_semaphore, #tpu.memory_space<semaphore_mem>>) attributes {dimension_semantics = [#tpu.dimension_semantics<core_parallel>, #tpu.dimension_semantics<subcore_parallel>], iteration_bounds = array<i64: 2, 16>, scalar_prefetch = 0 : i64, scratch_operands = 8 : i64, tpu.core_type = #tpu.core_type<sc_vector_subcore>, window_params = [{transform_indices = #map}, {transform_indices = #map1}, {transform_indices = #map1}, {transform_indices = #map1}]} {
    %mul3A = arith.constant 2 : i32
    %mul3A_0 = arith.muli %arg1, %mul3A : i32
    %add3A = arith.addi %mul3A_0, %arg0 : i32
    %scan3A = arith.constant 0 : i32
    %scan3A_1 = arith.constant 128 : i32
    %scan3A_2 = arith.addi %scan3A, %scan3A_1 : i32
    %scan3A_3 = arith.constant 1 : i32
    scf.for %scan3A_32 = %scan3A to %scan3A_2 step %scan3A_3  : i32 {
      %scan3A_33 = arith.constant 0 : i32
      %scan3A_34 = arith.constant 8 : i32
      %scan3A_35 = arith.addi %scan3A_33, %scan3A_34 : i32
      %scan3A_36 = arith.constant 1 : i32
      scf.for %scan3A_38 = %scan3A_33 to %scan3A_35 step %scan3A_36  : i32 {
        %broadcast_in_dim3A = arith.constant 0.000000e+00 : f32
        %broadcast_in_dim3A_39 = vector.broadcast %broadcast_in_dim3A : f32 to vector<16xf32>
        %mul3A_40 = arith.constant 16 : i32
        %mul3A_41 = arith.muli %scan3A_38, %mul3A_40 : i32
        %swap3A = arith.constant 0 : i32
        %swap3A_42 = arith.index_cast %swap3A : i32 to index
        %swap3A_43 = arith.index_cast %scan3A_32 : i32 to index
        %swap3A_44 = arith.index_cast %mul3A_41 : i32 to index
        %swap3A_45 = tpu.vector_load %arg8[%swap3A_42, %swap3A_43, %swap3A_44] {strides = array<i32>} : memref<2x128x128xf32, #tpu.memory_space<vmem>>, vector<1x1x16xf32>,
        %swap3A_46 = vector.shape_cast %swap3A_45 : vector<1x1x16xf32> to vector<16xf32>
        %swap3A_47 = vector.shape_cast %broadcast_in_dim3A_39 : vector<16xf32> to vector<1x1x16xf32>
        tpu.vector_store %arg8[%swap3A_42, %swap3A_43, %swap3A_44], %swap3A_47 {strides = array<i32>} : memref<2x128x128xf32, #tpu.memory_space<vmem>>, vector<1x1x16xf32>,
      }
      %scan3A_37 = arith.constant 8 : i32
    }
    %scan3A_4 = arith.constant 128 : i32
    %mul3A_5 = arith.constant 640 : i32
    %mul3A_6 = arith.muli %arg1, %mul3A_5 : i32
    %add3A_7 = arith.constant 0 : i32
    %add3A_8 = arith.addi %mul3A_6, %add3A_7 : i32
    %run_scoped3A = arith.constant 0 : i32
    "tpu.region"() ({
      %run_scoped3A_32 = tpu.sem_alloc : memref<!tpu.dma_semaphore, #tpu.memory_space<semaphore_mem>>
      %dma_start3A = arith.constant 0 : i32
      %dma_start3A_33 = arith.constant 0 : i32
      %dma_start3A_34 = tpu.memref_slice %arg8[%run_scoped3A, %dma_start3A, %dma_start3A_33] : memref<2x128x128xf32, #tpu.memory_space<vmem>> -> memref<1x128x128xf32, #tpu.memory_space<vmem>>
      %dma_start3A_35 = tpu.memref_squeeze %dma_start3A_34 : memref<1x128x128xf32, #tpu.memory_space<vmem>> -> memref<128x128xf32, #tpu.memory_space<vmem>>
      %dma_start3A_36 = arith.constant 0 : i32
      %dma_start3A_37 = tpu.memref_slice %arg9[%add3A_8, %dma_start3A_36] : memref<10240x128xf32, #tpu.memory_space<vmem_shared>> -> memref<128x128xf32, #tpu.memory_space<vmem_shared>>
      %dma_start3A_38 = arith.constant 0 : i32
      %dma_start3A_39 = tpu.memref_slice %arg9[%add3A_8, %dma_start3A_38] : memref<10240x128xf32, #tpu.memory_space<vmem_shared>> -> memref<128x128xf32, #tpu.memory_space<vmem_shared>>
      %dma_start3A_40 = arith.constant 0 : i32
      %dma_start3A_41 = arith.constant 0 : i32
      %dma_start3A_42 = tpu.memref_slice %arg8[%run_scoped3A, %dma_start3A_40, %dma_start3A_41] : memref<2x128x128xf32, #tpu.memory_space<vmem>> -> memref<1x128x128xf32, #tpu.memory_space<vmem>>
      %dma_start3A_43 = tpu.memref_squeeze %dma_start3A_42 : memref<1x128x128xf32, #tpu.memory_space<vmem>> -> memref<128x128xf32, #tpu.memory_space<vmem>>
      tpu.enqueue_dma source(%dma_start3A_43 : memref<128x128xf32, #tpu.memory_space<vmem>>) target(%dma_start3A_39 : memref<128x128xf32, #tpu.memory_space<vmem_shared>>) target_semaphore(%run_scoped3A_32 : memref<!tpu.dma_semaphore, #tpu.memory_space<semaphore_mem>>)
      %dma_wait3A = arith.constant 0 : i32
      %dma_wait3A_44 = arith.constant 0 : i32
      %dma_wait3A_45 = tpu.memref_slice %arg8[%run_scoped3A, %dma_wait3A, %dma_wait3A_44] : memref<2x128x128xf32, #tpu.memory_space<vmem>> -> memref<1x128x128xf32, #tpu.memory_space<vmem>>
      %dma_wait3A_46 = tpu.memref_squeeze %dma_wait3A_45 : memref<1x128x128xf32, #tpu.memory_space<vmem>> -> memref<128x128xf32, #tpu.memory_space<vmem>>
      %dma_wait3A_47 = arith.constant 0 : i32
      %dma_wait3A_48 = tpu.memref_slice %arg9[%add3A_8, %dma_wait3A_47] : memref<10240x128xf32, #tpu.memory_space<vmem_shared>> -> memref<128x128xf32, #tpu.memory_space<vmem_shared>>
      %dma_wait3A_49 = arith.constant 0 : i32
      %dma_wait3A_50 = tpu.memref_slice %arg9[%add3A_8, %dma_wait3A_49] : memref<10240x128xf32, #tpu.memory_space<vmem_shared>> -> memref<128x128xf32, #tpu.memory_space<vmem_shared>>
      %dma_wait3A_51 = arith.constant 0 : i32
      %dma_wait3A_52 = arith.constant 0 : i32
      %dma_wait3A_53 = tpu.memref_slice %arg8[%run_scoped3A, %dma_wait3A_51, %dma_wait3A_52] : memref<2x128x128xf32, #tpu.memory_space<vmem>> -> memref<1x128x128xf32, #tpu.memory_space<vmem>>
      %dma_wait3A_54 = tpu.memref_squeeze %dma_wait3A_53 : memref<1x128x128xf32, #tpu.memory_space<vmem>> -> memref<128x128xf32, #tpu.memory_space<vmem>>
      tpu.wait_dma2 semaphore(%run_scoped3A_32 : memref<!tpu.dma_semaphore, #tpu.memory_space<semaphore_mem>>) src(%dma_wait3A_54 : memref<128x128xf32, #tpu.memory_space<vmem>>) dst(%dma_wait3A_50 : memref<128x128xf32, #tpu.memory_space<vmem_shared>>)
      tpu.yield
    }) : () -> ()
    %add3A_9 = arith.constant 128 : i32
    %add3A_10 = arith.addi %mul3A_6, %add3A_9 : i32
    %run_scoped3A_11 = arith.constant 0 : i32
    "tpu.region"() ({
      %run_scoped3A_32 = tpu.sem_alloc : memref<!tpu.dma_semaphore, #tpu.memory_space<semaphore_mem>>
      %dma_start3A = arith.constant 0 : i32
      %dma_start3A_33 = arith.constant 0 : i32
      %dma_start3A_34 = tpu.memref_slice %arg8[%run_scoped3A_11, %dma_start3A, %dma_start3A_33] : memref<2x128x128xf32, #tpu.memory_space<vmem>> -> memref<1x128x128xf32, #tpu.memory_space<vmem>>
      %dma_start3A_35 = tpu.memref_squeeze %dma_start3A_34 : memref<1x128x128xf32, #tpu.memory_space<vmem>> -> memref<128x128xf32, #tpu.memory_space<vmem>>
      %dma_start3A_36 = arith.constant 0 : i32
      %dma_start3A_37 = tpu.memref_slice %arg9[%add3A_10, %dma_start3A_36] : memref<10240x128xf32, #tpu.memory_space<vmem_shared>> -> memref<128x128xf32, #tpu.memory_space<vmem_shared>>
      %dma_start3A_38 = arith.constant 0 : i32
      %dma_start3A_39 = tpu.memref_slice %arg9[%add3A_10, %dma_start3A_38] : memref<10240x128xf32, #tpu.memory_space<vmem_shared>> -> memref<128x128xf32, #tpu.memory_space<vmem_shared>>
      %dma_start3A_40 = arith.constant 0 : i32
      %dma_start3A_41 = arith.constant 0 : i32
      %dma_start3A_42 = tpu.memref_slice %arg8[%run_scoped3A_11, %dma_start3A_40, %dma_start3A_41] : memref<2x128x128xf32, #tpu.memory_space<vmem>> -> memref<1x128x128xf32, #tpu.memory_space<vmem>>
      %dma_start3A_43 = tpu.memref_squeeze %dma_start3A_42 : memref<1x128x128xf32, #tpu.memory_space<vmem>> -> memref<128x128xf32, #tpu.memory_space<vmem>>
      tpu.enqueue_dma source(%dma_start3A_43 : memref<128x128xf32, #tpu.memory_space<vmem>>) target(%dma_start3A_39 : memref<128x128xf32, #tpu.memory_space<vmem_shared>>) target_semaphore(%run_scoped3A_32 : memref<!tpu.dma_semaphore, #tpu.memory_space<semaphore_mem>>)
      %dma_wait3A = arith.constant 0 : i32
      %dma_wait3A_44 = arith.constant 0 : i32
      %dma_wait3A_45 = tpu.memref_slice %arg8[%run_scoped3A_11, %dma_wait3A, %dma_wait3A_44] : memref<2x128x128xf32, #tpu.memory_space<vmem>> -> memref<1x128x128xf32, #tpu.memory_space<vmem>>
      %dma_wait3A_46 = tpu.memref_squeeze %dma_wait3A_45 : memref<1x128x128xf32, #tpu.memory_space<vmem>> -> memref<128x128xf32, #tpu.memory_space<vmem>>
      %dma_wait3A_47 = arith.constant 0 : i32
      %dma_wait3A_48 = tpu.memref_slice %arg9[%add3A_10, %dma_wait3A_47] : memref<10240x128xf32, #tpu.memory_space<vmem_shared>> -> memref<128x128xf32, #tpu.memory_space<vmem_shared>>
      %dma_wait3A_49 = arith.constant 0 : i32
      %dma_wait3A_50 = tpu.memref_slice %arg9[%add3A_10, %dma_wait3A_49] : memref<10240x128xf32, #tpu.memory_space<vmem_shared>> -> memref<128x128xf32, #tpu.memory_space<vmem_shared>>
      %dma_wait3A_51 = arith.constant 0 : i32
      %dma_wait3A_52 = arith.constant 0 : i32
      %dma_wait3A_53 = tpu.memref_slice %arg8[%run_scoped3A_11, %dma_wait3A_51, %dma_wait3A_52] : memref<2x128x128xf32, #tpu.memory_space<vmem>> -> memref<1x128x128xf32, #tpu.memory_space<vmem>>
      %dma_wait3A_54 = tpu.memref_squeeze %dma_wait3A_53 : memref<1x128x128xf32, #tpu.memory_space<vmem>> -> memref<128x128xf32, #tpu.memory_space<vmem>>
      tpu.wait_dma2 semaphore(%run_scoped3A_32 : memref<!tpu.dma_semaphore, #tpu.memory_space<semaphore_mem>>) src(%dma_wait3A_54 : memref<128x128xf32, #tpu.memory_space<vmem>>) dst(%dma_wait3A_50 : memref<128x128xf32, #tpu.memory_space<vmem_shared>>)
      tpu.yield
    }) : () -> ()
    %add3A_12 = arith.constant 256 : i32
    %add3A_13 = arith.addi %mul3A_6, %add3A_12 : i32
    %run_scoped3A_14 = arith.constant 0 : i32
    "tpu.region"() ({
      %run_scoped3A_32 = tpu.sem_alloc : memref<!tpu.dma_semaphore, #tpu.memory_space<semaphore_mem>>
      %dma_start3A = arith.constant 0 : i32
      %dma_start3A_33 = arith.constant 0 : i32
      %dma_start3A_34 = tpu.memref_slice %arg8[%run_scoped3A_14, %dma_start3A, %dma_start3A_33] : memref<2x128x128xf32, #tpu.memory_space<vmem>> -> memref<1x128x128xf32, #tpu.memory_space<vmem>>
      %dma_start3A_35 = tpu.memref_squeeze %dma_start3A_34 : memref<1x128x128xf32, #tpu.memory_space<vmem>> -> memref<128x128xf32, #tpu.memory_space<vmem>>
      %dma_start3A_36 = arith.constant 0 : i32
      %dma_start3A_37 = tpu.memref_slice %arg9[%add3A_13, %dma_start3A_36] : memref<10240x128xf32, #tpu.memory_space<vmem_shared>> -> memref<128x128xf32, #tpu.memory_space<vmem_shared>>
      %dma_start3A_38 = arith.constant 0 : i32
      %dma_start3A_39 = tpu.memref_slice %arg9[%add3A_13, %dma_start3A_38] : memref<10240x128xf32, #tpu.memory_space<vmem_shared>> -> memref<128x128xf32, #tpu.memory_space<vmem_shared>>
      %dma_start3A_40 = arith.constant 0 : i32
      %dma_start3A_41 = arith.constant 0 : i32
      %dma_start3A_42 = tpu.memref_slice %arg8[%run_scoped3A_14, %dma_start3A_40, %dma_start3A_41] : memref<2x128x128xf32, #tpu.memory_space<vmem>> -> memref<1x128x128xf32, #tpu.memory_space<vmem>>
      %dma_start3A_43 = tpu.memref_squeeze %dma_start3A_42 : memref<1x128x128xf32, #tpu.memory_space<vmem>> -> memref<128x128xf32, #tpu.memory_space<vmem>>
      tpu.enqueue_dma source(%dma_start3A_43 : memref<128x128xf32, #tpu.memory_space<vmem>>) target(%dma_start3A_39 : memref<128x128xf32, #tpu.memory_space<vmem_shared>>) target_semaphore(%run_scoped3A_32 : memref<!tpu.dma_semaphore, #tpu.memory_space<semaphore_mem>>)
      %dma_wait3A = arith.constant 0 : i32
      %dma_wait3A_44 = arith.constant 0 : i32
      %dma_wait3A_45 = tpu.memref_slice %arg8[%run_scoped3A_14, %dma_wait3A, %dma_wait3A_44] : memref<2x128x128xf32, #tpu.memory_space<vmem>> -> memref<1x128x128xf32, #tpu.memory_space<vmem>>
      %dma_wait3A_46 = tpu.memref_squeeze %dma_wait3A_45 : memref<1x128x128xf32, #tpu.memory_space<vmem>> -> memref<128x128xf32, #tpu.memory_space<vmem>>
      %dma_wait3A_47 = arith.constant 0 : i32
      %dma_wait3A_48 = tpu.memref_slice %arg9[%add3A_13, %dma_wait3A_47] : memref<10240x128xf32, #tpu.memory_space<vmem_shared>> -> memref<128x128xf32, #tpu.memory_space<vmem_shared>>
      %dma_wait3A_49 = arith.constant 0 : i32
      %dma_wait3A_50 = tpu.memref_slice %arg9[%add3A_13, %dma_wait3A_49] : memref<10240x128xf32, #tpu.memory_space<vmem_shared>> -> memref<128x128xf32, #tpu.memory_space<vmem_shared>>
      %dma_wait3A_51 = arith.constant 0 : i32
      %dma_wait3A_52 = arith.constant 0 : i32
      %dma_wait3A_53 = tpu.memref_slice %arg8[%run_scoped3A_14, %dma_wait3A_51, %dma_wait3A_52] : memref<2x128x128xf32, #tpu.memory_space<vmem>> -> memref<1x128x128xf32, #tpu.memory_space<vmem>>
      %dma_wait3A_54 = tpu.memref_squeeze %dma_wait3A_53 : memref<1x128x128xf32, #tpu.memory_space<vmem>> -> memref<128x128xf32, #tpu.memory_space<vmem>>
      tpu.wait_dma2 semaphore(%run_scoped3A_32 : memref<!tpu.dma_semaphore, #tpu.memory_space<semaphore_mem>>) src(%dma_wait3A_54 : memref<128x128xf32, #tpu.memory_space<vmem>>) dst(%dma_wait3A_50 : memref<128x128xf32, #tpu.memory_space<vmem_shared>>)
      tpu.yield
    }) : () -> ()
    %add3A_15 = arith.constant 384 : i32
    %add3A_16 = arith.addi %mul3A_6, %add3A_15 : i32
    %run_scoped3A_17 = arith.constant 0 : i32
    "tpu.region"() ({
      %run_scoped3A_32 = tpu.sem_alloc : memref<!tpu.dma_semaphore, #tpu.memory_space<semaphore_mem>>
      %dma_start3A = arith.constant 0 : i32
      %dma_start3A_33 = arith.constant 0 : i32
      %dma_start3A_34 = tpu.memref_slice %arg8[%run_scoped3A_17, %dma_start3A, %dma_start3A_33] : memref<2x128x128xf32, #tpu.memory_space<vmem>> -> memref<1x128x128xf32, #tpu.memory_space<vmem>>
      %dma_start3A_35 = tpu.memref_squeeze %dma_start3A_34 : memref<1x128x128xf32, #tpu.memory_space<vmem>> -> memref<128x128xf32, #tpu.memory_space<vmem>>
      %dma_start3A_36 = arith.constant 0 : i32
      %dma_start3A_37 = tpu.memref_slice %arg9[%add3A_16, %dma_start3A_36] : memref<10240x128xf32, #tpu.memory_space<vmem_shared>> -> memref<128x128xf32, #tpu.memory_space<vmem_shared>>
      %dma_start3A_38 = arith.constant 0 : i32
      %dma_start3A_39 = tpu.memref_slice %arg9[%add3A_16, %dma_start3A_38] : memref<10240x128xf32, #tpu.memory_space<vmem_shared>> -> memref<128x128xf32, #tpu.memory_space<vmem_shared>>
      %dma_start3A_40 = arith.constant 0 : i32
      %dma_start3A_41 = arith.constant 0 : i32
      %dma_start3A_42 = tpu.memref_slice %arg8[%run_scoped3A_17, %dma_start3A_40, %dma_start3A_41] : memref<2x128x128xf32, #tpu.memory_space<vmem>> -> memref<1x128x128xf32, #tpu.memory_space<vmem>>
      %dma_start3A_43 = tpu.memref_squeeze %dma_start3A_42 : memref<1x128x128xf32, #tpu.memory_space<vmem>> -> memref<128x128xf32, #tpu.memory_space<vmem>>
      tpu.enqueue_dma source(%dma_start3A_43 : memref<128x128xf32, #tpu.memory_space<vmem>>) target(%dma_start3A_39 : memref<128x128xf32, #tpu.memory_space<vmem_shared>>) target_semaphore(%run_scoped3A_32 : memref<!tpu.dma_semaphore, #tpu.memory_space<semaphore_mem>>)
      %dma_wait3A = arith.constant 0 : i32
      %dma_wait3A_44 = arith.constant 0 : i32
      %dma_wait3A_45 = tpu.memref_slice %arg8[%run_scoped3A_17, %dma_wait3A, %dma_wait3A_44] : memref<2x128x128xf32, #tpu.memory_space<vmem>> -> memref<1x128x128xf32, #tpu.memory_space<vmem>>
      %dma_wait3A_46 = tpu.memref_squeeze %dma_wait3A_45 : memref<1x128x128xf32, #tpu.memory_space<vmem>> -> memref<128x128xf32, #tpu.memory_space<vmem>>
      %dma_wait3A_47 = arith.constant 0 : i32
      %dma_wait3A_48 = tpu.memref_slice %arg9[%add3A_16, %dma_wait3A_47] : memref<10240x128xf32, #tpu.memory_space<vmem_shared>> -> memref<128x128xf32, #tpu.memory_space<vmem_shared>>
      %dma_wait3A_49 = arith.constant 0 : i32
      %dma_wait3A_50 = tpu.memref_slice %arg9[%add3A_16, %dma_wait3A_49] : memref<10240x128xf32, #tpu.memory_space<vmem_shared>> -> memref<128x128xf32, #tpu.memory_space<vmem_shared>>
      %dma_wait3A_51 = arith.constant 0 : i32
      %dma_wait3A_52 = arith.constant 0 : i32
      %dma_wait3A_53 = tpu.memref_slice %arg8[%run_scoped3A_17, %dma_wait3A_51, %dma_wait3A_52] : memref<2x128x128xf32, #tpu.memory_space<vmem>> -> memref<1x128x128xf32, #tpu.memory_space<vmem>>
      %dma_wait3A_54 = tpu.memref_squeeze %dma_wait3A_53 : memref<1x128x128xf32, #tpu.memory_space<vmem>> -> memref<128x128xf32, #tpu.memory_space<vmem>>
      tpu.wait_dma2 semaphore(%run_scoped3A_32 : memref<!tpu.dma_semaphore, #tpu.memory_space<semaphore_mem>>) src(%dma_wait3A_54 : memref<128x128xf32, #tpu.memory_space<vmem>>) dst(%dma_wait3A_50 : memref<128x128xf32, #tpu.memory_space<vmem_shared>>)
      tpu.yield
    }) : () -> ()
    %add3A_18 = arith.constant 512 : i32
    %add3A_19 = arith.addi %mul3A_6, %add3A_18 : i32
    %run_scoped3A_20 = arith.constant 0 : i32
    "tpu.region"() ({
      %run_scoped3A_32 = tpu.sem_alloc : memref<!tpu.dma_semaphore, #tpu.memory_space<semaphore_mem>>
      %dma_start3A = arith.constant 0 : i32
      %dma_start3A_33 = arith.constant 0 : i32
      %dma_start3A_34 = tpu.memref_slice %arg8[%run_scoped3A_20, %dma_start3A, %dma_start3A_33] : memref<2x128x128xf32, #tpu.memory_space<vmem>> -> memref<1x128x128xf32, #tpu.memory_space<vmem>>
      %dma_start3A_35 = tpu.memref_squeeze %dma_start3A_34 : memref<1x128x128xf32, #tpu.memory_space<vmem>> -> memref<128x128xf32, #tpu.memory_space<vmem>>
      %dma_start3A_36 = arith.constant 0 : i32
      %dma_start3A_37 = tpu.memref_slice %arg9[%add3A_19, %dma_start3A_36] : memref<10240x128xf32, #tpu.memory_space<vmem_shared>> -> memref<128x128xf32, #tpu.memory_space<vmem_shared>>
      %dma_start3A_38 = arith.constant 0 : i32
      %dma_start3A_39 = tpu.memref_slice %arg9[%add3A_19, %dma_start3A_38] : memref<10240x128xf32, #tpu.memory_space<vmem_shared>> -> memref<128x128xf32, #tpu.memory_space<vmem_shared>>
      %dma_start3A_40 = arith.constant 0 : i32
      %dma_start3A_41 = arith.constant 0 : i32
      %dma_start3A_42 = tpu.memref_slice %arg8[%run_scoped3A_20, %dma_start3A_40, %dma_start3A_41] : memref<2x128x128xf32, #tpu.memory_space<vmem>> -> memref<1x128x128xf32, #tpu.memory_space<vmem>>
      %dma_start3A_43 = tpu.memref_squeeze %dma_start3A_42 : memref<1x128x128xf32, #tpu.memory_space<vmem>> -> memref<128x128xf32, #tpu.memory_space<vmem>>
      tpu.enqueue_dma source(%dma_start3A_43 : memref<128x128xf32, #tpu.memory_space<vmem>>) target(%dma_start3A_39 : memref<128x128xf32, #tpu.memory_space<vmem_shared>>) target_semaphore(%run_scoped3A_32 : memref<!tpu.dma_semaphore, #tpu.memory_space<semaphore_mem>>)
      %dma_wait3A = arith.constant 0 : i32
      %dma_wait3A_44 = arith.constant 0 : i32
      %dma_wait3A_45 = tpu.memref_slice %arg8[%run_scoped3A_20, %dma_wait3A, %dma_wait3A_44] : memref<2x128x128xf32, #tpu.memory_space<vmem>> -> memref<1x128x128xf32, #tpu.memory_space<vmem>>
      %dma_wait3A_46 = tpu.memref_squeeze %dma_wait3A_45 : memref<1x128x128xf32, #tpu.memory_space<vmem>> -> memref<128x128xf32, #tpu.memory_space<vmem>>
      %dma_wait3A_47 = arith.constant 0 : i32
      %dma_wait3A_48 = tpu.memref_slice %arg9[%add3A_19, %dma_wait3A_47] : memref<10240x128xf32, #tpu.memory_space<vmem_shared>> -> memref<128x128xf32, #tpu.memory_space<vmem_shared>>
      %dma_wait3A_49 = arith.constant 0 : i32
      %dma_wait3A_50 = tpu.memref_slice %arg9[%add3A_19, %dma_wait3A_49] : memref<10240x128xf32, #tpu.memory_space<vmem_shared>> -> memref<128x128xf32, #tpu.memory_space<vmem_shared>>
      %dma_wait3A_51 = arith.constant 0 : i32
      %dma_wait3A_52 = arith.constant 0 : i32
      %dma_wait3A_53 = tpu.memref_slice %arg8[%run_scoped3A_20, %dma_wait3A_51, %dma_wait3A_52] : memref<2x128x128xf32, #tpu.memory_space<vmem>> -> memref<1x128x128xf32, #tpu.memory_space<vmem>>
      %dma_wait3A_54 = tpu.memref_squeeze %dma_wait3A_53 : memref<1x128x128xf32, #tpu.memory_space<vmem>> -> memref<128x128xf32, #tpu.memory_space<vmem>>
      tpu.wait_dma2 semaphore(%run_scoped3A_32 : memref<!tpu.dma_semaphore, #tpu.memory_space<semaphore_mem>>) src(%dma_wait3A_54 : memref<128x128xf32, #tpu.memory_space<vmem>>) dst(%dma_wait3A_50 : memref<128x128xf32, #tpu.memory_space<vmem_shared>>)
      tpu.yield
    }) : () -> ()
    %barrier3A = arith.constant 0 : index
    tpu.barrier barrier_id(%barrier3A)
    "tpu.region"() ({
      %run_scoped3A_32 = tpu.sem_alloc : memref<!tpu.dma_semaphore, #tpu.memory_space<semaphore_mem>>
      %dma_start3A = arith.constant 0 : i32
      %dma_start3A_33 = arith.constant 0 : i32
      %dma_start3A_34 = tpu.memref_slice %arg3[%add3A, %dma_start3A, %dma_start3A_33] : memref<32x80x128xi32, #tpu.memory_space<hbm>> -> memref<1x40x128xi32, #tpu.memory_space<hbm>>
      %dma_start3A_35 = tpu.memref_squeeze %dma_start3A_34 : memref<1x40x128xi32, #tpu.memory_space<hbm>> -> memref<40x128xi32, #tpu.memory_space<hbm>>
      %dma_start3A_36 = arith.constant 0 : i32
      %dma_start3A_37 = arith.constant 0 : i32
      %dma_start3A_38 = tpu.memref_slice %arg3[%add3A, %dma_start3A_36, %dma_start3A_37] : memref<32x80x128xi32, #tpu.memory_space<hbm>> -> memref<1x40x128xi32, #tpu.memory_space<hbm>>
      %dma_start3A_39 = tpu.memref_squeeze %dma_start3A_38 : memref<1x40x128xi32, #tpu.memory_space<hbm>> -> memref<40x128xi32, #tpu.memory_space<hbm>>
      tpu.enqueue_dma source(%dma_start3A_39 : memref<40x128xi32, #tpu.memory_space<hbm>>) target(%arg6 : memref<40x128xi32, #tpu.memory_space<vmem>>) target_semaphore(%run_scoped3A_32 : memref<!tpu.dma_semaphore, #tpu.memory_space<semaphore_mem>>)
      %dma_wait3A = arith.constant 0 : i32
      %dma_wait3A_40 = arith.constant 0 : i32
      %dma_wait3A_41 = tpu.memref_slice %arg3[%add3A, %dma_wait3A, %dma_wait3A_40] : memref<32x80x128xi32, #tpu.memory_space<hbm>> -> memref<1x40x128xi32, #tpu.memory_space<hbm>>
      %dma_wait3A_42 = tpu.memref_squeeze %dma_wait3A_41 : memref<1x40x128xi32, #tpu.memory_space<hbm>> -> memref<40x128xi32, #tpu.memory_space<hbm>>
      %dma_wait3A_43 = arith.constant 0 : i32
      %dma_wait3A_44 = arith.constant 0 : i32
      %dma_wait3A_45 = tpu.memref_slice %arg3[%add3A, %dma_wait3A_43, %dma_wait3A_44] : memref<32x80x128xi32, #tpu.memory_space<hbm>> -> memref<1x40x128xi32, #tpu.memory_space<hbm>>
      %dma_wait3A_46 = tpu.memref_squeeze %dma_wait3A_45 : memref<1x40x128xi32, #tpu.memory_space<hbm>> -> memref<40x128xi32, #tpu.memory_space<hbm>>
      tpu.wait_dma2 semaphore(%run_scoped3A_32 : memref<!tpu.dma_semaphore, #tpu.memory_space<semaphore_mem>>) src(%dma_wait3A_46 : memref<40x128xi32, #tpu.memory_space<hbm>>) dst(%arg6 : memref<40x128xi32, #tpu.memory_space<vmem>>)
      tpu.yield
    }) : () -> ()
    "tpu.region"() ({
      %run_scoped3A_32 = tpu.sem_alloc : memref<!tpu.dma_semaphore, #tpu.memory_space<semaphore_mem>>
      %dma_start3A = arith.constant 0 : i32
      %dma_start3A_33 = arith.constant 0 : i32
      %dma_start3A_34 = tpu.memref_slice %arg4[%add3A, %dma_start3A, %dma_start3A_33] : memref<32x80x128xi32, #tpu.memory_space<hbm>> -> memref<1x40x128xi32, #tpu.memory_space<hbm>>
      %dma_start3A_35 = tpu.memref_squeeze %dma_start3A_34 : memref<1x40x128xi32, #tpu.memory_space<hbm>> -> memref<40x128xi32, #tpu.memory_space<hbm>>
      %dma_start3A_36 = arith.constant 0 : i32
      %dma_start3A_37 = arith.constant 0 : i32
      %dma_start3A_38 = tpu.memref_slice %arg4[%add3A, %dma_start3A_36, %dma_start3A_37] : memref<32x80x128xi32, #tpu.memory_space<hbm>> -> memref<1x40x128xi32, #tpu.memory_space<hbm>>
      %dma_start3A_39 = tpu.memref_squeeze %dma_start3A_38 : memref<1x40x128xi32, #tpu.memory_space<hbm>> -> memref<40x128xi32, #tpu.memory_space<hbm>>
      tpu.enqueue_dma source(%dma_start3A_39 : memref<40x128xi32, #tpu.memory_space<hbm>>) target(%arg7 : memref<40x128xi32, #tpu.memory_space<vmem>>) target_semaphore(%run_scoped3A_32 : memref<!tpu.dma_semaphore, #tpu.memory_space<semaphore_mem>>)
      %dma_wait3A = arith.constant 0 : i32
      %dma_wait3A_40 = arith.constant 0 : i32
      %dma_wait3A_41 = tpu.memref_slice %arg4[%add3A, %dma_wait3A, %dma_wait3A_40] : memref<32x80x128xi32, #tpu.memory_space<hbm>> -> memref<1x40x128xi32, #tpu.memory_space<hbm>>
      %dma_wait3A_42 = tpu.memref_squeeze %dma_wait3A_41 : memref<1x40x128xi32, #tpu.memory_space<hbm>> -> memref<40x128xi32, #tpu.memory_space<hbm>>
      %dma_wait3A_43 = arith.constant 0 : i32
      %dma_wait3A_44 = arith.constant 0 : i32
      %dma_wait3A_45 = tpu.memref_slice %arg4[%add3A, %dma_wait3A_43, %dma_wait3A_44] : memref<32x80x128xi32, #tpu.memory_space<hbm>> -> memref<1x40x128xi32, #tpu.memory_space<hbm>>
      %dma_wait3A_46 = tpu.memref_squeeze %dma_wait3A_45 : memref<1x40x128xi32, #tpu.memory_space<hbm>> -> memref<40x128xi32, #tpu.memory_space<hbm>>
      tpu.wait_dma2 semaphore(%run_scoped3A_32 : memref<!tpu.dma_semaphore, #tpu.memory_space<semaphore_mem>>) src(%dma_wait3A_46 : memref<40x128xi32, #tpu.memory_space<hbm>>) dst(%arg7 : memref<40x128xi32, #tpu.memory_space<vmem>>)
      tpu.yield
    }) : () -> ()
    %scan3A_21 = arith.constant 0 : i32
    %scan3A_22 = arith.constant 20 : i32
    %scan3A_23 = arith.addi %scan3A_21, %scan3A_22 : i32
    %scan3A_24 = arith.constant 1 : i32
    scf.for %scan3A_32 = %scan3A_21 to %scan3A_23 step %scan3A_24  : i32 {
      %mul3A_33 = arith.constant 2 : i32
      %mul3A_34 = arith.muli %scan3A_32, %mul3A_33 : i32
      %add3A_35 = arith.constant 0 : i32
      %add3A_36 = arith.addi %mul3A_34, %add3A_35 : i32
      %dma_start3A = arith.constant 0 : i32
      %dma_start3A_37 = arith.constant 0 : i32
      %dma_start3A_38 = arith.constant 0 : i32
      %dma_start3A_39 = tpu.memref_slice %arg8[%dma_start3A, %dma_start3A_37, %dma_start3A_38] : memref<2x128x128xf32, #tpu.memory_space<vmem>> -> memref<1x128x128xf32, #tpu.memory_space<vmem>>
      %dma_start3A_40 = tpu.memref_squeeze %dma_start3A_39 : memref<1x128x128xf32, #tpu.memory_space<vmem>> -> memref<128x128xf32, #tpu.memory_space<vmem>>
      %dma_start3A_41 = arith.constant 0 : i32
      %dma_start3A_42 = tpu.memref_slice %arg6[%add3A_36, %dma_start3A_41] : memref<40x128xi32, #tpu.memory_space<vmem>> -> memref<1x128xi32, #tpu.memory_space<vmem>>
      %dma_start3A_43 = tpu.memref_squeeze %dma_start3A_42 : memref<1x128xi32, #tpu.memory_space<vmem>> -> memref<128xi32, #tpu.memory_space<vmem>>
      %dma_start3A_44 = arith.constant 0 : i32
      %dma_start3A_45 = arith.constant 0 : i32
      %dma_start3A_46 = tpu.memref_slice %arg2[%dma_start3A_44, %dma_start3A_45] : memref<10240x128xf32, #tpu.memory_space<hbm>> -> memref<10240x128xf32, #tpu.memory_space<hbm>>
      tpu.enqueue_indirect_dma source(%dma_start3A_46 : memref<10240x128xf32, #tpu.memory_space<hbm>>) target(%dma_start3A_40 : memref<128x128xf32, #tpu.memory_space<vmem>>) offsets(%dma_start3A_43 : memref<128xi32, #tpu.memory_space<vmem>>) semaphore(%arg10 : memref<!tpu.dma_semaphore, #tpu.memory_space<semaphore_mem>>)
      %mul3A_47 = arith.constant 2 : i32
      %mul3A_48 = arith.muli %scan3A_32, %mul3A_47 : i32
      %add3A_49 = arith.constant 1 : i32
      %add3A_50 = arith.addi %mul3A_48, %add3A_49 : i32
      %dma_start3A_51 = arith.constant 1 : i32
      %dma_start3A_52 = arith.constant 0 : i32
      %dma_start3A_53 = arith.constant 0 : i32
      %dma_start3A_54 = tpu.memref_slice %arg8[%dma_start3A_51, %dma_start3A_52, %dma_start3A_53] : memref<2x128x128xf32, #tpu.memory_space<vmem>> -> memref<1x128x128xf32, #tpu.memory_space<vmem>>
      %dma_start3A_55 = tpu.memref_squeeze %dma_start3A_54 : memref<1x128x128xf32, #tpu.memory_space<vmem>> -> memref<128x128xf32, #tpu.memory_space<vmem>>
      %dma_start3A_56 = arith.constant 0 : i32
      %dma_start3A_57 = tpu.memref_slice %arg6[%add3A_50, %dma_start3A_56] : memref<40x128xi32, #tpu.memory_space<vmem>> -> memref<1x128xi32, #tpu.memory_space<vmem>>
      %dma_start3A_58 = tpu.memref_squeeze %dma_start3A_57 : memref<1x128xi32, #tpu.memory_space<vmem>> -> memref<128xi32, #tpu.memory_space<vmem>>
      %dma_start3A_59 = arith.constant 0 : i32
      %dma_start3A_60 = arith.constant 0 : i32
      %dma_start3A_61 = tpu.memref_slice %arg2[%dma_start3A_59, %dma_start3A_60] : memref<10240x128xf32, #tpu.memory_space<hbm>> -> memref<10240x128xf32, #tpu.memory_space<hbm>>
      tpu.enqueue_indirect_dma source(%dma_start3A_61 : memref<10240x128xf32, #tpu.memory_space<hbm>>) target(%dma_start3A_55 : memref<128x128xf32, #tpu.memory_space<vmem>>) offsets(%dma_start3A_58 : memref<128xi32, #tpu.memory_space<vmem>>) semaphore(%arg11 : memref<!tpu.dma_semaphore, #tpu.memory_space<semaphore_mem>>)
      %dma_wait3A = arith.constant 0 : i32
      %dma_wait3A_62 = arith.constant 0 : i32
      %dma_wait3A_63 = arith.constant 0 : i32
      %dma_wait3A_64 = tpu.memref_slice %arg8[%dma_wait3A, %dma_wait3A_62, %dma_wait3A_63] : memref<2x128x128xf32, #tpu.memory_space<vmem>> -> memref<1x128x128xf32, #tpu.memory_space<vmem>>
      %dma_wait3A_65 = tpu.memref_squeeze %dma_wait3A_64 : memref<1x128x128xf32, #tpu.memory_space<vmem>> -> memref<128x128xf32, #tpu.memory_space<vmem>>
      %dma_wait3A_66 = arith.constant 0 : i32
      %dma_wait3A_67 = tpu.memref_slice %arg6[%add3A_36, %dma_wait3A_66] : memref<40x128xi32, #tpu.memory_space<vmem>> -> memref<1x128xi32, #tpu.memory_space<vmem>>
      %dma_wait3A_68 = tpu.memref_squeeze %dma_wait3A_67 : memref<1x128xi32, #tpu.memory_space<vmem>> -> memref<128xi32, #tpu.memory_space<vmem>>
      %dma_wait3A_69 = arith.constant 0 : i32
      %dma_wait3A_70 = arith.constant 0 : i32
      %dma_wait3A_71 = tpu.memref_slice %arg2[%dma_wait3A_69, %dma_wait3A_70] : memref<10240x128xf32, #tpu.memory_space<hbm>> -> memref<10240x128xf32, #tpu.memory_space<hbm>>
      tpu.wait_indirect_dma semaphore(%arg10 : memref<!tpu.dma_semaphore, #tpu.memory_space<semaphore_mem>>) src(%dma_wait3A_71 : memref<10240x128xf32, #tpu.memory_space<hbm>>) dst(%dma_wait3A_65 : memref<128x128xf32, #tpu.memory_space<vmem>>)
      %mul3A_72 = arith.constant 2 : i32
      %mul3A_73 = arith.muli %scan3A_32, %mul3A_72 : i32
      %add3A_74 = arith.constant 0 : i32
      %add3A_75 = arith.addi %mul3A_73, %add3A_74 : i32
      %run_scoped3A_76 = arith.constant 0 : i32
      "tpu.region"() ({
        %run_scoped3A_93 = tpu.sem_alloc : memref<!tpu.dma_semaphore, #tpu.memory_space<semaphore_mem>>
        %dma_start3A_94 = arith.constant 0 : i32
        %dma_start3A_95 = arith.constant 0 : i32
        %dma_start3A_96 = tpu.memref_slice %arg8[%run_scoped3A_76, %dma_start3A_94, %dma_start3A_95] : memref<2x128x128xf32, #tpu.memory_space<vmem>> -> memref<1x128x128xf32, #tpu.memory_space<vmem>>
        %dma_start3A_97 = tpu.memref_squeeze %dma_start3A_96 : memref<1x128x128xf32, #tpu.memory_space<vmem>> -> memref<128x128xf32, #tpu.memory_space<vmem>>
        %dma_start3A_98 = arith.constant 0 : i32
        %dma_start3A_99 = tpu.memref_slice %arg7[%add3A_75, %dma_start3A_98] : memref<40x128xi32, #tpu.memory_space<vmem>> -> memref<1x128xi32, #tpu.memory_space<vmem>>
        %dma_start3A_100 = tpu.memref_squeeze %dma_start3A_99 : memref<1x128xi32, #tpu.memory_space<vmem>> -> memref<128xi32, #tpu.memory_space<vmem>>
        %dma_start3A_101 = arith.constant 0 : i32
        %dma_start3A_102 = arith.constant 0 : i32
        %dma_start3A_103 = tpu.memref_slice %arg9[%dma_start3A_101, %dma_start3A_102] : memref<10240x128xf32, #tpu.memory_space<vmem_shared>> -> memref<10240x128xf32, #tpu.memory_space<vmem_shared>>
        tpu.enqueue_indirect_dma source(%dma_start3A_97 : memref<128x128xf32, #tpu.memory_space<vmem>>) target(%dma_start3A_103 : memref<10240x128xf32, #tpu.memory_space<vmem_shared>>) offsets(%dma_start3A_100 : memref<128xi32, #tpu.memory_space<vmem>>) semaphore(%run_scoped3A_93 : memref<!tpu.dma_semaphore, #tpu.memory_space<semaphore_mem>>) {add = true}
        %dma_wait3A_104 = arith.constant 0 : i32
        %dma_wait3A_105 = arith.constant 0 : i32
        %dma_wait3A_106 = tpu.memref_slice %arg8[%run_scoped3A_76, %dma_wait3A_104, %dma_wait3A_105] : memref<2x128x128xf32, #tpu.memory_space<vmem>> -> memref<1x128x128xf32, #tpu.memory_space<vmem>>
        %dma_wait3A_107 = tpu.memref_squeeze %dma_wait3A_106 : memref<1x128x128xf32, #tpu.memory_space<vmem>> -> memref<128x128xf32, #tpu.memory_space<vmem>>
        %dma_wait3A_108 = arith.constant 0 : i32
        %dma_wait3A_109 = tpu.memref_slice %arg7[%add3A_75, %dma_wait3A_108] : memref<40x128xi32, #tpu.memory_space<vmem>> -> memref<1x128xi32, #tpu.memory_space<vmem>>
        %dma_wait3A_110 = tpu.memref_squeeze %dma_wait3A_109 : memref<1x128xi32, #tpu.memory_space<vmem>> -> memref<128xi32, #tpu.memory_space<vmem>>
        %dma_wait3A_111 = arith.constant 0 : i32
        %dma_wait3A_112 = arith.constant 0 : i32
        %dma_wait3A_113 = tpu.memref_slice %arg9[%dma_wait3A_111, %dma_wait3A_112] : memref<10240x128xf32, #tpu.memory_space<vmem_shared>> -> memref<10240x128xf32, #tpu.memory_space<vmem_shared>>
        tpu.wait_indirect_dma semaphore(%run_scoped3A_93 : memref<!tpu.dma_semaphore, #tpu.memory_space<semaphore_mem>>) src(%dma_wait3A_107 : memref<128x128xf32, #tpu.memory_space<vmem>>) dst(%dma_wait3A_113 : memref<10240x128xf32, #tpu.memory_space<vmem_shared>>)
        tpu.yield
      }) : () -> ()
      %dma_wait3A_77 = arith.constant 1 : i32
      %dma_wait3A_78 = arith.constant 0 : i32
      %dma_wait3A_79 = arith.constant 0 : i32
      %dma_wait3A_80 = tpu.memref_slice %arg8[%dma_wait3A_77, %dma_wait3A_78, %dma_wait3A_79] : memref<2x128x128xf32, #tpu.memory_space<vmem>> -> memref<1x128x128xf32, #tpu.memory_space<vmem>>
      %dma_wait3A_81 = tpu.memref_squeeze %dma_wait3A_80 : memref<1x128x128xf32, #tpu.memory_space<vmem>> -> memref<128x128xf32, #tpu.memory_space<vmem>>
      %dma_wait3A_82 = arith.constant 0 : i32
      %dma_wait3A_83 = tpu.memref_slice %arg6[%add3A_50, %dma_wait3A_82] : memref<40x128xi32, #tpu.memory_space<vmem>> -> memref<1x128xi32, #tpu.memory_space<vmem>>
      %dma_wait3A_84 = tpu.memref_squeeze %dma_wait3A_83 : memref<1x128xi32, #tpu.memory_space<vmem>> -> memref<128xi32, #tpu.memory_space<vmem>>
      %dma_wait3A_85 = arith.constant 0 : i32
      %dma_wait3A_86 = arith.constant 0 : i32
      %dma_wait3A_87 = tpu.memref_slice %arg2[%dma_wait3A_85, %dma_wait3A_86] : memref<10240x128xf32, #tpu.memory_space<hbm>> -> memref<10240x128xf32, #tpu.memory_space<hbm>>
      tpu.wait_indirect_dma semaphore(%arg11 : memref<!tpu.dma_semaphore, #tpu.memory_space<semaphore_mem>>) src(%dma_wait3A_87 : memref<10240x128xf32, #tpu.memory_space<hbm>>) dst(%dma_wait3A_81 : memref<128x128xf32, #tpu.memory_space<vmem>>)
      %mul3A_88 = arith.constant 2 : i32
      %mul3A_89 = arith.muli %scan3A_32, %mul3A_88 : i32
      %add3A_90 = arith.constant 1 : i32
      %add3A_91 = arith.addi %mul3A_89, %add3A_90 : i32
      %run_scoped3A_92 = arith.constant 1 : i32
      "tpu.region"() ({
        %run_scoped3A_93 = tpu.sem_alloc : memref<!tpu.dma_semaphore, #tpu.memory_space<semaphore_mem>>
        %dma_start3A_94 = arith.constant 0 : i32
        %dma_start3A_95 = arith.constant 0 : i32
        %dma_start3A_96 = tpu.memref_slice %arg8[%run_scoped3A_92, %dma_start3A_94, %dma_start3A_95] : memref<2x128x128xf32, #tpu.memory_space<vmem>> -> memref<1x128x128xf32, #tpu.memory_space<vmem>>
        %dma_start3A_97 = tpu.memref_squeeze %dma_start3A_96 : memref<1x128x128xf32, #tpu.memory_space<vmem>> -> memref<128x128xf32, #tpu.memory_space<vmem>>
        %dma_start3A_98 = arith.constant 0 : i32
        %dma_start3A_99 = tpu.memref_slice %arg7[%add3A_91, %dma_start3A_98] : memref<40x128xi32, #tpu.memory_space<vmem>> -> memref<1x128xi32, #tpu.memory_space<vmem>>
        %dma_start3A_100 = tpu.memref_squeeze %dma_start3A_99 : memref<1x128xi32, #tpu.memory_space<vmem>> -> memref<128xi32, #tpu.memory_space<vmem>>
        %dma_start3A_101 = arith.constant 0 : i32
        %dma_start3A_102 = arith.constant 0 : i32
        %dma_start3A_103 = tpu.memref_slice %arg9[%dma_start3A_101, %dma_start3A_102] : memref<10240x128xf32, #tpu.memory_space<vmem_shared>> -> memref<10240x128xf32, #tpu.memory_space<vmem_shared>>
        tpu.enqueue_indirect_dma source(%dma_start3A_97 : memref<128x128xf32, #tpu.memory_space<vmem>>) target(%dma_start3A_103 : memref<10240x128xf32, #tpu.memory_space<vmem_shared>>) offsets(%dma_start3A_100 : memref<128xi32, #tpu.memory_space<vmem>>) semaphore(%run_scoped3A_93 : memref<!tpu.dma_semaphore, #tpu.memory_space<semaphore_mem>>) {add = true}
        %dma_wait3A_104 = arith.constant 0 : i32
        %dma_wait3A_105 = arith.constant 0 : i32
        %dma_wait3A_106 = tpu.memref_slice %arg8[%run_scoped3A_92, %dma_wait3A_104, %dma_wait3A_105] : memref<2x128x128xf32, #tpu.memory_space<vmem>> -> memref<1x128x128xf32, #tpu.memory_space<vmem>>
        %dma_wait3A_107 = tpu.memref_squeeze %dma_wait3A_106 : memref<1x128x128xf32, #tpu.memory_space<vmem>> -> memref<128x128xf32, #tpu.memory_space<vmem>>
        %dma_wait3A_108 = arith.constant 0 : i32
        %dma_wait3A_109 = tpu.memref_slice %arg7[%add3A_91, %dma_wait3A_108] : memref<40x128xi32, #tpu.memory_space<vmem>> -> memref<1x128xi32, #tpu.memory_space<vmem>>
        %dma_wait3A_110 = tpu.memref_squeeze %dma_wait3A_109 : memref<1x128xi32, #tpu.memory_space<vmem>> -> memref<128xi32, #tpu.memory_space<vmem>>
        %dma_wait3A_111 = arith.constant 0 : i32
        %dma_wait3A_112 = arith.constant 0 : i32
        %dma_wait3A_113 = tpu.memref_slice %arg9[%dma_wait3A_111, %dma_wait3A_112] : memref<10240x128xf32, #tpu.memory_space<vmem_shared>> -> memref<10240x128xf32, #tpu.memory_space<vmem_shared>>
        tpu.wait_indirect_dma semaphore(%run_scoped3A_93 : memref<!tpu.dma_semaphore, #tpu.memory_space<semaphore_mem>>) src(%dma_wait3A_107 : memref<128x128xf32, #tpu.memory_space<vmem>>) dst(%dma_wait3A_113 : memref<10240x128xf32, #tpu.memory_space<vmem_shared>>)
        tpu.yield
      }) : () -> ()
    }
    %scan3A_25 = arith.constant 20 : i32
    "tpu.region"() ({
      %run_scoped3A_32 = tpu.sem_alloc : memref<!tpu.dma_semaphore, #tpu.memory_space<semaphore_mem>>
      %dma_start3A = arith.constant 40 : i32
      %dma_start3A_33 = arith.constant 0 : i32
      %dma_start3A_34 = tpu.memref_slice %arg3[%add3A, %dma_start3A, %dma_start3A_33] : memref<32x80x128xi32, #tpu.memory_space<hbm>> -> memref<1x40x128xi32, #tpu.memory_space<hbm>>
      %dma_start3A_35 = tpu.memref_squeeze %dma_start3A_34 : memref<1x40x128xi32, #tpu.memory_space<hbm>> -> memref<40x128xi32, #tpu.memory_space<hbm>>
      %dma_start3A_36 = arith.constant 40 : i32
      %dma_start3A_37 = arith.constant 0 : i32
      %dma_start3A_38 = tpu.memref_slice %arg3[%add3A, %dma_start3A_36, %dma_start3A_37] : memref<32x80x128xi32, #tpu.memory_space<hbm>> -> memref<1x40x128xi32, #tpu.memory_space<hbm>>
      %dma_start3A_39 = tpu.memref_squeeze %dma_start3A_38 : memref<1x40x128xi32, #tpu.memory_space<hbm>> -> memref<40x128xi32, #tpu.memory_space<hbm>>
      tpu.enqueue_dma source(%dma_start3A_39 : memref<40x128xi32, #tpu.memory_space<hbm>>) target(%arg6 : memref<40x128xi32, #tpu.memory_space<vmem>>) target_semaphore(%run_scoped3A_32 : memref<!tpu.dma_semaphore, #tpu.memory_space<semaphore_mem>>)
      %dma_wait3A = arith.constant 40 : i32
      %dma_wait3A_40 = arith.constant 0 : i32
      %dma_wait3A_41 = tpu.memref_slice %arg3[%add3A, %dma_wait3A, %dma_wait3A_40] : memref<32x80x128xi32, #tpu.memory_space<hbm>> -> memref<1x40x128xi32, #tpu.memory_space<hbm>>
      %dma_wait3A_42 = tpu.memref_squeeze %dma_wait3A_41 : memref<1x40x128xi32, #tpu.memory_space<hbm>> -> memref<40x128xi32, #tpu.memory_space<hbm>>
      %dma_wait3A_43 = arith.constant 40 : i32
      %dma_wait3A_44 = arith.constant 0 : i32
      %dma_wait3A_45 = tpu.memref_slice %arg3[%add3A, %dma_wait3A_43, %dma_wait3A_44] : memref<32x80x128xi32, #tpu.memory_space<hbm>> -> memref<1x40x128xi32, #tpu.memory_space<hbm>>
      %dma_wait3A_46 = tpu.memref_squeeze %dma_wait3A_45 : memref<1x40x128xi32, #tpu.memory_space<hbm>> -> memref<40x128xi32, #tpu.memory_space<hbm>>
      tpu.wait_dma2 semaphore(%run_scoped3A_32 : memref<!tpu.dma_semaphore, #tpu.memory_space<semaphore_mem>>) src(%dma_wait3A_46 : memref<40x128xi32, #tpu.memory_space<hbm>>) dst(%arg6 : memref<40x128xi32, #tpu.memory_space<vmem>>)
      tpu.yield
    }) : () -> ()
    "tpu.region"() ({
      %run_scoped3A_32 = tpu.sem_alloc : memref<!tpu.dma_semaphore, #tpu.memory_space<semaphore_mem>>
      %dma_start3A = arith.constant 40 : i32
      %dma_start3A_33 = arith.constant 0 : i32
      %dma_start3A_34 = tpu.memref_slice %arg4[%add3A, %dma_start3A, %dma_start3A_33] : memref<32x80x128xi32, #tpu.memory_space<hbm>> -> memref<1x40x128xi32, #tpu.memory_space<hbm>>
      %dma_start3A_35 = tpu.memref_squeeze %dma_start3A_34 : memref<1x40x128xi32, #tpu.memory_space<hbm>> -> memref<40x128xi32, #tpu.memory_space<hbm>>
      %dma_start3A_36 = arith.constant 40 : i32
      %dma_start3A_37 = arith.constant 0 : i32
      %dma_start3A_38 = tpu.memref_slice %arg4[%add3A, %dma_start3A_36, %dma_start3A_37] : memref<32x80x128xi32, #tpu.memory_space<hbm>> -> memref<1x40x128xi32, #tpu.memory_space<hbm>>
      %dma_start3A_39 = tpu.memref_squeeze %dma_start3A_38 : memref<1x40x128xi32, #tpu.memory_space<hbm>> -> memref<40x128xi32, #tpu.memory_space<hbm>>
      tpu.enqueue_dma source(%dma_start3A_39 : memref<40x128xi32, #tpu.memory_space<hbm>>) target(%arg7 : memref<40x128xi32, #tpu.memory_space<vmem>>) target_semaphore(%run_scoped3A_32 : memref<!tpu.dma_semaphore, #tpu.memory_space<semaphore_mem>>)
      %dma_wait3A = arith.constant 40 : i32
      %dma_wait3A_40 = arith.constant 0 : i32
      %dma_wait3A_41 = tpu.memref_slice %arg4[%add3A, %dma_wait3A, %dma_wait3A_40] : memref<32x80x128xi32, #tpu.memory_space<hbm>> -> memref<1x40x128xi32, #tpu.memory_space<hbm>>
      %dma_wait3A_42 = tpu.memref_squeeze %dma_wait3A_41 : memref<1x40x128xi32, #tpu.memory_space<hbm>> -> memref<40x128xi32, #tpu.memory_space<hbm>>
      %dma_wait3A_43 = arith.constant 40 : i32
      %dma_wait3A_44 = arith.constant 0 : i32
      %dma_wait3A_45 = tpu.memref_slice %arg4[%add3A, %dma_wait3A_43, %dma_wait3A_44] : memref<32x80x128xi32, #tpu.memory_space<hbm>> -> memref<1x40x128xi32, #tpu.memory_space<hbm>>
      %dma_wait3A_46 = tpu.memref_squeeze %dma_wait3A_45 : memref<1x40x128xi32, #tpu.memory_space<hbm>> -> memref<40x128xi32, #tpu.memory_space<hbm>>
      tpu.wait_dma2 semaphore(%run_scoped3A_32 : memref<!tpu.dma_semaphore, #tpu.memory_space<semaphore_mem>>) src(%dma_wait3A_46 : memref<40x128xi32, #tpu.memory_space<hbm>>) dst(%arg7 : memref<40x128xi32, #tpu.memory_space<vmem>>)
      tpu.yield
    }) : () -> ()
    %scan3A_26 = arith.constant 0 : i32
    %scan3A_27 = arith.constant 20 : i32
    %scan3A_28 = arith.addi %scan3A_26, %scan3A_27 : i32
    %scan3A_29 = arith.constant 1 : i32
    scf.for %scan3A_32 = %scan3A_26 to %scan3A_28 step %scan3A_29  : i32 {
      %mul3A_33 = arith.constant 2 : i32
      %mul3A_34 = arith.muli %scan3A_32, %mul3A_33 : i32
      %add3A_35 = arith.constant 0 : i32
      %add3A_36 = arith.addi %mul3A_34, %add3A_35 : i32
      %dma_start3A = arith.constant 0 : i32
      %dma_start3A_37 = arith.constant 0 : i32
      %dma_start3A_38 = arith.constant 0 : i32
      %dma_start3A_39 = tpu.memref_slice %arg8[%dma_start3A, %dma_start3A_37, %dma_start3A_38] : memref<2x128x128xf32, #tpu.memory_space<vmem>> -> memref<1x128x128xf32, #tpu.memory_space<vmem>>
      %dma_start3A_40 = tpu.memref_squeeze %dma_start3A_39 : memref<1x128x128xf32, #tpu.memory_space<vmem>> -> memref<128x128xf32, #tpu.memory_space<vmem>>
      %dma_start3A_41 = arith.constant 0 : i32
      %dma_start3A_42 = tpu.memref_slice %arg6[%add3A_36, %dma_start3A_41] : memref<40x128xi32, #tpu.memory_space<vmem>> -> memref<1x128xi32, #tpu.memory_space<vmem>>
      %dma_start3A_43 = tpu.memref_squeeze %dma_start3A_42 : memref<1x128xi32, #tpu.memory_space<vmem>> -> memref<128xi32, #tpu.memory_space<vmem>>
      %dma_start3A_44 = arith.constant 0 : i32
      %dma_start3A_45 = arith.constant 0 : i32
      %dma_start3A_46 = tpu.memref_slice %arg2[%dma_start3A_44, %dma_start3A_45] : memref<10240x128xf32, #tpu.memory_space<hbm>> -> memref<10240x128xf32, #tpu.memory_space<hbm>>
      tpu.enqueue_indirect_dma source(%dma_start3A_46 : memref<10240x128xf32, #tpu.memory_space<hbm>>) target(%dma_start3A_40 : memref<128x128xf32, #tpu.memory_space<vmem>>) offsets(%dma_start3A_43 : memref<128xi32, #tpu.memory_space<vmem>>) semaphore(%arg10 : memref<!tpu.dma_semaphore, #tpu.memory_space<semaphore_mem>>)
      %mul3A_47 = arith.constant 2 : i32
      %mul3A_48 = arith.muli %scan3A_32, %mul3A_47 : i32
      %add3A_49 = arith.constant 1 : i32
      %add3A_50 = arith.addi %mul3A_48, %add3A_49 : i32
      %dma_start3A_51 = arith.constant 1 : i32
      %dma_start3A_52 = arith.constant 0 : i32
      %dma_start3A_53 = arith.constant 0 : i32
      %dma_start3A_54 = tpu.memref_slice %arg8[%dma_start3A_51, %dma_start3A_52, %dma_start3A_53] : memref<2x128x128xf32, #tpu.memory_space<vmem>> -> memref<1x128x128xf32, #tpu.memory_space<vmem>>
      %dma_start3A_55 = tpu.memref_squeeze %dma_start3A_54 : memref<1x128x128xf32, #tpu.memory_space<vmem>> -> memref<128x128xf32, #tpu.memory_space<vmem>>
      %dma_start3A_56 = arith.constant 0 : i32
      %dma_start3A_57 = tpu.memref_slice %arg6[%add3A_50, %dma_start3A_56] : memref<40x128xi32, #tpu.memory_space<vmem>> -> memref<1x128xi32, #tpu.memory_space<vmem>>
      %dma_start3A_58 = tpu.memref_squeeze %dma_start3A_57 : memref<1x128xi32, #tpu.memory_space<vmem>> -> memref<128xi32, #tpu.memory_space<vmem>>
      %dma_start3A_59 = arith.constant 0 : i32
      %dma_start3A_60 = arith.constant 0 : i32
      %dma_start3A_61 = tpu.memref_slice %arg2[%dma_start3A_59, %dma_start3A_60] : memref<10240x128xf32, #tpu.memory_space<hbm>> -> memref<10240x128xf32, #tpu.memory_space<hbm>>
      tpu.enqueue_indirect_dma source(%dma_start3A_61 : memref<10240x128xf32, #tpu.memory_space<hbm>>) target(%dma_start3A_55 : memref<128x128xf32, #tpu.memory_space<vmem>>) offsets(%dma_start3A_58 : memref<128xi32, #tpu.memory_space<vmem>>) semaphore(%arg11 : memref<!tpu.dma_semaphore, #tpu.memory_space<semaphore_mem>>)
      %dma_wait3A = arith.constant 0 : i32
      %dma_wait3A_62 = arith.constant 0 : i32
      %dma_wait3A_63 = arith.constant 0 : i32
      %dma_wait3A_64 = tpu.memref_slice %arg8[%dma_wait3A, %dma_wait3A_62, %dma_wait3A_63] : memref<2x128x128xf32, #tpu.memory_space<vmem>> -> memref<1x128x128xf32, #tpu.memory_space<vmem>>
      %dma_wait3A_65 = tpu.memref_squeeze %dma_wait3A_64 : memref<1x128x128xf32, #tpu.memory_space<vmem>> -> memref<128x128xf32, #tpu.memory_space<vmem>>
      %dma_wait3A_66 = arith.constant 0 : i32
      %dma_wait3A_67 = tpu.memref_slice %arg6[%add3A_36, %dma_wait3A_66] : memref<40x128xi32, #tpu.memory_space<vmem>> -> memref<1x128xi32, #tpu.memory_space<vmem>>
      %dma_wait3A_68 = tpu.memref_squeeze %dma_wait3A_67 : memref<1x128xi32, #tpu.memory_space<vmem>> -> memref<128xi32, #tpu.memory_space<vmem>>
      %dma_wait3A_69 = arith.constant 0 : i32
      %dma_wait3A_70 = arith.constant 0 : i32
      %dma_wait3A_71 = tpu.memref_slice %arg2[%dma_wait3A_69, %dma_wait3A_70] : memref<10240x128xf32, #tpu.memory_space<hbm>> -> memref<10240x128xf32, #tpu.memory_space<hbm>>
      tpu.wait_indirect_dma semaphore(%arg10 : memref<!tpu.dma_semaphore, #tpu.memory_space<semaphore_mem>>) src(%dma_wait3A_71 : memref<10240x128xf32, #tpu.memory_space<hbm>>) dst(%dma_wait3A_65 : memref<128x128xf32, #tpu.memory_space<vmem>>)
      %mul3A_72 = arith.constant 2 : i32
      %mul3A_73 = arith.muli %scan3A_32, %mul3A_72 : i32
      %add3A_74 = arith.constant 0 : i32
      %add3A_75 = arith.addi %mul3A_73, %add3A_74 : i32
      %run_scoped3A_76 = arith.constant 0 : i32
      "tpu.region"() ({
        %run_scoped3A_93 = tpu.sem_alloc : memref<!tpu.dma_semaphore, #tpu.memory_space<semaphore_mem>>
        %dma_start3A_94 = arith.constant 0 : i32
        %dma_start3A_95 = arith.constant 0 : i32
        %dma_start3A_96 = tpu.memref_slice %arg8[%run_scoped3A_76, %dma_start3A_94, %dma_start3A_95] : memref<2x128x128xf32, #tpu.memory_space<vmem>> -> memref<1x128x128xf32, #tpu.memory_space<vmem>>
        %dma_start3A_97 = tpu.memref_squeeze %dma_start3A_96 : memref<1x128x128xf32, #tpu.memory_space<vmem>> -> memref<128x128xf32, #tpu.memory_space<vmem>>
        %dma_start3A_98 = arith.constant 0 : i32
        %dma_start3A_99 = tpu.memref_slice %arg7[%add3A_75, %dma_start3A_98] : memref<40x128xi32, #tpu.memory_space<vmem>> -> memref<1x128xi32, #tpu.memory_space<vmem>>
        %dma_start3A_100 = tpu.memref_squeeze %dma_start3A_99 : memref<1x128xi32, #tpu.memory_space<vmem>> -> memref<128xi32, #tpu.memory_space<vmem>>
        %dma_start3A_101 = arith.constant 0 : i32
        %dma_start3A_102 = arith.constant 0 : i32
        %dma_start3A_103 = tpu.memref_slice %arg9[%dma_start3A_101, %dma_start3A_102] : memref<10240x128xf32, #tpu.memory_space<vmem_shared>> -> memref<10240x128xf32, #tpu.memory_space<vmem_shared>>
        tpu.enqueue_indirect_dma source(%dma_start3A_97 : memref<128x128xf32, #tpu.memory_space<vmem>>) target(%dma_start3A_103 : memref<10240x128xf32, #tpu.memory_space<vmem_shared>>) offsets(%dma_start3A_100 : memref<128xi32, #tpu.memory_space<vmem>>) semaphore(%run_scoped3A_93 : memref<!tpu.dma_semaphore, #tpu.memory_space<semaphore_mem>>) {add = true}
        %dma_wait3A_104 = arith.constant 0 : i32
        %dma_wait3A_105 = arith.constant 0 : i32
        %dma_wait3A_106 = tpu.memref_slice %arg8[%run_scoped3A_76, %dma_wait3A_104, %dma_wait3A_105] : memref<2x128x128xf32, #tpu.memory_space<vmem>> -> memref<1x128x128xf32, #tpu.memory_space<vmem>>
        %dma_wait3A_107 = tpu.memref_squeeze %dma_wait3A_106 : memref<1x128x128xf32, #tpu.memory_space<vmem>> -> memref<128x128xf32, #tpu.memory_space<vmem>>
        %dma_wait3A_108 = arith.constant 0 : i32
        %dma_wait3A_109 = tpu.memref_slice %arg7[%add3A_75, %dma_wait3A_108] : memref<40x128xi32, #tpu.memory_space<vmem>> -> memref<1x128xi32, #tpu.memory_space<vmem>>
        %dma_wait3A_110 = tpu.memref_squeeze %dma_wait3A_109 : memref<1x128xi32, #tpu.memory_space<vmem>> -> memref<128xi32, #tpu.memory_space<vmem>>
        %dma_wait3A_111 = arith.constant 0 : i32
        %dma_wait3A_112 = arith.constant 0 : i32
        %dma_wait3A_113 = tpu.memref_slice %arg9[%dma_wait3A_111, %dma_wait3A_112] : memref<10240x128xf32, #tpu.memory_space<vmem_shared>> -> memref<10240x128xf32, #tpu.memory_space<vmem_shared>>
        tpu.wait_indirect_dma semaphore(%run_scoped3A_93 : memref<!tpu.dma_semaphore, #tpu.memory_space<semaphore_mem>>) src(%dma_wait3A_107 : memref<128x128xf32, #tpu.memory_space<vmem>>) dst(%dma_wait3A_113 : memref<10240x128xf32, #tpu.memory_space<vmem_shared>>)
        tpu.yield
      }) : () -> ()
      %dma_wait3A_77 = arith.constant 1 : i32
      %dma_wait3A_78 = arith.constant 0 : i32
      %dma_wait3A_79 = arith.constant 0 : i32
      %dma_wait3A_80 = tpu.memref_slice %arg8[%dma_wait3A_77, %dma_wait3A_78, %dma_wait3A_79] : memref<2x128x128xf32, #tpu.memory_space<vmem>> -> memref<1x128x128xf32, #tpu.memory_space<vmem>>
      %dma_wait3A_81 = tpu.memref_squeeze %dma_wait3A_80 : memref<1x128x128xf32, #tpu.memory_space<vmem>> -> memref<128x128xf32, #tpu.memory_space<vmem>>
      %dma_wait3A_82 = arith.constant 0 : i32
      %dma_wait3A_83 = tpu.memref_slice %arg6[%add3A_50, %dma_wait3A_82] : memref<40x128xi32, #tpu.memory_space<vmem>> -> memref<1x128xi32, #tpu.memory_space<vmem>>
      %dma_wait3A_84 = tpu.memref_squeeze %dma_wait3A_83 : memref<1x128xi32, #tpu.memory_space<vmem>> -> memref<128xi32, #tpu.memory_space<vmem>>
      %dma_wait3A_85 = arith.constant 0 : i32
      %dma_wait3A_86 = arith.constant 0 : i32
      %dma_wait3A_87 = tpu.memref_slice %arg2[%dma_wait3A_85, %dma_wait3A_86] : memref<10240x128xf32, #tpu.memory_space<hbm>> -> memref<10240x128xf32, #tpu.memory_space<hbm>>
      tpu.wait_indirect_dma semaphore(%arg11 : memref<!tpu.dma_semaphore, #tpu.memory_space<semaphore_mem>>) src(%dma_wait3A_87 : memref<10240x128xf32, #tpu.memory_space<hbm>>) dst(%dma_wait3A_81 : memref<128x128xf32, #tpu.memory_space<vmem>>)
      %mul3A_88 = arith.constant 2 : i32
      %mul3A_89 = arith.muli %scan3A_32, %mul3A_88 : i32
      %add3A_90 = arith.constant 1 : i32
      %add3A_91 = arith.addi %mul3A_89, %add3A_90 : i32
      %run_scoped3A_92 = arith.constant 1 : i32
      "tpu.region"() ({
        %run_scoped3A_93 = tpu.sem_alloc : memref<!tpu.dma_semaphore, #tpu.memory_space<semaphore_mem>>
        %dma_start3A_94 = arith.constant 0 : i32
        %dma_start3A_95 = arith.constant 0 : i32
        %dma_start3A_96 = tpu.memref_slice %arg8[%run_scoped3A_92, %dma_start3A_94, %dma_start3A_95] : memref<2x128x128xf32, #tpu.memory_space<vmem>> -> memref<1x128x128xf32, #tpu.memory_space<vmem>>
        %dma_start3A_97 = tpu.memref_squeeze %dma_start3A_96 : memref<1x128x128xf32, #tpu.memory_space<vmem>> -> memref<128x128xf32, #tpu.memory_space<vmem>>
        %dma_start3A_98 = arith.constant 0 : i32
        %dma_start3A_99 = tpu.memref_slice %arg7[%add3A_91, %dma_start3A_98] : memref<40x128xi32, #tpu.memory_space<vmem>> -> memref<1x128xi32, #tpu.memory_space<vmem>>
        %dma_start3A_100 = tpu.memref_squeeze %dma_start3A_99 : memref<1x128xi32, #tpu.memory_space<vmem>> -> memref<128xi32, #tpu.memory_space<vmem>>
        %dma_start3A_101 = arith.constant 0 : i32
        %dma_start3A_102 = arith.constant 0 : i32
        %dma_start3A_103 = tpu.memref_slice %arg9[%dma_start3A_101, %dma_start3A_102] : memref<10240x128xf32, #tpu.memory_space<vmem_shared>> -> memref<10240x128xf32, #tpu.memory_space<vmem_shared>>
        tpu.enqueue_indirect_dma source(%dma_start3A_97 : memref<128x128xf32, #tpu.memory_space<vmem>>) target(%dma_start3A_103 : memref<10240x128xf32, #tpu.memory_space<vmem_shared>>) offsets(%dma_start3A_100 : memref<128xi32, #tpu.memory_space<vmem>>) semaphore(%run_scoped3A_93 : memref<!tpu.dma_semaphore, #tpu.memory_space<semaphore_mem>>) {add = true}
        %dma_wait3A_104 = arith.constant 0 : i32
        %dma_wait3A_105 = arith.constant 0 : i32
        %dma_wait3A_106 = tpu.memref_slice %arg8[%run_scoped3A_92, %dma_wait3A_104, %dma_wait3A_105] : memref<2x128x128xf32, #tpu.memory_space<vmem>> -> memref<1x128x128xf32, #tpu.memory_space<vmem>>
        %dma_wait3A_107 = tpu.memref_squeeze %dma_wait3A_106 : memref<1x128x128xf32, #tpu.memory_space<vmem>> -> memref<128x128xf32, #tpu.memory_space<vmem>>
        %dma_wait3A_108 = arith.constant 0 : i32
        %dma_wait3A_109 = tpu.memref_slice %arg7[%add3A_91, %dma_wait3A_108] : memref<40x128xi32, #tpu.memory_space<vmem>> -> memref<1x128xi32, #tpu.memory_space<vmem>>
        %dma_wait3A_110 = tpu.memref_squeeze %dma_wait3A_109 : memref<1x128xi32, #tpu.memory_space<vmem>> -> memref<128xi32, #tpu.memory_space<vmem>>
        %dma_wait3A_111 = arith.constant 0 : i32
        %dma_wait3A_112 = arith.constant 0 : i32
        %dma_wait3A_113 = tpu.memref_slice %arg9[%dma_wait3A_111, %dma_wait3A_112] : memref<10240x128xf32, #tpu.memory_space<vmem_shared>> -> memref<10240x128xf32, #tpu.memory_space<vmem_shared>>
        tpu.wait_indirect_dma semaphore(%run_scoped3A_93 : memref<!tpu.dma_semaphore, #tpu.memory_space<semaphore_mem>>) src(%dma_wait3A_107 : memref<128x128xf32, #tpu.memory_space<vmem>>) dst(%dma_wait3A_113 : memref<10240x128xf32, #tpu.memory_space<vmem_shared>>)
        tpu.yield
      }) : () -> ()
    }
    %scan3A_30 = arith.constant 20 : i32
    %barrier3A_31 = arith.constant 0 : index
    tpu.barrier barrier_id(%barrier3A_31)
    "tpu.region"() ({
      %run_scoped3A_32 = tpu.sem_alloc : memref<!tpu.dma_semaphore, #tpu.memory_space<semaphore_mem>>
      %dma_start3A = arith.constant 0 : i32
      %dma_start3A_33 = tpu.memref_slice %arg5[%arg0, %mul3A_6, %dma_start3A] : memref<2x10240x128xf32, #tpu.memory_space<hbm>> -> memref<1x640x128xf32, #tpu.memory_space<hbm>>
      %dma_start3A_34 = tpu.memref_squeeze %dma_start3A_33 : memref<1x640x128xf32, #tpu.memory_space<hbm>> -> memref<640x128xf32, #tpu.memory_space<hbm>>
      %dma_start3A_35 = arith.constant 0 : i32
      %dma_start3A_36 = tpu.memref_slice %arg9[%mul3A_6, %dma_start3A_35] : memref<10240x128xf32, #tpu.memory_space<vmem_shared>> -> memref<640x128xf32, #tpu.memory_space<vmem_shared>>
      tpu.enqueue_dma source(%dma_start3A_36 : memref<640x128xf32, #tpu.memory_space<vmem_shared>>) target(%dma_start3A_34 : memref<640x128xf32, #tpu.memory_space<hbm>>) target_semaphore(%run_scoped3A_32 : memref<!tpu.dma_semaphore, #tpu.memory_space<semaphore_mem>>)
      %dma_wait3A = arith.constant 0 : i32
      %dma_wait3A_37 = tpu.memref_slice %arg5[%arg0, %mul3A_6, %dma_wait3A] : memref<2x10240x128xf32, #tpu.memory_space<hbm>> -> memref<1x640x128xf32, #tpu.memory_space<hbm>>
      %dma_wait3A_38 = tpu.memref_squeeze %dma_wait3A_37 : memref<1x640x128xf32, #tpu.memory_space<hbm>> -> memref<640x128xf32, #tpu.memory_space<hbm>>
      %dma_wait3A_39 = arith.constant 0 : i32
      %dma_wait3A_40 = tpu.memref_slice %arg9[%mul3A_6, %dma_wait3A_39] : memref<10240x128xf32, #tpu.memory_space<vmem_shared>> -> memref<640x128xf32, #tpu.memory_space<vmem_shared>>
      tpu.wait_dma2 semaphore(%run_scoped3A_32 : memref<!tpu.dma_semaphore, #tpu.memory_space<semaphore_mem>>) src(%dma_wait3A_40 : memref<640x128xf32, #tpu.memory_space<vmem_shared>>) dst(%dma_wait3A_38 : memref<640x128xf32, #tpu.memory_space<hbm>>)
      tpu.yield
    }) : () -> ()
    return
  }
}

#map = affine_map<(d0, d1) -> (0, 0)>
#map1 = affine_map<(d0, d1) -> (0, 0, 0)>
module attributes {stable_mosaic.version = 14 : i64} {
  func.func @_agg_kernel(%arg0: i32, %arg1: i32, %arg2: memref<10240x128xf32, #tpu.memory_space<hbm>>, %arg3: memref<32x80x128xi32, #tpu.memory_space<hbm>>, %arg4: memref<32x80x128xi32, #tpu.memory_space<hbm>>, %arg5: memref<2x10240x128xf32, #tpu.memory_space<hbm>>, %arg6: memref<40x128xi32, #tpu.memory_space<vmem>>, %arg7: memref<40x128xi32, #tpu.memory_space<vmem>>, %arg8: memref<2x128x128xf32, #tpu.memory_space<vmem>>, %arg9: memref<10240x128xf32, #tpu.memory_space<vmem_shared>>, %arg10: memref<!tpu.dma_semaphore, #tpu.memory_space<semaphore_mem>>, %arg11: memref<!tpu.dma_semaphore, #tpu.memory_space<semaphore_mem>>, %arg12: memref<!tpu.dma_semaphore, #tpu.memory_space<semaphore_mem>>, %arg13: memref<!tpu.dma_semaphore, #tpu.memory_space<semaphore_mem>>) attributes {dimension_semantics = [#tpu.dimension_semantics<core_parallel>, #tpu.dimension_semantics<subcore_parallel>], iteration_bounds = array<i64: 2, 16>, scalar_prefetch = 0 : i64, scratch_operands = 8 : i64, tpu.core_type = #tpu.core_type<sc_vector_subcore>, window_params = [{transform_indices = #map}, {transform_indices = #map1}, {transform_indices = #map1}, {transform_indices = #map1}]} {
    %mul3A = arith.constant 2 : i32
    %mul3A_0 = arith.muli %arg1, %mul3A : i32
    %add3A = arith.addi %mul3A_0, %arg0 : i32
    %scan3A = arith.constant 0 : i32
    %scan3A_1 = arith.constant 128 : i32
    %scan3A_2 = arith.addi %scan3A, %scan3A_1 : i32
    %scan3A_3 = arith.constant 1 : i32
    scf.for %scan3A_32 = %scan3A to %scan3A_2 step %scan3A_3  : i32 {
      %scan3A_33 = arith.constant 0 : i32
      %scan3A_34 = arith.constant 8 : i32
      %scan3A_35 = arith.addi %scan3A_33, %scan3A_34 : i32
      %scan3A_36 = arith.constant 1 : i32
      scf.for %scan3A_38 = %scan3A_33 to %scan3A_35 step %scan3A_36  : i32 {
        %broadcast_in_dim3A = arith.constant 0.000000e+00 : f32
        %broadcast_in_dim3A_39 = vector.broadcast %broadcast_in_dim3A : f32 to vector<16xf32>
        %mul3A_40 = arith.constant 16 : i32
        %mul3A_41 = arith.muli %scan3A_38, %mul3A_40 : i32
        %swap3A = arith.constant 0 : i32
        %swap3A_42 = arith.index_cast %swap3A : i32 to index
        %swap3A_43 = arith.index_cast %scan3A_32 : i32 to index
        %swap3A_44 = arith.index_cast %mul3A_41 : i32 to index
        %swap3A_45 = tpu.vector_load %arg8[%swap3A_42, %swap3A_43, %swap3A_44] {strides = array<i32>} : memref<2x128x128xf32, #tpu.memory_space<vmem>>, vector<1x1x16xf32>,
        %swap3A_46 = vector.shape_cast %swap3A_45 : vector<1x1x16xf32> to vector<16xf32>
        %swap3A_47 = vector.shape_cast %broadcast_in_dim3A_39 : vector<16xf32> to vector<1x1x16xf32>
        tpu.vector_store %arg8[%swap3A_42, %swap3A_43, %swap3A_44], %swap3A_47 {strides = array<i32>} : memref<2x128x128xf32, #tpu.memory_space<vmem>>, vector<1x1x16xf32>,
      }
      %scan3A_37 = arith.constant 8 : i32
    }
    %scan3A_4 = arith.constant 128 : i32
    %mul3A_5 = arith.constant 640 : i32
    %mul3A_6 = arith.muli %arg1, %mul3A_5 : i32
    %add3A_7 = arith.constant 0 : i32
    %add3A_8 = arith.addi %mul3A_6, %add3A_7 : i32
    %run_scoped3A = arith.constant 0 : i32
    "tpu.region"() ({
      %run_scoped3A_32 = tpu.sem_alloc : memref<!tpu.dma_semaphore, #tpu.memory_space<semaphore_mem>>
      %dma_start3A = arith.constant 0 : i32
      %dma_start3A_33 = arith.constant 0 : i32
      %dma_start3A_34 = tpu.memref_slice %arg8[%run_scoped3A, %dma_start3A, %dma_start3A_33] : memref<2x128x128xf32, #tpu.memory_space<vmem>> -> memref<1x128x128xf32, #tpu.memory_space<vmem>>
      %dma_start3A_35 = tpu.memref_squeeze %dma_start3A_34 : memref<1x128x128xf32, #tpu.memory_space<vmem>> -> memref<128x128xf32, #tpu.memory_space<vmem>>
      %dma_start3A_36 = arith.constant 0 : i32
      %dma_start3A_37 = tpu.memref_slice %arg9[%add3A_8, %dma_start3A_36] : memref<10240x128xf32, #tpu.memory_space<vmem_shared>> -> memref<128x128xf32, #tpu.memory_space<vmem_shared>>
      %dma_start3A_38 = arith.constant 0 : i32
      %dma_start3A_39 = tpu.memref_slice %arg9[%add3A_8, %dma_start3A_38] : memref<10240x128xf32, #tpu.memory_space<vmem_shared>> -> memref<128x128xf32, #tpu.memory_space<vmem_shared>>
      %dma_start3A_40 = arith.constant 0 : i32
      %dma_start3A_41 = arith.constant 0 : i32
      %dma_start3A_42 = tpu.memref_slice %arg8[%run_scoped3A, %dma_start3A_40, %dma_start3A_41] : memref<2x128x128xf32, #tpu.memory_space<vmem>> -> memref<1x128x128xf32, #tpu.memory_space<vmem>>
      %dma_start3A_43 = tpu.memref_squeeze %dma_start3A_42 : memref<1x128x128xf32, #tpu.memory_space<vmem>> -> memref<128x128xf32, #tpu.memory_space<vmem>>
      tpu.enqueue_dma source(%dma_start3A_43 : memref<128x128xf32, #tpu.memory_space<vmem>>) target(%dma_start3A_39 : memref<128x128xf32, #tpu.memory_space<vmem_shared>>) target_semaphore(%run_scoped3A_32 : memref<!tpu.dma_semaphore, #tpu.memory_space<semaphore_mem>>)
      %dma_wait3A = arith.constant 0 : i32
      %dma_wait3A_44 = arith.constant 0 : i32
      %dma_wait3A_45 = tpu.memref_slice %arg8[%run_scoped3A, %dma_wait3A, %dma_wait3A_44] : memref<2x128x128xf32, #tpu.memory_space<vmem>> -> memref<1x128x128xf32, #tpu.memory_space<vmem>>
      %dma_wait3A_46 = tpu.memref_squeeze %dma_wait3A_45 : memref<1x128x128xf32, #tpu.memory_space<vmem>> -> memref<128x128xf32, #tpu.memory_space<vmem>>
      %dma_wait3A_47 = arith.constant 0 : i32
      %dma_wait3A_48 = tpu.memref_slice %arg9[%add3A_8, %dma_wait3A_47] : memref<10240x128xf32, #tpu.memory_space<vmem_shared>> -> memref<128x128xf32, #tpu.memory_space<vmem_shared>>
      %dma_wait3A_49 = arith.constant 0 : i32
      %dma_wait3A_50 = tpu.memref_slice %arg9[%add3A_8, %dma_wait3A_49] : memref<10240x128xf32, #tpu.memory_space<vmem_shared>> -> memref<128x128xf32, #tpu.memory_space<vmem_shared>>
      %dma_wait3A_51 = arith.constant 0 : i32
      %dma_wait3A_52 = arith.constant 0 : i32
      %dma_wait3A_53 = tpu.memref_slice %arg8[%run_scoped3A, %dma_wait3A_51, %dma_wait3A_52] : memref<2x128x128xf32, #tpu.memory_space<vmem>> -> memref<1x128x128xf32, #tpu.memory_space<vmem>>
      %dma_wait3A_54 = tpu.memref_squeeze %dma_wait3A_53 : memref<1x128x128xf32, #tpu.memory_space<vmem>> -> memref<128x128xf32, #tpu.memory_space<vmem>>
      tpu.wait_dma2 semaphore(%run_scoped3A_32 : memref<!tpu.dma_semaphore, #tpu.memory_space<semaphore_mem>>) src(%dma_wait3A_54 : memref<128x128xf32, #tpu.memory_space<vmem>>) dst(%dma_wait3A_50 : memref<128x128xf32, #tpu.memory_space<vmem_shared>>)
      tpu.yield
    }) : () -> ()
    %add3A_9 = arith.constant 128 : i32
    %add3A_10 = arith.addi %mul3A_6, %add3A_9 : i32
    %run_scoped3A_11 = arith.constant 0 : i32
    "tpu.region"() ({
      %run_scoped3A_32 = tpu.sem_alloc : memref<!tpu.dma_semaphore, #tpu.memory_space<semaphore_mem>>
      %dma_start3A = arith.constant 0 : i32
      %dma_start3A_33 = arith.constant 0 : i32
      %dma_start3A_34 = tpu.memref_slice %arg8[%run_scoped3A_11, %dma_start3A, %dma_start3A_33] : memref<2x128x128xf32, #tpu.memory_space<vmem>> -> memref<1x128x128xf32, #tpu.memory_space<vmem>>
      %dma_start3A_35 = tpu.memref_squeeze %dma_start3A_34 : memref<1x128x128xf32, #tpu.memory_space<vmem>> -> memref<128x128xf32, #tpu.memory_space<vmem>>
      %dma_start3A_36 = arith.constant 0 : i32
      %dma_start3A_37 = tpu.memref_slice %arg9[%add3A_10, %dma_start3A_36] : memref<10240x128xf32, #tpu.memory_space<vmem_shared>> -> memref<128x128xf32, #tpu.memory_space<vmem_shared>>
      %dma_start3A_38 = arith.constant 0 : i32
      %dma_start3A_39 = tpu.memref_slice %arg9[%add3A_10, %dma_start3A_38] : memref<10240x128xf32, #tpu.memory_space<vmem_shared>> -> memref<128x128xf32, #tpu.memory_space<vmem_shared>>
      %dma_start3A_40 = arith.constant 0 : i32
      %dma_start3A_41 = arith.constant 0 : i32
      %dma_start3A_42 = tpu.memref_slice %arg8[%run_scoped3A_11, %dma_start3A_40, %dma_start3A_41] : memref<2x128x128xf32, #tpu.memory_space<vmem>> -> memref<1x128x128xf32, #tpu.memory_space<vmem>>
      %dma_start3A_43 = tpu.memref_squeeze %dma_start3A_42 : memref<1x128x128xf32, #tpu.memory_space<vmem>> -> memref<128x128xf32, #tpu.memory_space<vmem>>
      tpu.enqueue_dma source(%dma_start3A_43 : memref<128x128xf32, #tpu.memory_space<vmem>>) target(%dma_start3A_39 : memref<128x128xf32, #tpu.memory_space<vmem_shared>>) target_semaphore(%run_scoped3A_32 : memref<!tpu.dma_semaphore, #tpu.memory_space<semaphore_mem>>)
      %dma_wait3A = arith.constant 0 : i32
      %dma_wait3A_44 = arith.constant 0 : i32
      %dma_wait3A_45 = tpu.memref_slice %arg8[%run_scoped3A_11, %dma_wait3A, %dma_wait3A_44] : memref<2x128x128xf32, #tpu.memory_space<vmem>> -> memref<1x128x128xf32, #tpu.memory_space<vmem>>
      %dma_wait3A_46 = tpu.memref_squeeze %dma_wait3A_45 : memref<1x128x128xf32, #tpu.memory_space<vmem>> -> memref<128x128xf32, #tpu.memory_space<vmem>>
      %dma_wait3A_47 = arith.constant 0 : i32
      %dma_wait3A_48 = tpu.memref_slice %arg9[%add3A_10, %dma_wait3A_47] : memref<10240x128xf32, #tpu.memory_space<vmem_shared>> -> memref<128x128xf32, #tpu.memory_space<vmem_shared>>
      %dma_wait3A_49 = arith.constant 0 : i32
      %dma_wait3A_50 = tpu.memref_slice %arg9[%add3A_10, %dma_wait3A_49] : memref<10240x128xf32, #tpu.memory_space<vmem_shared>> -> memref<128x128xf32, #tpu.memory_space<vmem_shared>>
      %dma_wait3A_51 = arith.constant 0 : i32
      %dma_wait3A_52 = arith.constant 0 : i32
      %dma_wait3A_53 = tpu.memref_slice %arg8[%run_scoped3A_11, %dma_wait3A_51, %dma_wait3A_52] : memref<2x128x128xf32, #tpu.memory_space<vmem>> -> memref<1x128x128xf32, #tpu.memory_space<vmem>>
      %dma_wait3A_54 = tpu.memref_squeeze %dma_wait3A_53 : memref<1x128x128xf32, #tpu.memory_space<vmem>> -> memref<128x128xf32, #tpu.memory_space<vmem>>
      tpu.wait_dma2 semaphore(%run_scoped3A_32 : memref<!tpu.dma_semaphore, #tpu.memory_space<semaphore_mem>>) src(%dma_wait3A_54 : memref<128x128xf32, #tpu.memory_space<vmem>>) dst(%dma_wait3A_50 : memref<128x128xf32, #tpu.memory_space<vmem_shared>>)
      tpu.yield
    }) : () -> ()
    %add3A_12 = arith.constant 256 : i32
    %add3A_13 = arith.addi %mul3A_6, %add3A_12 : i32
    %run_scoped3A_14 = arith.constant 0 : i32
    "tpu.region"() ({
      %run_scoped3A_32 = tpu.sem_alloc : memref<!tpu.dma_semaphore, #tpu.memory_space<semaphore_mem>>
      %dma_start3A = arith.constant 0 : i32
      %dma_start3A_33 = arith.constant 0 : i32
      %dma_start3A_34 = tpu.memref_slice %arg8[%run_scoped3A_14, %dma_start3A, %dma_start3A_33] : memref<2x128x128xf32, #tpu.memory_space<vmem>> -> memref<1x128x128xf32, #tpu.memory_space<vmem>>
      %dma_start3A_35 = tpu.memref_squeeze %dma_start3A_34 : memref<1x128x128xf32, #tpu.memory_space<vmem>> -> memref<128x128xf32, #tpu.memory_space<vmem>>
      %dma_start3A_36 = arith.constant 0 : i32
      %dma_start3A_37 = tpu.memref_slice %arg9[%add3A_13, %dma_start3A_36] : memref<10240x128xf32, #tpu.memory_space<vmem_shared>> -> memref<128x128xf32, #tpu.memory_space<vmem_shared>>
      %dma_start3A_38 = arith.constant 0 : i32
      %dma_start3A_39 = tpu.memref_slice %arg9[%add3A_13, %dma_start3A_38] : memref<10240x128xf32, #tpu.memory_space<vmem_shared>> -> memref<128x128xf32, #tpu.memory_space<vmem_shared>>
      %dma_start3A_40 = arith.constant 0 : i32
      %dma_start3A_41 = arith.constant 0 : i32
      %dma_start3A_42 = tpu.memref_slice %arg8[%run_scoped3A_14, %dma_start3A_40, %dma_start3A_41] : memref<2x128x128xf32, #tpu.memory_space<vmem>> -> memref<1x128x128xf32, #tpu.memory_space<vmem>>
      %dma_start3A_43 = tpu.memref_squeeze %dma_start3A_42 : memref<1x128x128xf32, #tpu.memory_space<vmem>> -> memref<128x128xf32, #tpu.memory_space<vmem>>
      tpu.enqueue_dma source(%dma_start3A_43 : memref<128x128xf32, #tpu.memory_space<vmem>>) target(%dma_start3A_39 : memref<128x128xf32, #tpu.memory_space<vmem_shared>>) target_semaphore(%run_scoped3A_32 : memref<!tpu.dma_semaphore, #tpu.memory_space<semaphore_mem>>)
      %dma_wait3A = arith.constant 0 : i32
      %dma_wait3A_44 = arith.constant 0 : i32
      %dma_wait3A_45 = tpu.memref_slice %arg8[%run_scoped3A_14, %dma_wait3A, %dma_wait3A_44] : memref<2x128x128xf32, #tpu.memory_space<vmem>> -> memref<1x128x128xf32, #tpu.memory_space<vmem>>
      %dma_wait3A_46 = tpu.memref_squeeze %dma_wait3A_45 : memref<1x128x128xf32, #tpu.memory_space<vmem>> -> memref<128x128xf32, #tpu.memory_space<vmem>>
      %dma_wait3A_47 = arith.constant 0 : i32
      %dma_wait3A_48 = tpu.memref_slice %arg9[%add3A_13, %dma_wait3A_47] : memref<10240x128xf32, #tpu.memory_space<vmem_shared>> -> memref<128x128xf32, #tpu.memory_space<vmem_shared>>
      %dma_wait3A_49 = arith.constant 0 : i32
      %dma_wait3A_50 = tpu.memref_slice %arg9[%add3A_13, %dma_wait3A_49] : memref<10240x128xf32, #tpu.memory_space<vmem_shared>> -> memref<128x128xf32, #tpu.memory_space<vmem_shared>>
      %dma_wait3A_51 = arith.constant 0 : i32
      %dma_wait3A_52 = arith.constant 0 : i32
      %dma_wait3A_53 = tpu.memref_slice %arg8[%run_scoped3A_14, %dma_wait3A_51, %dma_wait3A_52] : memref<2x128x128xf32, #tpu.memory_space<vmem>> -> memref<1x128x128xf32, #tpu.memory_space<vmem>>
      %dma_wait3A_54 = tpu.memref_squeeze %dma_wait3A_53 : memref<1x128x128xf32, #tpu.memory_space<vmem>> -> memref<128x128xf32, #tpu.memory_space<vmem>>
      tpu.wait_dma2 semaphore(%run_scoped3A_32 : memref<!tpu.dma_semaphore, #tpu.memory_space<semaphore_mem>>) src(%dma_wait3A_54 : memref<128x128xf32, #tpu.memory_space<vmem>>) dst(%dma_wait3A_50 : memref<128x128xf32, #tpu.memory_space<vmem_shared>>)
      tpu.yield
    }) : () -> ()
    %add3A_15 = arith.constant 384 : i32
    %add3A_16 = arith.addi %mul3A_6, %add3A_15 : i32
    %run_scoped3A_17 = arith.constant 0 : i32
    "tpu.region"() ({
      %run_scoped3A_32 = tpu.sem_alloc : memref<!tpu.dma_semaphore, #tpu.memory_space<semaphore_mem>>
      %dma_start3A = arith.constant 0 : i32
      %dma_start3A_33 = arith.constant 0 : i32
      %dma_start3A_34 = tpu.memref_slice %arg8[%run_scoped3A_17, %dma_start3A, %dma_start3A_33] : memref<2x128x128xf32, #tpu.memory_space<vmem>> -> memref<1x128x128xf32, #tpu.memory_space<vmem>>
      %dma_start3A_35 = tpu.memref_squeeze %dma_start3A_34 : memref<1x128x128xf32, #tpu.memory_space<vmem>> -> memref<128x128xf32, #tpu.memory_space<vmem>>
      %dma_start3A_36 = arith.constant 0 : i32
      %dma_start3A_37 = tpu.memref_slice %arg9[%add3A_16, %dma_start3A_36] : memref<10240x128xf32, #tpu.memory_space<vmem_shared>> -> memref<128x128xf32, #tpu.memory_space<vmem_shared>>
      %dma_start3A_38 = arith.constant 0 : i32
      %dma_start3A_39 = tpu.memref_slice %arg9[%add3A_16, %dma_start3A_38] : memref<10240x128xf32, #tpu.memory_space<vmem_shared>> -> memref<128x128xf32, #tpu.memory_space<vmem_shared>>
      %dma_start3A_40 = arith.constant 0 : i32
      %dma_start3A_41 = arith.constant 0 : i32
      %dma_start3A_42 = tpu.memref_slice %arg8[%run_scoped3A_17, %dma_start3A_40, %dma_start3A_41] : memref<2x128x128xf32, #tpu.memory_space<vmem>> -> memref<1x128x128xf32, #tpu.memory_space<vmem>>
      %dma_start3A_43 = tpu.memref_squeeze %dma_start3A_42 : memref<1x128x128xf32, #tpu.memory_space<vmem>> -> memref<128x128xf32, #tpu.memory_space<vmem>>
      tpu.enqueue_dma source(%dma_start3A_43 : memref<128x128xf32, #tpu.memory_space<vmem>>) target(%dma_start3A_39 : memref<128x128xf32, #tpu.memory_space<vmem_shared>>) target_semaphore(%run_scoped3A_32 : memref<!tpu.dma_semaphore, #tpu.memory_space<semaphore_mem>>)
      %dma_wait3A = arith.constant 0 : i32
      %dma_wait3A_44 = arith.constant 0 : i32
      %dma_wait3A_45 = tpu.memref_slice %arg8[%run_scoped3A_17, %dma_wait3A, %dma_wait3A_44] : memref<2x128x128xf32, #tpu.memory_space<vmem>> -> memref<1x128x128xf32, #tpu.memory_space<vmem>>
      %dma_wait3A_46 = tpu.memref_squeeze %dma_wait3A_45 : memref<1x128x128xf32, #tpu.memory_space<vmem>> -> memref<128x128xf32, #tpu.memory_space<vmem>>
      %dma_wait3A_47 = arith.constant 0 : i32
      %dma_wait3A_48 = tpu.memref_slice %arg9[%add3A_16, %dma_wait3A_47] : memref<10240x128xf32, #tpu.memory_space<vmem_shared>> -> memref<128x128xf32, #tpu.memory_space<vmem_shared>>
      %dma_wait3A_49 = arith.constant 0 : i32
      %dma_wait3A_50 = tpu.memref_slice %arg9[%add3A_16, %dma_wait3A_49] : memref<10240x128xf32, #tpu.memory_space<vmem_shared>> -> memref<128x128xf32, #tpu.memory_space<vmem_shared>>
      %dma_wait3A_51 = arith.constant 0 : i32
      %dma_wait3A_52 = arith.constant 0 : i32
      %dma_wait3A_53 = tpu.memref_slice %arg8[%run_scoped3A_17, %dma_wait3A_51, %dma_wait3A_52] : memref<2x128x128xf32, #tpu.memory_space<vmem>> -> memref<1x128x128xf32, #tpu.memory_space<vmem>>
      %dma_wait3A_54 = tpu.memref_squeeze %dma_wait3A_53 : memref<1x128x128xf32, #tpu.memory_space<vmem>> -> memref<128x128xf32, #tpu.memory_space<vmem>>
      tpu.wait_dma2 semaphore(%run_scoped3A_32 : memref<!tpu.dma_semaphore, #tpu.memory_space<semaphore_mem>>) src(%dma_wait3A_54 : memref<128x128xf32, #tpu.memory_space<vmem>>) dst(%dma_wait3A_50 : memref<128x128xf32, #tpu.memory_space<vmem_shared>>)
      tpu.yield
    }) : () -> ()
    %add3A_18 = arith.constant 512 : i32
    %add3A_19 = arith.addi %mul3A_6, %add3A_18 : i32
    %run_scoped3A_20 = arith.constant 0 : i32
    "tpu.region"() ({
      %run_scoped3A_32 = tpu.sem_alloc : memref<!tpu.dma_semaphore, #tpu.memory_space<semaphore_mem>>
      %dma_start3A = arith.constant 0 : i32
      %dma_start3A_33 = arith.constant 0 : i32
      %dma_start3A_34 = tpu.memref_slice %arg8[%run_scoped3A_20, %dma_start3A, %dma_start3A_33] : memref<2x128x128xf32, #tpu.memory_space<vmem>> -> memref<1x128x128xf32, #tpu.memory_space<vmem>>
      %dma_start3A_35 = tpu.memref_squeeze %dma_start3A_34 : memref<1x128x128xf32, #tpu.memory_space<vmem>> -> memref<128x128xf32, #tpu.memory_space<vmem>>
      %dma_start3A_36 = arith.constant 0 : i32
      %dma_start3A_37 = tpu.memref_slice %arg9[%add3A_19, %dma_start3A_36] : memref<10240x128xf32, #tpu.memory_space<vmem_shared>> -> memref<128x128xf32, #tpu.memory_space<vmem_shared>>
      %dma_start3A_38 = arith.constant 0 : i32
      %dma_start3A_39 = tpu.memref_slice %arg9[%add3A_19, %dma_start3A_38] : memref<10240x128xf32, #tpu.memory_space<vmem_shared>> -> memref<128x128xf32, #tpu.memory_space<vmem_shared>>
      %dma_start3A_40 = arith.constant 0 : i32
      %dma_start3A_41 = arith.constant 0 : i32
      %dma_start3A_42 = tpu.memref_slice %arg8[%run_scoped3A_20, %dma_start3A_40, %dma_start3A_41] : memref<2x128x128xf32, #tpu.memory_space<vmem>> -> memref<1x128x128xf32, #tpu.memory_space<vmem>>
      %dma_start3A_43 = tpu.memref_squeeze %dma_start3A_42 : memref<1x128x128xf32, #tpu.memory_space<vmem>> -> memref<128x128xf32, #tpu.memory_space<vmem>>
      tpu.enqueue_dma source(%dma_start3A_43 : memref<128x128xf32, #tpu.memory_space<vmem>>) target(%dma_start3A_39 : memref<128x128xf32, #tpu.memory_space<vmem_shared>>) target_semaphore(%run_scoped3A_32 : memref<!tpu.dma_semaphore, #tpu.memory_space<semaphore_mem>>)
      %dma_wait3A = arith.constant 0 : i32
      %dma_wait3A_44 = arith.constant 0 : i32
      %dma_wait3A_45 = tpu.memref_slice %arg8[%run_scoped3A_20, %dma_wait3A, %dma_wait3A_44] : memref<2x128x128xf32, #tpu.memory_space<vmem>> -> memref<1x128x128xf32, #tpu.memory_space<vmem>>
      %dma_wait3A_46 = tpu.memref_squeeze %dma_wait3A_45 : memref<1x128x128xf32, #tpu.memory_space<vmem>> -> memref<128x128xf32, #tpu.memory_space<vmem>>
      %dma_wait3A_47 = arith.constant 0 : i32
      %dma_wait3A_48 = tpu.memref_slice %arg9[%add3A_19, %dma_wait3A_47] : memref<10240x128xf32, #tpu.memory_space<vmem_shared>> -> memref<128x128xf32, #tpu.memory_space<vmem_shared>>
      %dma_wait3A_49 = arith.constant 0 : i32
      %dma_wait3A_50 = tpu.memref_slice %arg9[%add3A_19, %dma_wait3A_49] : memref<10240x128xf32, #tpu.memory_space<vmem_shared>> -> memref<128x128xf32, #tpu.memory_space<vmem_shared>>
      %dma_wait3A_51 = arith.constant 0 : i32
      %dma_wait3A_52 = arith.constant 0 : i32
      %dma_wait3A_53 = tpu.memref_slice %arg8[%run_scoped3A_20, %dma_wait3A_51, %dma_wait3A_52] : memref<2x128x128xf32, #tpu.memory_space<vmem>> -> memref<1x128x128xf32, #tpu.memory_space<vmem>>
      %dma_wait3A_54 = tpu.memref_squeeze %dma_wait3A_53 : memref<1x128x128xf32, #tpu.memory_space<vmem>> -> memref<128x128xf32, #tpu.memory_space<vmem>>
      tpu.wait_dma2 semaphore(%run_scoped3A_32 : memref<!tpu.dma_semaphore, #tpu.memory_space<semaphore_mem>>) src(%dma_wait3A_54 : memref<128x128xf32, #tpu.memory_space<vmem>>) dst(%dma_wait3A_50 : memref<128x128xf32, #tpu.memory_space<vmem_shared>>)
      tpu.yield
    }) : () -> ()
    %barrier3A = arith.constant 0 : index
    tpu.barrier barrier_id(%barrier3A)
    "tpu.region"() ({
      %run_scoped3A_32 = tpu.sem_alloc : memref<!tpu.dma_semaphore, #tpu.memory_space<semaphore_mem>>
      %dma_start3A = arith.constant 0 : i32
      %dma_start3A_33 = arith.constant 0 : i32
      %dma_start3A_34 = tpu.memref_slice %arg3[%add3A, %dma_start3A, %dma_start3A_33] : memref<32x80x128xi32, #tpu.memory_space<hbm>> -> memref<1x40x128xi32, #tpu.memory_space<hbm>>
      %dma_start3A_35 = tpu.memref_squeeze %dma_start3A_34 : memref<1x40x128xi32, #tpu.memory_space<hbm>> -> memref<40x128xi32, #tpu.memory_space<hbm>>
      %dma_start3A_36 = arith.constant 0 : i32
      %dma_start3A_37 = arith.constant 0 : i32
      %dma_start3A_38 = tpu.memref_slice %arg3[%add3A, %dma_start3A_36, %dma_start3A_37] : memref<32x80x128xi32, #tpu.memory_space<hbm>> -> memref<1x40x128xi32, #tpu.memory_space<hbm>>
      %dma_start3A_39 = tpu.memref_squeeze %dma_start3A_38 : memref<1x40x128xi32, #tpu.memory_space<hbm>> -> memref<40x128xi32, #tpu.memory_space<hbm>>
      tpu.enqueue_dma source(%dma_start3A_39 : memref<40x128xi32, #tpu.memory_space<hbm>>) target(%arg6 : memref<40x128xi32, #tpu.memory_space<vmem>>) target_semaphore(%run_scoped3A_32 : memref<!tpu.dma_semaphore, #tpu.memory_space<semaphore_mem>>)
      %dma_wait3A = arith.constant 0 : i32
      %dma_wait3A_40 = arith.constant 0 : i32
      %dma_wait3A_41 = tpu.memref_slice %arg3[%add3A, %dma_wait3A, %dma_wait3A_40] : memref<32x80x128xi32, #tpu.memory_space<hbm>> -> memref<1x40x128xi32, #tpu.memory_space<hbm>>
      %dma_wait3A_42 = tpu.memref_squeeze %dma_wait3A_41 : memref<1x40x128xi32, #tpu.memory_space<hbm>> -> memref<40x128xi32, #tpu.memory_space<hbm>>
      %dma_wait3A_43 = arith.constant 0 : i32
      %dma_wait3A_44 = arith.constant 0 : i32
      %dma_wait3A_45 = tpu.memref_slice %arg3[%add3A, %dma_wait3A_43, %dma_wait3A_44] : memref<32x80x128xi32, #tpu.memory_space<hbm>> -> memref<1x40x128xi32, #tpu.memory_space<hbm>>
      %dma_wait3A_46 = tpu.memref_squeeze %dma_wait3A_45 : memref<1x40x128xi32, #tpu.memory_space<hbm>> -> memref<40x128xi32, #tpu.memory_space<hbm>>
      tpu.wait_dma2 semaphore(%run_scoped3A_32 : memref<!tpu.dma_semaphore, #tpu.memory_space<semaphore_mem>>) src(%dma_wait3A_46 : memref<40x128xi32, #tpu.memory_space<hbm>>) dst(%arg6 : memref<40x128xi32, #tpu.memory_space<vmem>>)
      tpu.yield
    }) : () -> ()
    "tpu.region"() ({
      %run_scoped3A_32 = tpu.sem_alloc : memref<!tpu.dma_semaphore, #tpu.memory_space<semaphore_mem>>
      %dma_start3A = arith.constant 0 : i32
      %dma_start3A_33 = arith.constant 0 : i32
      %dma_start3A_34 = tpu.memref_slice %arg4[%add3A, %dma_start3A, %dma_start3A_33] : memref<32x80x128xi32, #tpu.memory_space<hbm>> -> memref<1x40x128xi32, #tpu.memory_space<hbm>>
      %dma_start3A_35 = tpu.memref_squeeze %dma_start3A_34 : memref<1x40x128xi32, #tpu.memory_space<hbm>> -> memref<40x128xi32, #tpu.memory_space<hbm>>
      %dma_start3A_36 = arith.constant 0 : i32
      %dma_start3A_37 = arith.constant 0 : i32
      %dma_start3A_38 = tpu.memref_slice %arg4[%add3A, %dma_start3A_36, %dma_start3A_37] : memref<32x80x128xi32, #tpu.memory_space<hbm>> -> memref<1x40x128xi32, #tpu.memory_space<hbm>>
      %dma_start3A_39 = tpu.memref_squeeze %dma_start3A_38 : memref<1x40x128xi32, #tpu.memory_space<hbm>> -> memref<40x128xi32, #tpu.memory_space<hbm>>
      tpu.enqueue_dma source(%dma_start3A_39 : memref<40x128xi32, #tpu.memory_space<hbm>>) target(%arg7 : memref<40x128xi32, #tpu.memory_space<vmem>>) target_semaphore(%run_scoped3A_32 : memref<!tpu.dma_semaphore, #tpu.memory_space<semaphore_mem>>)
      %dma_wait3A = arith.constant 0 : i32
      %dma_wait3A_40 = arith.constant 0 : i32
      %dma_wait3A_41 = tpu.memref_slice %arg4[%add3A, %dma_wait3A, %dma_wait3A_40] : memref<32x80x128xi32, #tpu.memory_space<hbm>> -> memref<1x40x128xi32, #tpu.memory_space<hbm>>
      %dma_wait3A_42 = tpu.memref_squeeze %dma_wait3A_41 : memref<1x40x128xi32, #tpu.memory_space<hbm>> -> memref<40x128xi32, #tpu.memory_space<hbm>>
      %dma_wait3A_43 = arith.constant 0 : i32
      %dma_wait3A_44 = arith.constant 0 : i32
      %dma_wait3A_45 = tpu.memref_slice %arg4[%add3A, %dma_wait3A_43, %dma_wait3A_44] : memref<32x80x128xi32, #tpu.memory_space<hbm>> -> memref<1x40x128xi32, #tpu.memory_space<hbm>>
      %dma_wait3A_46 = tpu.memref_squeeze %dma_wait3A_45 : memref<1x40x128xi32, #tpu.memory_space<hbm>> -> memref<40x128xi32, #tpu.memory_space<hbm>>
      tpu.wait_dma2 semaphore(%run_scoped3A_32 : memref<!tpu.dma_semaphore, #tpu.memory_space<semaphore_mem>>) src(%dma_wait3A_46 : memref<40x128xi32, #tpu.memory_space<hbm>>) dst(%arg7 : memref<40x128xi32, #tpu.memory_space<vmem>>)
      tpu.yield
    }) : () -> ()
    %scan3A_21 = arith.constant 0 : i32
    %scan3A_22 = arith.constant 20 : i32
    %scan3A_23 = arith.addi %scan3A_21, %scan3A_22 : i32
    %scan3A_24 = arith.constant 1 : i32
    scf.for %scan3A_32 = %scan3A_21 to %scan3A_23 step %scan3A_24  : i32 {
      %mul3A_33 = arith.constant 2 : i32
      %mul3A_34 = arith.muli %scan3A_32, %mul3A_33 : i32
      %add3A_35 = arith.constant 0 : i32
      %add3A_36 = arith.addi %mul3A_34, %add3A_35 : i32
      %dma_start3A = arith.constant 0 : i32
      %dma_start3A_37 = arith.constant 0 : i32
      %dma_start3A_38 = arith.constant 0 : i32
      %dma_start3A_39 = tpu.memref_slice %arg8[%dma_start3A, %dma_start3A_37, %dma_start3A_38] : memref<2x128x128xf32, #tpu.memory_space<vmem>> -> memref<1x128x128xf32, #tpu.memory_space<vmem>>
      %dma_start3A_40 = tpu.memref_squeeze %dma_start3A_39 : memref<1x128x128xf32, #tpu.memory_space<vmem>> -> memref<128x128xf32, #tpu.memory_space<vmem>>
      %dma_start3A_41 = arith.constant 0 : i32
      %dma_start3A_42 = tpu.memref_slice %arg6[%add3A_36, %dma_start3A_41] : memref<40x128xi32, #tpu.memory_space<vmem>> -> memref<1x128xi32, #tpu.memory_space<vmem>>
      %dma_start3A_43 = tpu.memref_squeeze %dma_start3A_42 : memref<1x128xi32, #tpu.memory_space<vmem>> -> memref<128xi32, #tpu.memory_space<vmem>>
      %dma_start3A_44 = arith.constant 0 : i32
      %dma_start3A_45 = arith.constant 0 : i32
      %dma_start3A_46 = tpu.memref_slice %arg2[%dma_start3A_44, %dma_start3A_45] : memref<10240x128xf32, #tpu.memory_space<hbm>> -> memref<10240x128xf32, #tpu.memory_space<hbm>>
      tpu.enqueue_indirect_dma source(%dma_start3A_46 : memref<10240x128xf32, #tpu.memory_space<hbm>>) target(%dma_start3A_40 : memref<128x128xf32, #tpu.memory_space<vmem>>) offsets(%dma_start3A_43 : memref<128xi32, #tpu.memory_space<vmem>>) semaphore(%arg10 : memref<!tpu.dma_semaphore, #tpu.memory_space<semaphore_mem>>)
      %mul3A_47 = arith.constant 2 : i32
      %mul3A_48 = arith.muli %scan3A_32, %mul3A_47 : i32
      %add3A_49 = arith.constant 1 : i32
      %add3A_50 = arith.addi %mul3A_48, %add3A_49 : i32
      %dma_start3A_51 = arith.constant 1 : i32
      %dma_start3A_52 = arith.constant 0 : i32
      %dma_start3A_53 = arith.constant 0 : i32
      %dma_start3A_54 = tpu.memref_slice %arg8[%dma_start3A_51, %dma_start3A_52, %dma_start3A_53] : memref<2x128x128xf32, #tpu.memory_space<vmem>> -> memref<1x128x128xf32, #tpu.memory_space<vmem>>
      %dma_start3A_55 = tpu.memref_squeeze %dma_start3A_54 : memref<1x128x128xf32, #tpu.memory_space<vmem>> -> memref<128x128xf32, #tpu.memory_space<vmem>>
      %dma_start3A_56 = arith.constant 0 : i32
      %dma_start3A_57 = tpu.memref_slice %arg6[%add3A_50, %dma_start3A_56] : memref<40x128xi32, #tpu.memory_space<vmem>> -> memref<1x128xi32, #tpu.memory_space<vmem>>
      %dma_start3A_58 = tpu.memref_squeeze %dma_start3A_57 : memref<1x128xi32, #tpu.memory_space<vmem>> -> memref<128xi32, #tpu.memory_space<vmem>>
      %dma_start3A_59 = arith.constant 0 : i32
      %dma_start3A_60 = arith.constant 0 : i32
      %dma_start3A_61 = tpu.memref_slice %arg2[%dma_start3A_59, %dma_start3A_60] : memref<10240x128xf32, #tpu.memory_space<hbm>> -> memref<10240x128xf32, #tpu.memory_space<hbm>>
      tpu.enqueue_indirect_dma source(%dma_start3A_61 : memref<10240x128xf32, #tpu.memory_space<hbm>>) target(%dma_start3A_55 : memref<128x128xf32, #tpu.memory_space<vmem>>) offsets(%dma_start3A_58 : memref<128xi32, #tpu.memory_space<vmem>>) semaphore(%arg11 : memref<!tpu.dma_semaphore, #tpu.memory_space<semaphore_mem>>)
      %dma_wait3A = arith.constant 0 : i32
      %dma_wait3A_62 = arith.constant 0 : i32
      %dma_wait3A_63 = arith.constant 0 : i32
      %dma_wait3A_64 = tpu.memref_slice %arg8[%dma_wait3A, %dma_wait3A_62, %dma_wait3A_63] : memref<2x128x128xf32, #tpu.memory_space<vmem>> -> memref<1x128x128xf32, #tpu.memory_space<vmem>>
      %dma_wait3A_65 = tpu.memref_squeeze %dma_wait3A_64 : memref<1x128x128xf32, #tpu.memory_space<vmem>> -> memref<128x128xf32, #tpu.memory_space<vmem>>
      %dma_wait3A_66 = arith.constant 0 : i32
      %dma_wait3A_67 = tpu.memref_slice %arg6[%add3A_36, %dma_wait3A_66] : memref<40x128xi32, #tpu.memory_space<vmem>> -> memref<1x128xi32, #tpu.memory_space<vmem>>
      %dma_wait3A_68 = tpu.memref_squeeze %dma_wait3A_67 : memref<1x128xi32, #tpu.memory_space<vmem>> -> memref<128xi32, #tpu.memory_space<vmem>>
      %dma_wait3A_69 = arith.constant 0 : i32
      %dma_wait3A_70 = arith.constant 0 : i32
      %dma_wait3A_71 = tpu.memref_slice %arg2[%dma_wait3A_69, %dma_wait3A_70] : memref<10240x128xf32, #tpu.memory_space<hbm>> -> memref<10240x128xf32, #tpu.memory_space<hbm>>
      tpu.wait_indirect_dma semaphore(%arg10 : memref<!tpu.dma_semaphore, #tpu.memory_space<semaphore_mem>>) src(%dma_wait3A_71 : memref<10240x128xf32, #tpu.memory_space<hbm>>) dst(%dma_wait3A_65 : memref<128x128xf32, #tpu.memory_space<vmem>>)
      %mul3A_72 = arith.constant 2 : i32
      %mul3A_73 = arith.muli %scan3A_32, %mul3A_72 : i32
      %add3A_74 = arith.constant 0 : i32
      %add3A_75 = arith.addi %mul3A_73, %add3A_74 : i32
      %run_scoped3A_76 = arith.constant 0 : i32
      "tpu.region"() ({
        %run_scoped3A_93 = tpu.sem_alloc : memref<!tpu.dma_semaphore, #tpu.memory_space<semaphore_mem>>
        %dma_start3A_94 = arith.constant 0 : i32
        %dma_start3A_95 = arith.constant 0 : i32
        %dma_start3A_96 = tpu.memref_slice %arg8[%run_scoped3A_76, %dma_start3A_94, %dma_start3A_95] : memref<2x128x128xf32, #tpu.memory_space<vmem>> -> memref<1x128x128xf32, #tpu.memory_space<vmem>>
        %dma_start3A_97 = tpu.memref_squeeze %dma_start3A_96 : memref<1x128x128xf32, #tpu.memory_space<vmem>> -> memref<128x128xf32, #tpu.memory_space<vmem>>
        %dma_start3A_98 = arith.constant 0 : i32
        %dma_start3A_99 = tpu.memref_slice %arg7[%add3A_75, %dma_start3A_98] : memref<40x128xi32, #tpu.memory_space<vmem>> -> memref<1x128xi32, #tpu.memory_space<vmem>>
        %dma_start3A_100 = tpu.memref_squeeze %dma_start3A_99 : memref<1x128xi32, #tpu.memory_space<vmem>> -> memref<128xi32, #tpu.memory_space<vmem>>
        %dma_start3A_101 = arith.constant 0 : i32
        %dma_start3A_102 = arith.constant 0 : i32
        %dma_start3A_103 = tpu.memref_slice %arg9[%dma_start3A_101, %dma_start3A_102] : memref<10240x128xf32, #tpu.memory_space<vmem_shared>> -> memref<10240x128xf32, #tpu.memory_space<vmem_shared>>
        tpu.enqueue_indirect_dma source(%dma_start3A_97 : memref<128x128xf32, #tpu.memory_space<vmem>>) target(%dma_start3A_103 : memref<10240x128xf32, #tpu.memory_space<vmem_shared>>) offsets(%dma_start3A_100 : memref<128xi32, #tpu.memory_space<vmem>>) semaphore(%run_scoped3A_93 : memref<!tpu.dma_semaphore, #tpu.memory_space<semaphore_mem>>) {add = true}
        %dma_wait3A_104 = arith.constant 0 : i32
        %dma_wait3A_105 = arith.constant 0 : i32
        %dma_wait3A_106 = tpu.memref_slice %arg8[%run_scoped3A_76, %dma_wait3A_104, %dma_wait3A_105] : memref<2x128x128xf32, #tpu.memory_space<vmem>> -> memref<1x128x128xf32, #tpu.memory_space<vmem>>
        %dma_wait3A_107 = tpu.memref_squeeze %dma_wait3A_106 : memref<1x128x128xf32, #tpu.memory_space<vmem>> -> memref<128x128xf32, #tpu.memory_space<vmem>>
        %dma_wait3A_108 = arith.constant 0 : i32
        %dma_wait3A_109 = tpu.memref_slice %arg7[%add3A_75, %dma_wait3A_108] : memref<40x128xi32, #tpu.memory_space<vmem>> -> memref<1x128xi32, #tpu.memory_space<vmem>>
        %dma_wait3A_110 = tpu.memref_squeeze %dma_wait3A_109 : memref<1x128xi32, #tpu.memory_space<vmem>> -> memref<128xi32, #tpu.memory_space<vmem>>
        %dma_wait3A_111 = arith.constant 0 : i32
        %dma_wait3A_112 = arith.constant 0 : i32
        %dma_wait3A_113 = tpu.memref_slice %arg9[%dma_wait3A_111, %dma_wait3A_112] : memref<10240x128xf32, #tpu.memory_space<vmem_shared>> -> memref<10240x128xf32, #tpu.memory_space<vmem_shared>>
        tpu.wait_indirect_dma semaphore(%run_scoped3A_93 : memref<!tpu.dma_semaphore, #tpu.memory_space<semaphore_mem>>) src(%dma_wait3A_107 : memref<128x128xf32, #tpu.memory_space<vmem>>) dst(%dma_wait3A_113 : memref<10240x128xf32, #tpu.memory_space<vmem_shared>>)
        tpu.yield
      }) : () -> ()
      %dma_wait3A_77 = arith.constant 1 : i32
      %dma_wait3A_78 = arith.constant 0 : i32
      %dma_wait3A_79 = arith.constant 0 : i32
      %dma_wait3A_80 = tpu.memref_slice %arg8[%dma_wait3A_77, %dma_wait3A_78, %dma_wait3A_79] : memref<2x128x128xf32, #tpu.memory_space<vmem>> -> memref<1x128x128xf32, #tpu.memory_space<vmem>>
      %dma_wait3A_81 = tpu.memref_squeeze %dma_wait3A_80 : memref<1x128x128xf32, #tpu.memory_space<vmem>> -> memref<128x128xf32, #tpu.memory_space<vmem>>
      %dma_wait3A_82 = arith.constant 0 : i32
      %dma_wait3A_83 = tpu.memref_slice %arg6[%add3A_50, %dma_wait3A_82] : memref<40x128xi32, #tpu.memory_space<vmem>> -> memref<1x128xi32, #tpu.memory_space<vmem>>
      %dma_wait3A_84 = tpu.memref_squeeze %dma_wait3A_83 : memref<1x128xi32, #tpu.memory_space<vmem>> -> memref<128xi32, #tpu.memory_space<vmem>>
      %dma_wait3A_85 = arith.constant 0 : i32
      %dma_wait3A_86 = arith.constant 0 : i32
      %dma_wait3A_87 = tpu.memref_slice %arg2[%dma_wait3A_85, %dma_wait3A_86] : memref<10240x128xf32, #tpu.memory_space<hbm>> -> memref<10240x128xf32, #tpu.memory_space<hbm>>
      tpu.wait_indirect_dma semaphore(%arg11 : memref<!tpu.dma_semaphore, #tpu.memory_space<semaphore_mem>>) src(%dma_wait3A_87 : memref<10240x128xf32, #tpu.memory_space<hbm>>) dst(%dma_wait3A_81 : memref<128x128xf32, #tpu.memory_space<vmem>>)
      %mul3A_88 = arith.constant 2 : i32
      %mul3A_89 = arith.muli %scan3A_32, %mul3A_88 : i32
      %add3A_90 = arith.constant 1 : i32
      %add3A_91 = arith.addi %mul3A_89, %add3A_90 : i32
      %run_scoped3A_92 = arith.constant 1 : i32
      "tpu.region"() ({
        %run_scoped3A_93 = tpu.sem_alloc : memref<!tpu.dma_semaphore, #tpu.memory_space<semaphore_mem>>
        %dma_start3A_94 = arith.constant 0 : i32
        %dma_start3A_95 = arith.constant 0 : i32
        %dma_start3A_96 = tpu.memref_slice %arg8[%run_scoped3A_92, %dma_start3A_94, %dma_start3A_95] : memref<2x128x128xf32, #tpu.memory_space<vmem>> -> memref<1x128x128xf32, #tpu.memory_space<vmem>>
        %dma_start3A_97 = tpu.memref_squeeze %dma_start3A_96 : memref<1x128x128xf32, #tpu.memory_space<vmem>> -> memref<128x128xf32, #tpu.memory_space<vmem>>
        %dma_start3A_98 = arith.constant 0 : i32
        %dma_start3A_99 = tpu.memref_slice %arg7[%add3A_91, %dma_start3A_98] : memref<40x128xi32, #tpu.memory_space<vmem>> -> memref<1x128xi32, #tpu.memory_space<vmem>>
        %dma_start3A_100 = tpu.memref_squeeze %dma_start3A_99 : memref<1x128xi32, #tpu.memory_space<vmem>> -> memref<128xi32, #tpu.memory_space<vmem>>
        %dma_start3A_101 = arith.constant 0 : i32
        %dma_start3A_102 = arith.constant 0 : i32
        %dma_start3A_103 = tpu.memref_slice %arg9[%dma_start3A_101, %dma_start3A_102] : memref<10240x128xf32, #tpu.memory_space<vmem_shared>> -> memref<10240x128xf32, #tpu.memory_space<vmem_shared>>
        tpu.enqueue_indirect_dma source(%dma_start3A_97 : memref<128x128xf32, #tpu.memory_space<vmem>>) target(%dma_start3A_103 : memref<10240x128xf32, #tpu.memory_space<vmem_shared>>) offsets(%dma_start3A_100 : memref<128xi32, #tpu.memory_space<vmem>>) semaphore(%run_scoped3A_93 : memref<!tpu.dma_semaphore, #tpu.memory_space<semaphore_mem>>) {add = true}
        %dma_wait3A_104 = arith.constant 0 : i32
        %dma_wait3A_105 = arith.constant 0 : i32
        %dma_wait3A_106 = tpu.memref_slice %arg8[%run_scoped3A_92, %dma_wait3A_104, %dma_wait3A_105] : memref<2x128x128xf32, #tpu.memory_space<vmem>> -> memref<1x128x128xf32, #tpu.memory_space<vmem>>
        %dma_wait3A_107 = tpu.memref_squeeze %dma_wait3A_106 : memref<1x128x128xf32, #tpu.memory_space<vmem>> -> memref<128x128xf32, #tpu.memory_space<vmem>>
        %dma_wait3A_108 = arith.constant 0 : i32
        %dma_wait3A_109 = tpu.memref_slice %arg7[%add3A_91, %dma_wait3A_108] : memref<40x128xi32, #tpu.memory_space<vmem>> -> memref<1x128xi32, #tpu.memory_space<vmem>>
        %dma_wait3A_110 = tpu.memref_squeeze %dma_wait3A_109 : memref<1x128xi32, #tpu.memory_space<vmem>> -> memref<128xi32, #tpu.memory_space<vmem>>
        %dma_wait3A_111 = arith.constant 0 : i32
        %dma_wait3A_112 = arith.constant 0 : i32
        %dma_wait3A_113 = tpu.memref_slice %arg9[%dma_wait3A_111, %dma_wait3A_112] : memref<10240x128xf32, #tpu.memory_space<vmem_shared>> -> memref<10240x128xf32, #tpu.memory_space<vmem_shared>>
        tpu.wait_indirect_dma semaphore(%run_scoped3A_93 : memref<!tpu.dma_semaphore, #tpu.memory_space<semaphore_mem>>) src(%dma_wait3A_107 : memref<128x128xf32, #tpu.memory_space<vmem>>) dst(%dma_wait3A_113 : memref<10240x128xf32, #tpu.memory_space<vmem_shared>>)
        tpu.yield
      }) : () -> ()
    }
    %scan3A_25 = arith.constant 20 : i32
    "tpu.region"() ({
      %run_scoped3A_32 = tpu.sem_alloc : memref<!tpu.dma_semaphore, #tpu.memory_space<semaphore_mem>>
      %dma_start3A = arith.constant 40 : i32
      %dma_start3A_33 = arith.constant 0 : i32
      %dma_start3A_34 = tpu.memref_slice %arg3[%add3A, %dma_start3A, %dma_start3A_33] : memref<32x80x128xi32, #tpu.memory_space<hbm>> -> memref<1x40x128xi32, #tpu.memory_space<hbm>>
      %dma_start3A_35 = tpu.memref_squeeze %dma_start3A_34 : memref<1x40x128xi32, #tpu.memory_space<hbm>> -> memref<40x128xi32, #tpu.memory_space<hbm>>
      %dma_start3A_36 = arith.constant 40 : i32
      %dma_start3A_37 = arith.constant 0 : i32
      %dma_start3A_38 = tpu.memref_slice %arg3[%add3A, %dma_start3A_36, %dma_start3A_37] : memref<32x80x128xi32, #tpu.memory_space<hbm>> -> memref<1x40x128xi32, #tpu.memory_space<hbm>>
      %dma_start3A_39 = tpu.memref_squeeze %dma_start3A_38 : memref<1x40x128xi32, #tpu.memory_space<hbm>> -> memref<40x128xi32, #tpu.memory_space<hbm>>
      tpu.enqueue_dma source(%dma_start3A_39 : memref<40x128xi32, #tpu.memory_space<hbm>>) target(%arg6 : memref<40x128xi32, #tpu.memory_space<vmem>>) target_semaphore(%run_scoped3A_32 : memref<!tpu.dma_semaphore, #tpu.memory_space<semaphore_mem>>)
      %dma_wait3A = arith.constant 40 : i32
      %dma_wait3A_40 = arith.constant 0 : i32
      %dma_wait3A_41 = tpu.memref_slice %arg3[%add3A, %dma_wait3A, %dma_wait3A_40] : memref<32x80x128xi32, #tpu.memory_space<hbm>> -> memref<1x40x128xi32, #tpu.memory_space<hbm>>
      %dma_wait3A_42 = tpu.memref_squeeze %dma_wait3A_41 : memref<1x40x128xi32, #tpu.memory_space<hbm>> -> memref<40x128xi32, #tpu.memory_space<hbm>>
      %dma_wait3A_43 = arith.constant 40 : i32
      %dma_wait3A_44 = arith.constant 0 : i32
      %dma_wait3A_45 = tpu.memref_slice %arg3[%add3A, %dma_wait3A_43, %dma_wait3A_44] : memref<32x80x128xi32, #tpu.memory_space<hbm>> -> memref<1x40x128xi32, #tpu.memory_space<hbm>>
      %dma_wait3A_46 = tpu.memref_squeeze %dma_wait3A_45 : memref<1x40x128xi32, #tpu.memory_space<hbm>> -> memref<40x128xi32, #tpu.memory_space<hbm>>
      tpu.wait_dma2 semaphore(%run_scoped3A_32 : memref<!tpu.dma_semaphore, #tpu.memory_space<semaphore_mem>>) src(%dma_wait3A_46 : memref<40x128xi32, #tpu.memory_space<hbm>>) dst(%arg6 : memref<40x128xi32, #tpu.memory_space<vmem>>)
      tpu.yield
    }) : () -> ()
    "tpu.region"() ({
      %run_scoped3A_32 = tpu.sem_alloc : memref<!tpu.dma_semaphore, #tpu.memory_space<semaphore_mem>>
      %dma_start3A = arith.constant 40 : i32
      %dma_start3A_33 = arith.constant 0 : i32
      %dma_start3A_34 = tpu.memref_slice %arg4[%add3A, %dma_start3A, %dma_start3A_33] : memref<32x80x128xi32, #tpu.memory_space<hbm>> -> memref<1x40x128xi32, #tpu.memory_space<hbm>>
      %dma_start3A_35 = tpu.memref_squeeze %dma_start3A_34 : memref<1x40x128xi32, #tpu.memory_space<hbm>> -> memref<40x128xi32, #tpu.memory_space<hbm>>
      %dma_start3A_36 = arith.constant 40 : i32
      %dma_start3A_37 = arith.constant 0 : i32
      %dma_start3A_38 = tpu.memref_slice %arg4[%add3A, %dma_start3A_36, %dma_start3A_37] : memref<32x80x128xi32, #tpu.memory_space<hbm>> -> memref<1x40x128xi32, #tpu.memory_space<hbm>>
      %dma_start3A_39 = tpu.memref_squeeze %dma_start3A_38 : memref<1x40x128xi32, #tpu.memory_space<hbm>> -> memref<40x128xi32, #tpu.memory_space<hbm>>
      tpu.enqueue_dma source(%dma_start3A_39 : memref<40x128xi32, #tpu.memory_space<hbm>>) target(%arg7 : memref<40x128xi32, #tpu.memory_space<vmem>>) target_semaphore(%run_scoped3A_32 : memref<!tpu.dma_semaphore, #tpu.memory_space<semaphore_mem>>)
      %dma_wait3A = arith.constant 40 : i32
      %dma_wait3A_40 = arith.constant 0 : i32
      %dma_wait3A_41 = tpu.memref_slice %arg4[%add3A, %dma_wait3A, %dma_wait3A_40] : memref<32x80x128xi32, #tpu.memory_space<hbm>> -> memref<1x40x128xi32, #tpu.memory_space<hbm>>
      %dma_wait3A_42 = tpu.memref_squeeze %dma_wait3A_41 : memref<1x40x128xi32, #tpu.memory_space<hbm>> -> memref<40x128xi32, #tpu.memory_space<hbm>>
      %dma_wait3A_43 = arith.constant 40 : i32
      %dma_wait3A_44 = arith.constant 0 : i32
      %dma_wait3A_45 = tpu.memref_slice %arg4[%add3A, %dma_wait3A_43, %dma_wait3A_44] : memref<32x80x128xi32, #tpu.memory_space<hbm>> -> memref<1x40x128xi32, #tpu.memory_space<hbm>>
      %dma_wait3A_46 = tpu.memref_squeeze %dma_wait3A_45 : memref<1x40x128xi32, #tpu.memory_space<hbm>> -> memref<40x128xi32, #tpu.memory_space<hbm>>
      tpu.wait_dma2 semaphore(%run_scoped3A_32 : memref<!tpu.dma_semaphore, #tpu.memory_space<semaphore_mem>>) src(%dma_wait3A_46 : memref<40x128xi32, #tpu.memory_space<hbm>>) dst(%arg7 : memref<40x128xi32, #tpu.memory_space<vmem>>)
      tpu.yield
    }) : () -> ()
    %scan3A_26 = arith.constant 0 : i32
    %scan3A_27 = arith.constant 20 : i32
    %scan3A_28 = arith.addi %scan3A_26, %scan3A_27 : i32
    %scan3A_29 = arith.constant 1 : i32
    scf.for %scan3A_32 = %scan3A_26 to %scan3A_28 step %scan3A_29  : i32 {
      %mul3A_33 = arith.constant 2 : i32
      %mul3A_34 = arith.muli %scan3A_32, %mul3A_33 : i32
      %add3A_35 = arith.constant 0 : i32
      %add3A_36 = arith.addi %mul3A_34, %add3A_35 : i32
      %dma_start3A = arith.constant 0 : i32
      %dma_start3A_37 = arith.constant 0 : i32
      %dma_start3A_38 = arith.constant 0 : i32
      %dma_start3A_39 = tpu.memref_slice %arg8[%dma_start3A, %dma_start3A_37, %dma_start3A_38] : memref<2x128x128xf32, #tpu.memory_space<vmem>> -> memref<1x128x128xf32, #tpu.memory_space<vmem>>
      %dma_start3A_40 = tpu.memref_squeeze %dma_start3A_39 : memref<1x128x128xf32, #tpu.memory_space<vmem>> -> memref<128x128xf32, #tpu.memory_space<vmem>>
      %dma_start3A_41 = arith.constant 0 : i32
      %dma_start3A_42 = tpu.memref_slice %arg6[%add3A_36, %dma_start3A_41] : memref<40x128xi32, #tpu.memory_space<vmem>> -> memref<1x128xi32, #tpu.memory_space<vmem>>
      %dma_start3A_43 = tpu.memref_squeeze %dma_start3A_42 : memref<1x128xi32, #tpu.memory_space<vmem>> -> memref<128xi32, #tpu.memory_space<vmem>>
      %dma_start3A_44 = arith.constant 0 : i32
      %dma_start3A_45 = arith.constant 0 : i32
      %dma_start3A_46 = tpu.memref_slice %arg2[%dma_start3A_44, %dma_start3A_45] : memref<10240x128xf32, #tpu.memory_space<hbm>> -> memref<10240x128xf32, #tpu.memory_space<hbm>>
      tpu.enqueue_indirect_dma source(%dma_start3A_46 : memref<10240x128xf32, #tpu.memory_space<hbm>>) target(%dma_start3A_40 : memref<128x128xf32, #tpu.memory_space<vmem>>) offsets(%dma_start3A_43 : memref<128xi32, #tpu.memory_space<vmem>>) semaphore(%arg10 : memref<!tpu.dma_semaphore, #tpu.memory_space<semaphore_mem>>)
      %mul3A_47 = arith.constant 2 : i32
      %mul3A_48 = arith.muli %scan3A_32, %mul3A_47 : i32
      %add3A_49 = arith.constant 1 : i32
      %add3A_50 = arith.addi %mul3A_48, %add3A_49 : i32
      %dma_start3A_51 = arith.constant 1 : i32
      %dma_start3A_52 = arith.constant 0 : i32
      %dma_start3A_53 = arith.constant 0 : i32
      %dma_start3A_54 = tpu.memref_slice %arg8[%dma_start3A_51, %dma_start3A_52, %dma_start3A_53] : memref<2x128x128xf32, #tpu.memory_space<vmem>> -> memref<1x128x128xf32, #tpu.memory_space<vmem>>
      %dma_start3A_55 = tpu.memref_squeeze %dma_start3A_54 : memref<1x128x128xf32, #tpu.memory_space<vmem>> -> memref<128x128xf32, #tpu.memory_space<vmem>>
      %dma_start3A_56 = arith.constant 0 : i32
      %dma_start3A_57 = tpu.memref_slice %arg6[%add3A_50, %dma_start3A_56] : memref<40x128xi32, #tpu.memory_space<vmem>> -> memref<1x128xi32, #tpu.memory_space<vmem>>
      %dma_start3A_58 = tpu.memref_squeeze %dma_start3A_57 : memref<1x128xi32, #tpu.memory_space<vmem>> -> memref<128xi32, #tpu.memory_space<vmem>>
      %dma_start3A_59 = arith.constant 0 : i32
      %dma_start3A_60 = arith.constant 0 : i32
      %dma_start3A_61 = tpu.memref_slice %arg2[%dma_start3A_59, %dma_start3A_60] : memref<10240x128xf32, #tpu.memory_space<hbm>> -> memref<10240x128xf32, #tpu.memory_space<hbm>>
      tpu.enqueue_indirect_dma source(%dma_start3A_61 : memref<10240x128xf32, #tpu.memory_space<hbm>>) target(%dma_start3A_55 : memref<128x128xf32, #tpu.memory_space<vmem>>) offsets(%dma_start3A_58 : memref<128xi32, #tpu.memory_space<vmem>>) semaphore(%arg11 : memref<!tpu.dma_semaphore, #tpu.memory_space<semaphore_mem>>)
      %dma_wait3A = arith.constant 0 : i32
      %dma_wait3A_62 = arith.constant 0 : i32
      %dma_wait3A_63 = arith.constant 0 : i32
      %dma_wait3A_64 = tpu.memref_slice %arg8[%dma_wait3A, %dma_wait3A_62, %dma_wait3A_63] : memref<2x128x128xf32, #tpu.memory_space<vmem>> -> memref<1x128x128xf32, #tpu.memory_space<vmem>>
      %dma_wait3A_65 = tpu.memref_squeeze %dma_wait3A_64 : memref<1x128x128xf32, #tpu.memory_space<vmem>> -> memref<128x128xf32, #tpu.memory_space<vmem>>
      %dma_wait3A_66 = arith.constant 0 : i32
      %dma_wait3A_67 = tpu.memref_slice %arg6[%add3A_36, %dma_wait3A_66] : memref<40x128xi32, #tpu.memory_space<vmem>> -> memref<1x128xi32, #tpu.memory_space<vmem>>
      %dma_wait3A_68 = tpu.memref_squeeze %dma_wait3A_67 : memref<1x128xi32, #tpu.memory_space<vmem>> -> memref<128xi32, #tpu.memory_space<vmem>>
      %dma_wait3A_69 = arith.constant 0 : i32
      %dma_wait3A_70 = arith.constant 0 : i32
      %dma_wait3A_71 = tpu.memref_slice %arg2[%dma_wait3A_69, %dma_wait3A_70] : memref<10240x128xf32, #tpu.memory_space<hbm>> -> memref<10240x128xf32, #tpu.memory_space<hbm>>
      tpu.wait_indirect_dma semaphore(%arg10 : memref<!tpu.dma_semaphore, #tpu.memory_space<semaphore_mem>>) src(%dma_wait3A_71 : memref<10240x128xf32, #tpu.memory_space<hbm>>) dst(%dma_wait3A_65 : memref<128x128xf32, #tpu.memory_space<vmem>>)
      %mul3A_72 = arith.constant 2 : i32
      %mul3A_73 = arith.muli %scan3A_32, %mul3A_72 : i32
      %add3A_74 = arith.constant 0 : i32
      %add3A_75 = arith.addi %mul3A_73, %add3A_74 : i32
      %run_scoped3A_76 = arith.constant 0 : i32
      "tpu.region"() ({
        %run_scoped3A_93 = tpu.sem_alloc : memref<!tpu.dma_semaphore, #tpu.memory_space<semaphore_mem>>
        %dma_start3A_94 = arith.constant 0 : i32
        %dma_start3A_95 = arith.constant 0 : i32
        %dma_start3A_96 = tpu.memref_slice %arg8[%run_scoped3A_76, %dma_start3A_94, %dma_start3A_95] : memref<2x128x128xf32, #tpu.memory_space<vmem>> -> memref<1x128x128xf32, #tpu.memory_space<vmem>>
        %dma_start3A_97 = tpu.memref_squeeze %dma_start3A_96 : memref<1x128x128xf32, #tpu.memory_space<vmem>> -> memref<128x128xf32, #tpu.memory_space<vmem>>
        %dma_start3A_98 = arith.constant 0 : i32
        %dma_start3A_99 = tpu.memref_slice %arg7[%add3A_75, %dma_start3A_98] : memref<40x128xi32, #tpu.memory_space<vmem>> -> memref<1x128xi32, #tpu.memory_space<vmem>>
        %dma_start3A_100 = tpu.memref_squeeze %dma_start3A_99 : memref<1x128xi32, #tpu.memory_space<vmem>> -> memref<128xi32, #tpu.memory_space<vmem>>
        %dma_start3A_101 = arith.constant 0 : i32
        %dma_start3A_102 = arith.constant 0 : i32
        %dma_start3A_103 = tpu.memref_slice %arg9[%dma_start3A_101, %dma_start3A_102] : memref<10240x128xf32, #tpu.memory_space<vmem_shared>> -> memref<10240x128xf32, #tpu.memory_space<vmem_shared>>
        tpu.enqueue_indirect_dma source(%dma_start3A_97 : memref<128x128xf32, #tpu.memory_space<vmem>>) target(%dma_start3A_103 : memref<10240x128xf32, #tpu.memory_space<vmem_shared>>) offsets(%dma_start3A_100 : memref<128xi32, #tpu.memory_space<vmem>>) semaphore(%run_scoped3A_93 : memref<!tpu.dma_semaphore, #tpu.memory_space<semaphore_mem>>) {add = true}
        %dma_wait3A_104 = arith.constant 0 : i32
        %dma_wait3A_105 = arith.constant 0 : i32
        %dma_wait3A_106 = tpu.memref_slice %arg8[%run_scoped3A_76, %dma_wait3A_104, %dma_wait3A_105] : memref<2x128x128xf32, #tpu.memory_space<vmem>> -> memref<1x128x128xf32, #tpu.memory_space<vmem>>
        %dma_wait3A_107 = tpu.memref_squeeze %dma_wait3A_106 : memref<1x128x128xf32, #tpu.memory_space<vmem>> -> memref<128x128xf32, #tpu.memory_space<vmem>>
        %dma_wait3A_108 = arith.constant 0 : i32
        %dma_wait3A_109 = tpu.memref_slice %arg7[%add3A_75, %dma_wait3A_108] : memref<40x128xi32, #tpu.memory_space<vmem>> -> memref<1x128xi32, #tpu.memory_space<vmem>>
        %dma_wait3A_110 = tpu.memref_squeeze %dma_wait3A_109 : memref<1x128xi32, #tpu.memory_space<vmem>> -> memref<128xi32, #tpu.memory_space<vmem>>
        %dma_wait3A_111 = arith.constant 0 : i32
        %dma_wait3A_112 = arith.constant 0 : i32
        %dma_wait3A_113 = tpu.memref_slice %arg9[%dma_wait3A_111, %dma_wait3A_112] : memref<10240x128xf32, #tpu.memory_space<vmem_shared>> -> memref<10240x128xf32, #tpu.memory_space<vmem_shared>>
        tpu.wait_indirect_dma semaphore(%run_scoped3A_93 : memref<!tpu.dma_semaphore, #tpu.memory_space<semaphore_mem>>) src(%dma_wait3A_107 : memref<128x128xf32, #tpu.memory_space<vmem>>) dst(%dma_wait3A_113 : memref<10240x128xf32, #tpu.memory_space<vmem_shared>>)
        tpu.yield
      }) : () -> ()
      %dma_wait3A_77 = arith.constant 1 : i32
      %dma_wait3A_78 = arith.constant 0 : i32
      %dma_wait3A_79 = arith.constant 0 : i32
      %dma_wait3A_80 = tpu.memref_slice %arg8[%dma_wait3A_77, %dma_wait3A_78, %dma_wait3A_79] : memref<2x128x128xf32, #tpu.memory_space<vmem>> -> memref<1x128x128xf32, #tpu.memory_space<vmem>>
      %dma_wait3A_81 = tpu.memref_squeeze %dma_wait3A_80 : memref<1x128x128xf32, #tpu.memory_space<vmem>> -> memref<128x128xf32, #tpu.memory_space<vmem>>
      %dma_wait3A_82 = arith.constant 0 : i32
      %dma_wait3A_83 = tpu.memref_slice %arg6[%add3A_50, %dma_wait3A_82] : memref<40x128xi32, #tpu.memory_space<vmem>> -> memref<1x128xi32, #tpu.memory_space<vmem>>
      %dma_wait3A_84 = tpu.memref_squeeze %dma_wait3A_83 : memref<1x128xi32, #tpu.memory_space<vmem>> -> memref<128xi32, #tpu.memory_space<vmem>>
      %dma_wait3A_85 = arith.constant 0 : i32
      %dma_wait3A_86 = arith.constant 0 : i32
      %dma_wait3A_87 = tpu.memref_slice %arg2[%dma_wait3A_85, %dma_wait3A_86] : memref<10240x128xf32, #tpu.memory_space<hbm>> -> memref<10240x128xf32, #tpu.memory_space<hbm>>
      tpu.wait_indirect_dma semaphore(%arg11 : memref<!tpu.dma_semaphore, #tpu.memory_space<semaphore_mem>>) src(%dma_wait3A_87 : memref<10240x128xf32, #tpu.memory_space<hbm>>) dst(%dma_wait3A_81 : memref<128x128xf32, #tpu.memory_space<vmem>>)
      %mul3A_88 = arith.constant 2 : i32
      %mul3A_89 = arith.muli %scan3A_32, %mul3A_88 : i32
      %add3A_90 = arith.constant 1 : i32
      %add3A_91 = arith.addi %mul3A_89, %add3A_90 : i32
      %run_scoped3A_92 = arith.constant 1 : i32
      "tpu.region"() ({
        %run_scoped3A_93 = tpu.sem_alloc : memref<!tpu.dma_semaphore, #tpu.memory_space<semaphore_mem>>
        %dma_start3A_94 = arith.constant 0 : i32
        %dma_start3A_95 = arith.constant 0 : i32
        %dma_start3A_96 = tpu.memref_slice %arg8[%run_scoped3A_92, %dma_start3A_94, %dma_start3A_95] : memref<2x128x128xf32, #tpu.memory_space<vmem>> -> memref<1x128x128xf32, #tpu.memory_space<vmem>>
        %dma_start3A_97 = tpu.memref_squeeze %dma_start3A_96 : memref<1x128x128xf32, #tpu.memory_space<vmem>> -> memref<128x128xf32, #tpu.memory_space<vmem>>
        %dma_start3A_98 = arith.constant 0 : i32
        %dma_start3A_99 = tpu.memref_slice %arg7[%add3A_91, %dma_start3A_98] : memref<40x128xi32, #tpu.memory_space<vmem>> -> memref<1x128xi32, #tpu.memory_space<vmem>>
        %dma_start3A_100 = tpu.memref_squeeze %dma_start3A_99 : memref<1x128xi32, #tpu.memory_space<vmem>> -> memref<128xi32, #tpu.memory_space<vmem>>
        %dma_start3A_101 = arith.constant 0 : i32
        %dma_start3A_102 = arith.constant 0 : i32
        %dma_start3A_103 = tpu.memref_slice %arg9[%dma_start3A_101, %dma_start3A_102] : memref<10240x128xf32, #tpu.memory_space<vmem_shared>> -> memref<10240x128xf32, #tpu.memory_space<vmem_shared>>
        tpu.enqueue_indirect_dma source(%dma_start3A_97 : memref<128x128xf32, #tpu.memory_space<vmem>>) target(%dma_start3A_103 : memref<10240x128xf32, #tpu.memory_space<vmem_shared>>) offsets(%dma_start3A_100 : memref<128xi32, #tpu.memory_space<vmem>>) semaphore(%run_scoped3A_93 : memref<!tpu.dma_semaphore, #tpu.memory_space<semaphore_mem>>) {add = true}
        %dma_wait3A_104 = arith.constant 0 : i32
        %dma_wait3A_105 = arith.constant 0 : i32
        %dma_wait3A_106 = tpu.memref_slice %arg8[%run_scoped3A_92, %dma_wait3A_104, %dma_wait3A_105] : memref<2x128x128xf32, #tpu.memory_space<vmem>> -> memref<1x128x128xf32, #tpu.memory_space<vmem>>
        %dma_wait3A_107 = tpu.memref_squeeze %dma_wait3A_106 : memref<1x128x128xf32, #tpu.memory_space<vmem>> -> memref<128x128xf32, #tpu.memory_space<vmem>>
        %dma_wait3A_108 = arith.constant 0 : i32
        %dma_wait3A_109 = tpu.memref_slice %arg7[%add3A_91, %dma_wait3A_108] : memref<40x128xi32, #tpu.memory_space<vmem>> -> memref<1x128xi32, #tpu.memory_space<vmem>>
        %dma_wait3A_110 = tpu.memref_squeeze %dma_wait3A_109 : memref<1x128xi32, #tpu.memory_space<vmem>> -> memref<128xi32, #tpu.memory_space<vmem>>
        %dma_wait3A_111 = arith.constant 0 : i32
        %dma_wait3A_112 = arith.constant 0 : i32
        %dma_wait3A_113 = tpu.memref_slice %arg9[%dma_wait3A_111, %dma_wait3A_112] : memref<10240x128xf32, #tpu.memory_space<vmem_shared>> -> memref<10240x128xf32, #tpu.memory_space<vmem_shared>>
        tpu.wait_indirect_dma semaphore(%run_scoped3A_93 : memref<!tpu.dma_semaphore, #tpu.memory_space<semaphore_mem>>) src(%dma_wait3A_107 : memref<128x128xf32, #tpu.memory_space<vmem>>) dst(%dma_wait3A_113 : memref<10240x128xf32, #tpu.memory_space<vmem_shared>>)
        tpu.yield
      }) : () -> ()
    }
    %scan3A_30 = arith.constant 20 : i32
    %barrier3A_31 = arith.constant 0 : index
    tpu.barrier barrier_id(%barrier3A_31)
    "tpu.region"() ({
      %run_scoped3A_32 = tpu.sem_alloc : memref<!tpu.dma_semaphore, #tpu.memory_space<semaphore_mem>>
      %dma_start3A = arith.constant 0 : i32
      %dma_start3A_33 = tpu.memref_slice %arg5[%arg0, %mul3A_6, %dma_start3A] : memref<2x10240x128xf32, #tpu.memory_space<hbm>> -> memref<1x640x128xf32, #tpu.memory_space<hbm>>
      %dma_start3A_34 = tpu.memref_squeeze %dma_start3A_33 : memref<1x640x128xf32, #tpu.memory_space<hbm>> -> memref<640x128xf32, #tpu.memory_space<hbm>>
      %dma_start3A_35 = arith.constant 0 : i32
      %dma_start3A_36 = tpu.memref_slice %arg9[%mul3A_6, %dma_start3A_35] : memref<10240x128xf32, #tpu.memory_space<vmem_shared>> -> memref<640x128xf32, #tpu.memory_space<vmem_shared>>
      tpu.enqueue_dma source(%dma_start3A_36 : memref<640x128xf32, #tpu.memory_space<vmem_shared>>) target(%dma_start3A_34 : memref<640x128xf32, #tpu.memory_space<hbm>>) target_semaphore(%run_scoped3A_32 : memref<!tpu.dma_semaphore, #tpu.memory_space<semaphore_mem>>)
      %dma_wait3A = arith.constant 0 : i32
      %dma_wait3A_37 = tpu.memref_slice %arg5[%arg0, %mul3A_6, %dma_wait3A] : memref<2x10240x128xf32, #tpu.memory_space<hbm>> -> memref<1x640x128xf32, #tpu.memory_space<hbm>>
      %dma_wait3A_38 = tpu.memref_squeeze %dma_wait3A_37 : memref<1x640x128xf32, #tpu.memory_space<hbm>> -> memref<640x128xf32, #tpu.memory_space<hbm>>
      %dma_wait3A_39 = arith.constant 0 : i32
      %dma_wait3A_40 = tpu.memref_slice %arg9[%mul3A_6, %dma_wait3A_39] : memref<10240x128xf32, #tpu.memory_space<vmem_shared>> -> memref<640x128xf32, #tpu.memory_space<vmem_shared>>
      tpu.wait_dma2 semaphore(%run_scoped3A_32 : memref<!tpu.dma_semaphore, #tpu.memory_space<semaphore_mem>>) src(%dma_wait3A_40 : memref<640x128xf32, #tpu.memory_space<vmem_shared>>) dst(%dma_wait3A_38 : memref<640x128xf32, #tpu.memory_space<hbm>>)
      tpu.yield
    }) : () -> ()
    return
  }
}

module attributes {stable_mosaic.version = 14 : i64} {
  func.func @_b1_body(%arg0: memref<2x10240x128xf32, #tpu.memory_space<vmem>>, %arg1: memref<10240x128xf32, #tpu.memory_space<vmem>>, %arg2: memref<128x128xf32, #tpu.memory_space<vmem>>, %arg3: memref<10240x1xf32, #tpu.memory_space<vmem>>, %arg4: memref<10240x128xf32, #tpu.memory_space<vmem>>) attributes {dimension_semantics = [], scalar_prefetch = 0 : i64, scratch_operands = 0 : i64, tpu.core_type = #tpu.core_type<tc>} {
    %get3A = arith.constant 0 : index
    %get3A_0 = arith.constant 0 : index
    %get3A_1 = arith.constant 0 : index
    %get3A_2 = vector.load %arg0[%get3A, %get3A_0, %get3A_1] : memref<2x10240x128xf32, #tpu.memory_space<vmem>>, vector<1x10240x1xf32>
    %get3A_3 = vector.shape_cast %get3A_2 : vector<1x10240x1xf32> to vector<10240x1xf32>
    %get3A_4 = arith.constant 1 : index
    %get3A_5 = arith.constant 0 : index
    %get3A_6 = arith.constant 0 : index
    %get3A_7 = vector.load %arg0[%get3A_4, %get3A_5, %get3A_6] : memref<2x10240x128xf32, #tpu.memory_space<vmem>>, vector<1x10240x1xf32>
    %get3A_8 = vector.shape_cast %get3A_7 : vector<1x10240x1xf32> to vector<10240x1xf32>
    %add3A = arith.addf %get3A_3, %get3A_8 : vector<10240x1xf32>
    %iota3A = tpu.iota {dimensions = array<i32: 0>} : vector<10240x1xi32>
    %lt3A = arith.constant 10000 : i32
    %lt3A_9 = vector.broadcast %lt3A : i32 to vector<10240x1xi32>
    %lt3A_10 = arith.cmpi slt, %iota3A, %lt3A_9 : vector<10240x1xi32>
    %add3A_11 = arith.constant 1.000000e+00 : f32
    %add3A_12 = vector.broadcast %add3A_11 : f32 to vector<10240x1xf32>
    %add3A_13 = arith.addf %add3A, %add3A_12 : vector<10240x1xf32>
    %rsqrt3A = math.rsqrt %add3A_13 : vector<10240x1xf32>
    %jit3A = arith.constant 0.000000e+00 : f32
    %broadcast_in_dim3A = vector.broadcast %jit3A : f32 to vector<10240x1xf32>
    %select_n3A = arith.select %lt3A_10, %rsqrt3A, %broadcast_in_dim3A : vector<10240x1xi1>, vector<10240x1xf32>
    %swap3A = arith.constant 0 : index
    %swap3A_14 = arith.constant 0 : index
    %swap3A_15 = vector.load %arg3[%swap3A, %swap3A_14] : memref<10240x1xf32, #tpu.memory_space<vmem>>, vector<10240x1xf32>
    tpu.vector_store %arg3[%swap3A, %swap3A_14], %select_n3A {strides = array<i32>} : memref<10240x1xf32, #tpu.memory_space<vmem>>, vector<10240x1xf32>,
    %get3A_16 = arith.constant 0 : index
    %get3A_17 = arith.constant 0 : index
    %get3A_18 = vector.load %arg1[%get3A_16, %get3A_17] : memref<10240x128xf32, #tpu.memory_space<vmem>>, vector<10240x128xf32>
    %get3A_19 = arith.constant 0 : index
    %get3A_20 = arith.constant 0 : index
    %get3A_21 = vector.load %arg2[%get3A_19, %get3A_20] : memref<128x128xf32, #tpu.memory_space<vmem>>, vector<128x128xf32>
    %dot_general3A = arith.constant dense<0.000000e+00> : vector<10240x128xf32>
    %dot_general3A_22 = tpu.matmul %get3A_18, %get3A_21, %dot_general3A {dimension_numbers = #tpu.dot_dimension_numbers<[1], [0], [0], [1], [0, 0, 1, 1], [], []>, transpose_lhs_hint = false} : vector<10240x128xf32>, vector<128x128xf32>, vector<10240x128xf32> -> vector<10240x128xf32>
    %mul3A = vector.broadcast %select_n3A : vector<10240x1xf32> to vector<10240x128xf32>
    %mul3A_23 = arith.mulf %mul3A, %dot_general3A_22 : vector<10240x128xf32>
    %swap3A_24 = arith.constant 0 : index
    %swap3A_25 = arith.constant 0 : index
    %swap3A_26 = vector.load %arg4[%swap3A_24, %swap3A_25] : memref<10240x128xf32, #tpu.memory_space<vmem>>, vector<10240x128xf32>
    tpu.vector_store %arg4[%swap3A_24, %swap3A_25], %mul3A_23 {strides = array<i32>} : memref<10240x128xf32, #tpu.memory_space<vmem>>, vector<10240x128xf32>,
    return
  }
}

module attributes {stable_mosaic.version = 14 : i64} {
  func.func @_mid_body(%arg0: memref<10240x1xf32, #tpu.memory_space<vmem>>, %arg1: memref<2x10240x128xf32, #tpu.memory_space<vmem>>, %arg2: memref<10240x128xf32, #tpu.memory_space<vmem>>, %arg3: memref<128x128xf32, #tpu.memory_space<vmem>>, %arg4: memref<10240x128xf32, #tpu.memory_space<vmem>>) attributes {dimension_semantics = [], scalar_prefetch = 0 : i64, scratch_operands = 0 : i64, tpu.core_type = #tpu.core_type<tc>} {
    %get3A = arith.constant 0 : index
    %get3A_0 = arith.constant 0 : index
    %get3A_1 = vector.load %arg0[%get3A, %get3A_0] : memref<10240x1xf32, #tpu.memory_space<vmem>>, vector<10240x1xf32>
    %get3A_2 = arith.constant 0 : index
    %get3A_3 = arith.constant 0 : index
    %get3A_4 = arith.constant 0 : index
    %get3A_5 = vector.load %arg1[%get3A_2, %get3A_3, %get3A_4] : memref<2x10240x128xf32, #tpu.memory_space<vmem>>, vector<1x10240x128xf32>
    %get3A_6 = vector.shape_cast %get3A_5 : vector<1x10240x128xf32> to vector<10240x128xf32>
    %get3A_7 = arith.constant 1 : index
    %get3A_8 = arith.constant 0 : index
    %get3A_9 = arith.constant 0 : index
    %get3A_10 = vector.load %arg1[%get3A_7, %get3A_8, %get3A_9] : memref<2x10240x128xf32, #tpu.memory_space<vmem>>, vector<1x10240x128xf32>
    %get3A_11 = vector.shape_cast %get3A_10 : vector<1x10240x128xf32> to vector<10240x128xf32>
    %add3A = arith.addf %get3A_6, %get3A_11 : vector<10240x128xf32>
    %get3A_12 = arith.constant 0 : index
    %get3A_13 = arith.constant 0 : index
    %get3A_14 = vector.load %arg2[%get3A_12, %get3A_13] : memref<10240x128xf32, #tpu.memory_space<vmem>>, vector<10240x128xf32>
    %add3A_15 = arith.addf %add3A, %get3A_14 : vector<10240x128xf32>
    %mul3A = vector.broadcast %get3A_1 : vector<10240x1xf32> to vector<10240x128xf32>
    %mul3A_16 = arith.mulf %mul3A, %add3A_15 : vector<10240x128xf32>
    %max3A = arith.constant 0.000000e+00 : f32
    %max3A_17 = vector.broadcast %max3A : f32 to vector<10240x128xf32>
    %max3A_18 = arith.maximumf %mul3A_16, %max3A_17 : vector<10240x128xf32>
    %get3A_19 = arith.constant 0 : index
    %get3A_20 = arith.constant 0 : index
    %get3A_21 = vector.load %arg3[%get3A_19, %get3A_20] : memref<128x128xf32, #tpu.memory_space<vmem>>, vector<128x128xf32>
    %dot_general3A = arith.constant dense<0.000000e+00> : vector<10240x128xf32>
    %dot_general3A_22 = tpu.matmul %max3A_18, %get3A_21, %dot_general3A {dimension_numbers = #tpu.dot_dimension_numbers<[1], [0], [0], [1], [0, 0, 1, 1], [], []>, transpose_lhs_hint = false} : vector<10240x128xf32>, vector<128x128xf32>, vector<10240x128xf32> -> vector<10240x128xf32>
    %mul3A_23 = vector.broadcast %get3A_1 : vector<10240x1xf32> to vector<10240x128xf32>
    %mul3A_24 = arith.mulf %mul3A_23, %dot_general3A_22 : vector<10240x128xf32>
    %swap3A = arith.constant 0 : index
    %swap3A_25 = arith.constant 0 : index
    %swap3A_26 = vector.load %arg4[%swap3A, %swap3A_25] : memref<10240x128xf32, #tpu.memory_space<vmem>>, vector<10240x128xf32>
    tpu.vector_store %arg4[%swap3A, %swap3A_25], %mul3A_24 {strides = array<i32>} : memref<10240x128xf32, #tpu.memory_space<vmem>>, vector<10240x128xf32>,
    return
  }
}

module attributes {stable_mosaic.version = 14 : i64} {
  func.func @_final_body(%arg0: memref<10240x1xf32, #tpu.memory_space<vmem>>, %arg1: memref<2x10240x128xf32, #tpu.memory_space<vmem>>, %arg2: memref<10240x128xf32, #tpu.memory_space<vmem>>, %arg3: memref<1x10240xi32, #tpu.memory_space<vmem>>, %arg4: memref<128x128xf32, #tpu.memory_space<vmem>>, %arg5: memref<1x128xf32, #tpu.memory_space<vmem>>, %arg6: memref<64x128xf32, #tpu.memory_space<vmem>>) attributes {dimension_semantics = [], scalar_prefetch = 0 : i64, scratch_operands = 0 : i64, tpu.core_type = #tpu.core_type<tc>} {
    %get3A = arith.constant 0 : index
    %get3A_0 = arith.constant 0 : index
    %get3A_1 = vector.load %arg0[%get3A, %get3A_0] : memref<10240x1xf32, #tpu.memory_space<vmem>>, vector<10240x1xf32>
    %get3A_2 = arith.constant 0 : index
    %get3A_3 = arith.constant 0 : index
    %get3A_4 = arith.constant 0 : index
    %get3A_5 = vector.load %arg1[%get3A_2, %get3A_3, %get3A_4] : memref<2x10240x128xf32, #tpu.memory_space<vmem>>, vector<1x10240x128xf32>
    %get3A_6 = vector.shape_cast %get3A_5 : vector<1x10240x128xf32> to vector<10240x128xf32>
    %get3A_7 = arith.constant 1 : index
    %get3A_8 = arith.constant 0 : index
    %get3A_9 = arith.constant 0 : index
    %get3A_10 = vector.load %arg1[%get3A_7, %get3A_8, %get3A_9] : memref<2x10240x128xf32, #tpu.memory_space<vmem>>, vector<1x10240x128xf32>
    %get3A_11 = vector.shape_cast %get3A_10 : vector<1x10240x128xf32> to vector<10240x128xf32>
    %add3A = arith.addf %get3A_6, %get3A_11 : vector<10240x128xf32>
    %get3A_12 = arith.constant 0 : index
    %get3A_13 = arith.constant 0 : index
    %get3A_14 = vector.load %arg2[%get3A_12, %get3A_13] : memref<10240x128xf32, #tpu.memory_space<vmem>>, vector<10240x128xf32>
    %add3A_15 = arith.addf %add3A, %get3A_14 : vector<10240x128xf32>
    %mul3A = vector.broadcast %get3A_1 : vector<10240x1xf32> to vector<10240x128xf32>
    %mul3A_16 = arith.mulf %mul3A, %add3A_15 : vector<10240x128xf32>
    %iota3A = tpu.iota {dimensions = array<i32: 0>} : vector<64x10240xi32>
    %get3A_17 = arith.constant 0 : index
    %get3A_18 = arith.constant 0 : index
    %get3A_19 = vector.load %arg3[%get3A_17, %get3A_18] : memref<1x10240xi32, #tpu.memory_space<vmem>>, vector<1x10240xi32>
    %eq3A = vector.broadcast %get3A_19 : vector<1x10240xi32> to vector<64x10240xi32>
    %eq3A_20 = arith.cmpi eq, %eq3A, %iota3A : vector<64x10240xi32>
    %convert_element_type3A = arith.extui %eq3A_20 : vector<64x10240xi1> to vector<64x10240xi32>
    %convert_element_type3A_21 = arith.sitofp %convert_element_type3A : vector<64x10240xi32> to vector<64x10240xf32>
    %dot_general3A = arith.constant dense<0.000000e+00> : vector<64x128xf32>
    %dot_general3A_22 = tpu.matmul %convert_element_type3A_21, %mul3A_16, %dot_general3A {dimension_numbers = #tpu.dot_dimension_numbers<[1], [0], [0], [1], [0, 0, 1, 1], [], []>, transpose_lhs_hint = false} : vector<64x10240xf32>, vector<10240x128xf32>, vector<64x128xf32> -> vector<64x128xf32>
    %reduce_sum3A = arith.constant dense<0.000000e+00> : vector<64xf32>
    %reduce_sum3A_23 = vector.multi_reduction <add>, %convert_element_type3A_21, %reduce_sum3A [1] : vector<64x10240xf32> to vector<64xf32>
    %broadcast_in_dim3A = vector.shape_cast %reduce_sum3A_23 : vector<64xf32> to vector<64x1xf32>
    %max3A = arith.constant 1.000000e+00 : f32
    %max3A_24 = vector.broadcast %max3A : f32 to vector<64x1xf32>
    %max3A_25 = arith.maximumf %broadcast_in_dim3A, %max3A_24 : vector<64x1xf32>
    %div3A = vector.broadcast %max3A_25 : vector<64x1xf32> to vector<64x128xf32>
    %div3A_26 = arith.divf %dot_general3A_22, %div3A : vector<64x128xf32>
    %get3A_27 = arith.constant 0 : index
    %get3A_28 = arith.constant 0 : index
    %get3A_29 = vector.load %arg4[%get3A_27, %get3A_28] : memref<128x128xf32, #tpu.memory_space<vmem>>, vector<128x128xf32>
    %dot_general3A_30 = arith.constant dense<0.000000e+00> : vector<64x128xf32>
    %dot_general3A_31 = tpu.matmul %div3A_26, %get3A_29, %dot_general3A_30 {dimension_numbers = #tpu.dot_dimension_numbers<[1], [0], [0], [1], [0, 0, 1, 1], [], []>, transpose_lhs_hint = false} : vector<64x128xf32>, vector<128x128xf32>, vector<64x128xf32> -> vector<64x128xf32>
    %get3A_32 = arith.constant 0 : index
    %get3A_33 = arith.constant 0 : index
    %get3A_34 = vector.load %arg5[%get3A_32, %get3A_33] : memref<1x128xf32, #tpu.memory_space<vmem>>, vector<1x128xf32>
    %add3A_35 = vector.broadcast %get3A_34 : vector<1x128xf32> to vector<64x128xf32>
    %add3A_36 = arith.addf %dot_general3A_31, %add3A_35 : vector<64x128xf32>
    %swap3A = arith.constant 0 : index
    %swap3A_37 = arith.constant 0 : index
    %swap3A_38 = vector.load %arg6[%swap3A, %swap3A_37] : memref<64x128xf32, #tpu.memory_space<vmem>>, vector<64x128xf32>
    tpu.vector_store %arg6[%swap3A, %swap3A_37], %add3A_36 {strides = array<i32>} : memref<64x128xf32, #tpu.memory_space<vmem>>, vector<64x128xf32>,
    return
  }
}

</mosaic_0001>

<sc_bundles>
// kernel: kernel.10.cloned.1.call-start
scs
__scs_entry_jumppad:
0x0: {  	(pc) =	sbr.rel $0x88, $3  }
0x1: {  	(tag) =	ssettag $0x0;
	lr =	simm.s32 $0x1  }
0x2: {  	[smem:$0x3F99] =	sst lr;
	_ =	strace $0xD0000000  }
0x3: {  	_ = 	snop  }
0x4: {  	_ = 	snop  }
0x5: {  	_ = 	snop  }
0x6: {  	_ = 	snop  }
0x7: {  	_ = 	snop  }
__scs_overlays_trampoline_lowered:
0x8: {  	[smem:$0x3FA8] =	sst s0  }
0x9: {  	[smem:$0x3FA9] =	sst s1  }
0xa: {  	[smem:$0x3FAA] =	sst s2  }
0xb: {  	[smem:$0x3FAB] =	sst s3  }
0xc: {  	[smem:$0x3FAC] =	sst s4  }
0xd: {  	[smem:$0x3FAD] =	sst s5  }
0xe: {  	[smem:$0x3FAE] =	sst s6  }
0xf: {  	[smem:$0x3FAF] =	sst s7  }
0x10: {  	[smem:$0x3FB0] =	sst s8  }
0x11: {  	[smem:$0x3FB1] =	sst s9;
	s0 =	simm.s32 @!p0 $0x0  }
0x12: {  	s1 =	sld [smem:$0x3F97];
	s0 =	simm.s32 @p0 $0x1  }
0x13: {  	[smem:$0x3FB2] =	sst s0;
	s0 =	simm.s32 @!p1 $0x0  }
0x14: {  	s2 =	sld [smem:$0x3F96];
	s0 =	simm.s32 @p1 $0x1  }
0x15: {  	[smem:$0x3FB3] =	sst s0;
	s0 =	simm.s32 @!p2 $0x0  }
0x16: {  	s3 =	sld [smem:$0x3FDB];
	s0 =	simm.s32 @p2 $0x1  }
0x17: {  	s4 =	simm.s32 $0x1BF5;
	[smem:$0x3FB5] =	sst s0  }
0x18: {  	s0 =	sld [smem:$0x3F98];
	_ =	swait.ge [sflag:s4], $0x0  }
0x19: {  	s7 =	sld [smem:$0x3F99]  }
0x1a: {  	s8 =	sadd.s32 $0xFFFFE003, lr  }
0x1b: {  	s9 =	sadd.s32 $0xFFFFFEF7, lr;
	s5 =	simm.s32 $0xFFFFFFFF;
	p2 =	slt.u32 s8, $0xFFFFF086  }
0x1c: {  	p1 =	slt.u32 s9, $0xF7A;
	s5 =	simm.s32 @!p2 $0x0  }
0x1d: {  	s5 =	simm.s32 @p1 $0x1;
	p0 =	seq.s32 s7, s2  }
0x1e: {  	s7 =	smul.u32 @!p0 $0xF7A, s2;
	p2 =	seq.s32 @!p0 s5, $0x0  }
0x1f: {  	s9 =	smul.u32 $0xF7A, s1;
	s8 =	simm.s32 @!p0 $0x1BF5;
	p2 =	por !p2, p0  }
0x20: {  	[sflag:s8] =	ssyncset.s32 @!p0 $0xFFFFF086;
	s6 =	sadd.s32 @!p0 s3, s7;
	s7 =	simm.s32 @!p0 $0x108  }
0x21: {  	s3 =	sadd.s32 s3, s9;
	s6 =	sadd.s32 @!p0 $0x88, s6;
	s7 =	simm.s32 @p2 $0x1082  }
0x22: {  	[simem:s7], [sflag:s8] =	dma.local @!p0 [hbm:s6], $0xF7A  }
0x23: {  	s9 =	sor.u32 $0xD0000000, s2;
	s6 =	simm.s32 $0x108;
	_ =	swait.ge @!p0 [sflag:s8], $0x0  }
0x24: {  	s3 =	sadd.s32 $0x88, s3;
	s6 =	simm.s32 @!p1 $0x1082;
	[sflag:s4] =	ssyncset.s32 $0xFFFFF086  }
0x25: {  	[simem:s6], [sflag:s4] =	dma.local [hbm:s3], $0xF7A  }
0x26: {  	[smem:$0x3F99] =	sst s1;
	(tag) =	ssettag s2;
	_ =	strace s9  }
0x27: {  	s1 =	sld [smem:$0x3FA9]  }
0x28: {  	s2 =	sld [smem:$0x3FAA]  }
0x29: {  	s4 =	sld [smem:$0x3FAC]  }
0x2a: {  	p0 =	seq.s32 s5, $0x0;
	s5 =	sld [smem:$0x3FAD]  }
0x2b: {  	s6 =	sld [smem:$0x3FAE]  }
0x2c: {  	s7 =	sld [smem:$0x3FAF]  }
0x2d: {  	s3 =	simm.s32 $0x108;
	s8 =	sld [smem:$0x3FB0]  }
0x2e: {  	s3 =	simm.s32 @!p0 $0x1082;
	s9 =	sld [smem:$0x3FB1]  }
0x2f: {  	lr =	sadd.s32 s0, s3;
	s0 =	sld [smem:$0x3FA8]  }
0x30: {  	s3 =	sld [smem:$0x3FAB]  }
0x31: {  	[smem:$0x3FB4] =	sst s10  }
0x32: {  	s10 =	sld [smem:$0x3FB2];
	_ =	sdelay $0x3  }
0x33: {  	p0 =	seq.s32 s10, $0x1;
	s10 =	sld [smem:$0x3FB4];
	_ =	sdelay $0x3  }
0x34: {  	[smem:$0x3FB4] =	sst s10  }
0x35: {  	s10 =	sld [smem:$0x3FB3];
	_ =	sdelay $0x3  }
0x36: {  	p1 =	seq.s32 s10, $0x1;
	s10 =	sld [smem:$0x3FB4];
	_ =	sdelay $0x3  }
0x37: {  	[smem:$0x3FB4] =	sst s10  }
0x38: {  	s10 =	sld [smem:$0x3FB5]  }
0x39: {  	_ = 	snop;
	(pc) =	sbr.ind lr, $3  }
0x3a: {  	_ = 	snop  }
0x3b: {  	_ = 	snop  }
0x3c: {  	p2 =	seq.s32 s10, $0x1;
	s10 =	sld [smem:$0x3FB4]  }
0x3d: {  	_ =	shalt  }
0x3e: {  	_ =	shalt  }
0x3f: {  	_ =	shalt  }
0x40: {  	_ =	shalt  }
0x41: {  	_ =	shalt  }
0x42: {  	_ =	shalt  }
0x43: {  	_ =	shalt  }
0x44: {  	_ =	shalt  }
0x45: {  	_ =	shalt  }
0x46: {  	_ =	shalt  }
0x47: {  	_ =	shalt  }
0x48: {  	_ =	shalt  }
0x49: {  	_ =	shalt  }
0x4a: {  	_ =	shalt  }
0x4b: {  	_ =	shalt  }
0x4c: {  	_ =	shalt  }
0x4d: {  	_ =	shalt  }
0x4e: {  	_ =	shalt  }
0x4f: {  	_ =	shalt  }
0x50: {  	_ =	shalt  }
0x51: {  	_ =	shalt  }
0x52: {  	_ =	shalt  }
0x53: {  	_ =	shalt  }
0x54: {  	_ =	shalt  }
0x55: {  	_ =	shalt  }
0x56: {  	_ =	shalt  }
0x57: {  	_ =	shalt  }
0x58: {  	_ =	shalt  }
0x59: {  	_ =	shalt  }
0x5a: {  	_ =	shalt  }
0x5b: {  	_ =	shalt  }
0x5c: {  	_ =	shalt  }
0x5d: {  	_ =	shalt  }
0x5e: {  	_ =	shalt  }
0x5f: {  	_ =	shalt  }
0x60: {  	_ =	shalt  }
0x61: {  	_ =	shalt  }
0x62: {  	_ =	shalt  }
0x63: {  	_ =	shalt  }
0x64: {  	_ =	shalt  }
0x65: {  	_ =	shalt  }
0x66: {  	_ =	shalt  }
0x67: {  	_ =	shalt  }
0x68: {  	_ =	shalt  }
0x69: {  	_ =	shalt  }
0x6a: {  	_ =	shalt  }
0x6b: {  	_ =	shalt  }
0x6c: {  	_ =	shalt  }
0x6d: {  	_ =	shalt  }
0x6e: {  	_ =	shalt  }
0x6f: {  	_ =	shalt  }
0x70: {  	_ =	shalt  }
0x71: {  	_ =	shalt  }
0x72: {  	_ =	shalt  }
0x73: {  	_ =	shalt  }
0x74: {  	_ =	shalt  }
0x75: {  	_ =	shalt  }
0x76: {  	_ =	shalt  }
0x77: {  	_ =	shalt  }
0x78: {  	_ =	shalt  }
0x79: {  	_ =	shalt  }
0x7a: {  	_ =	shalt  }
0x7b: {  	_ =	shalt  }
0x7c: {  	_ =	shalt  }
0x7d: {  	_ =	shalt  }
0x7e: {  	_ =	shalt  }
0x7f: {  	_ =	shalt  }
0x80: {  	_ =	shalt  }
0x81: {  	_ =	shalt  }
0x82: {  	_ =	shalt  }
0x83: {  	_ =	shalt  }
0x84: {  	_ =	shalt  }
0x85: {  	_ =	shalt  }
0x86: {  	_ =	shalt  }
0x87: {  	_ =	shalt  }
.Lfunc_end0:
.L_simem_size_0:
called_computation_lowered:
.L_overlay_start_0:
0x88: {  	s2 =	sld [smem:$0x3FD9]  }
0x89: {  	s3 =	sld [smem:$0x3FFE];
	_ =	sdelay $0x1  }
0x8a: {  	s1 =	srdreg.scid  }
0x8b: {  	s0 =	sand.u32 $0x1, s1  }
0x8c: {  	s16 =	sshll.u32 s0, $0xA;
	s2 =	sadd.s32 s3, s2  }
0x8d: {  	s2 =	sadd.s32 s2, s16  }
0x8e: {  	[smem:$0x3FC0] =	sst s2  }
0x8f: {  	_ = 	snop  }
0x90: {  	(tm) =	ssettm $0x1  }
0x91: {  	s17 =	sld [smem:$0x3FFB];
	_ =	sdelay $0x3  }
0x92: {  	_ =	strace s17  }
0x93: {  	s2 =	sld [smem:$0x3FFC];
	_ =	sdelay $0x3  }
0x94: {  	_ =	strace s2  }
0x95: {  	s2 =	sld [smem:$0x3FFD];
	_ =	sdelay $0x3  }
0x96: {  	_ =	strace s2  }
0x97: {  	_ =	strace $0x8FFFFFFF  }
0x98: {  	s18 =	sld [smem:$0x3FDB];
	_ =	sdelay $0x1  }
0x99: {  	s19 =	simm.s32 $_scs_section_size  }
0x9a: {  	s4 =	simm.s32 $_size__tile_overlayer_lowered;
	s5 =	simm.s32 $_tile_overlayer_lowered  }
0x9b: {  	s22 =	simm.s32 $0x1BFF;
	s21 =	sshll.u32 s5, $0x1;
	s2 =	sadd.s32 s19, s18  }
0x9c: {  	s6 =	simm.s32 $0x0;
	s20 =	sshll.u32 s4, $0x1;
	s4 =	sadd.s32 s21, s2  }
0x9d: {  	[timem:s6], [sflag:s22] =	dma.local [hbm:s4], s20  }
0x9e: {  	_ =	swait.ge [sflag:s22], s20  }
0x9f: {  	s3 =	ssub.s32 $0x0, s20;
	[sflag:s22] =	ssyncset.done $0x0  }
0xa0: {  	[sflag:s22] =	ssyncadd.s32 s3;
	_ =	sdelay $0x1  }
0xa1: {  	s23 =	simm.s32 $0x1B8B  }
0xa2: {  	_ =	swait.ge [sflag:s23], $0x1  }
0xa3: {  	[sflag:s23] =	ssyncset.done $0x0  }
0xa4: {  	s25 =	simm.s32 $0x1B8E;
	s24 =	sld [smem:$0x3FFE];
	[sflag:s23] =	ssyncadd.s32 $0xFFFFFFFF  }
0xa5: {  	s26 =	simm.s32 $execute0_lowered;
	[smem:$0x3FD2] =	sst s25  }
0xa6: {  	s4 =	sshll.u32 s26, $0x1;
	_ =	strace $0x80000046;
	[dreg:$0x1] =	wrdreg $0xFFFFFFFF  }
0xa7: {  	s28 =	simm.s32 $_size_execute0_lowered;
	s2 =	sadd.s32 s2, s4;
	[dreg:$0x0] =	wrdreg $0x0  }
0xa8: {  	s4 =	sshll.u32 s28, $0x1;
	[dreg:$0x2] =	wrdreg s2  }
0xa9: {  	[dreg:$0x3] =	wrdreg s4  }
0xaa: {  	[dreg:$0x4] =	wrdreg $0xC0  }
0xab: {  	_ =	task [dreg:s6], $0x5FFFF  }
0xac: {  	[dreg:$0x1] =	wrdreg $0xFFFFFFFF  }
0xad: {  	[dreg:$0x0] =	wrdreg $0x60  }
0xae: {  	[dreg:$0x2] =	wrdreg s24  }
0xaf: {  	[dreg:$0x3] =	wrdreg $0x68000  }
0xb0: {  	[dreg:$0x4] =	wrdreg $0x9  }
0xb1: {  	_ =	task.clear_ibuf [dreg:s6], $0x5FFFF;
	_ =	strace $0x90000046  }
0xb2: {  	s29 =	simm.s32 $0x9;
	_ =	strace $0x80000048  }
0xb3: {  	_ =	swait.ge [sflag:s29], $0x1  }
0xb4: {  	[sflag:s29] =	ssyncadd.s32 $0xFFFFFFFF  }
0xb5: {  	_ =	strace $0x90000048  }
0xb6: {  	_ =	sfence  }
0xb7: {  	s30 =	sld [smem:$0x0];
	_ =	sdelay $0x2  }
0xb8: {  	s31 =	sshll.u32 s1, $0xD;
	s1 =	sshrl.u32 s1, $0x2  }
0xb9: {  	s3 =	sand.u32 $0x4000, s31;
	s1 =	sadd.s32 s1, s30  }
0xba: {  	s0 =	sor.u32 s3, s0;
	s1 =	sshll.u32 s1, $0x11  }
0xbb: {  	s0 =	sor.u32 s1, s0  }
0xbc: {  	s0 =	sadd.s32 $0x8F2B, s0  }
0xbd: {  	[sflag:s0] =	ssyncadd.remote.s32 $0x1  }
0xbe: {  	_ =	sfence.sel $0xFFFF  }
0xbf: {  	[dreg:$0x0] =	wrdreg $0xFFFFFFFF;
	(pc) =	sbr.abs _section_cstart, $3  }
0xc0: {  	[dreg:$0x1] =	wrdreg $0xFFFFFFFF  }
0xc1: {  	_ =	task.clear_ibuf [dreg:s6], $0x2FFFF;
	_ =	strace $0x9FFFFFFF  }
0xc2: {  	(tm) =	ssettm $0x7FFFFFFF  }
0xc3: {  	_ =	shalt  }
tec
execute0_lowered:
.L_overlay_start_1:
0x0: {  	(tag) =	ssettag $0x1  }
0x1: {  	s1 =	srdreg.scid;
	s5 =	rddreg [dreg:$0x0]  }
0x2: {  	s0 =	stileid.u32;
	s2 =	rddreg [dreg:$0x1]  }
0x3: {  	s3 =	simm.s32 $0x0;
	s13 =	simm.s32 $0x1;
	s14 =	simm.s32 $0x80  }
0x4: {  	s4 =	sand.u32 $0x1, s1;
	s26 =	sshll.u32 s0, $0x1;
	s8 =	smul.u32 $0x14000, s0  }
0x5: {  	[smem:$0x7FF] =	sst s3;
	s9 =	smul.u32 $0x50000, s0;
	s15 =	sshll.u32 s0, $0x6  }
0x6: {  	s1 =	sor.u32 s4, s26;
	s7 =	smul.u32 $0x140000, s4;
	s29 =	ssub.s32 $0x2, s4  }
0x7: {  	s15 =	sor.u32 $0x1C01, s15;
	s6 =	smul.u32 $0x500, s1;
	s1 =	rddreg [dreg:$0x2]  }
0x8: {  	_ =	strace $0x80000047;
	s30 =	sshrl.u32 s9, $0x2;
	s31 =	sshrl.u32 s29, $0x1  }
0x9: {  	s28 =	sadd.s32 s8, s7;
	s4 =	sadd.s32 s30, s2;
	s12 =	ssub.s32 s29, s31  }
0xa: {  	s10 =	sadd.s32 s6, s5;
	s6 =	sshrl.u32 s28, $0x3;
	s7 =	sadd.s32 $0xC000, s4  }
0xb: {  	s8 =	sadd.s32 $0x10000, s4;
	s16 =	sshrl.u32 s4, $0x3;
	s11 =	sadd.s32 s6, s5  }
0xc: {  	s5 =	sadd.s32 $0x4000, s4;
	s6 =	sadd.s32 $0x8000, s4;
	s9 =	sadd.s32 $0x2C00, s10  }
0xd: {  	v0 =	vimm.f32 $0.0e+00;
	v1 =	vimm.f32 $1.000000000e+00;
	s10 =	sadd.s32 $0xCC00, s11;
	s11 =	smax.u32 s12, $0x1;
	s12 =	simm.s32 $0x2800  }
.LBB2_1:
0xe: {  	s17 =	simm.s32 $0x0;
	s18 =	simm.s32 $0x200  }
.LBB2_2:
0xf: {  	p0 =	sne.s32 s18, $0xFE00;
	[tilespmem:s17+$0x2870] =	vst v0  }
0x10: {  	[tilespmem:s17+$0x2800] =	vst v0  }
0x11: {  	[tilespmem:s17+$0x2810] =	vst v0  }
.Ltmp0:
0x12: {  	[tilespmem:s17+$0x2820] =	vst v0;
	(pc) =	sbr.rel @p0 .LBB2_2-.Ltmp0, $4  }
0x13: {  	[tilespmem:s17+$0x2830] =	vst v0  }
0x14: {  	[tilespmem:s17+$0x2840] =	vst v0  }
0x15: {  	[tilespmem:s17+$0x2850] =	vst v0  }
0x16: {  	[tilespmem:s17+$0x2860] =	vst v0;
	s17 =	sshra.s32 s18, $0x2;
	s18 =	sadd.s32 $0x200, s18  }
0x17: {  	[tilespmem:s17+$0x2870] =	vst v0  }
0x18: {  	[tilespmem:s17+$0x2800] =	vst v0  }
0x19: {  	[tilespmem:s17+$0x2810] =	vst v0  }
0x1a: {  	[tilespmem:s17+$0x2820] =	vst v0  }
0x1b: {  	[tilespmem:s17+$0x2830] =	vst v0  }
0x1c: {  	[tilespmem:s17+$0x2840] =	vst v0  }
0x1d: {  	[tilespmem:s17+$0x2850] =	vst v0  }
0x1e: {  	[tilespmem:s17+$0x2860] =	vst v0  }
0x1f: {  	[spmem:s4] =	stream.linear.scatter [tilespmem:s12], [sflag:$0x1], $0x4000, $0x38;
	[tilespmem:$0x1A800] =	vst v63  }
0x20: {  	_ =	swait.ge [sflag:s13], $0x4000  }
0x21: {  	[sflag:s13] =	ssyncset.done $0x0  }
0x22: {  	[sflag:s13] =	ssyncadd.s32 $0xFFFFC000  }
0x23: {  	[spmem:s5] =	stream.linear.scatter [tilespmem:s12], [sflag:$0x1], $0x4000, $0x38;
	[tilespmem:$0x1A800] =	vst v63  }
0x24: {  	_ =	swait.ge [sflag:s13], $0x4000  }
0x25: {  	[sflag:s13] =	ssyncset.done $0x0  }
0x26: {  	[sflag:s13] =	ssyncadd.s32 $0xFFFFC000  }
0x27: {  	[spmem:s6] =	stream.linear.scatter [tilespmem:s12], [sflag:$0x1], $0x4000, $0x38;
	[tilespmem:$0x1A800] =	vst v63  }
0x28: {  	_ =	swait.ge [sflag:s13], $0x4000  }
0x29: {  	[sflag:s13] =	ssyncset.done $0x0  }
0x2a: {  	[sflag:s13] =	ssyncadd.s32 $0xFFFFC000  }
0x2b: {  	[spmem:s7] =	stream.linear.scatter [tilespmem:s12], [sflag:$0x1], $0x4000, $0x38;
	[tilespmem:$0x1A800] =	vst v63  }
0x2c: {  	_ =	swait.ge [sflag:s13], $0x4000  }
0x2d: {  	[sflag:s13] =	ssyncset.done $0x0  }
0x2e: {  	[sflag:s13] =	ssyncadd.s32 $0xFFFFC000  }
0x2f: {  	[spmem:s8] =	stream.linear.scatter [tilespmem:s12], [sflag:$0x1], $0x4000, $0x38;
	[tilespmem:$0x1A800] =	vst v63  }
0x30: {  	_ =	swait.ge [sflag:s13], $0x4000  }
0x31: {  	[sflag:s13] =	ssyncset.done $0x0  }
0x32: {  	[sflag:s13] =	ssyncadd.s32 $0xFFFFC000  }
0x33: {  	s17 =	simm.s32 $0x0;
	s18 =	simm.s32 $0x200;
	[bflag:$0x0] =	sbarrier.arrive $0xFFFF  }
.LBB2_4:
0x34: {  	p0 =	sne.s32 s18, $0xFE00;
	[tilespmem:s17+$0x2870] =	vst v1  }
0x35: {  	[tilespmem:s17+$0x2800] =	vst v1  }
0x36: {  	[tilespmem:s17+$0x2810] =	vst v1  }
.Ltmp1:
0x37: {  	[tilespmem:s17+$0x2820] =	vst v1;
	(pc) =	sbr.rel @p0 .LBB2_4-.Ltmp1, $4  }
0x38: {  	[tilespmem:s17+$0x2830] =	vst v1  }
0x39: {  	[tilespmem:s17+$0x2840] =	vst v1  }
0x3a: {  	[tilespmem:s17+$0x2850] =	vst v1  }
0x3b: {  	[tilespmem:s17+$0x2860] =	vst v1;
	s17 =	sshra.s32 s18, $0x2;
	s18 =	sadd.s32 $0x200, s18  }
0x3c: {  	[tilespmem:s17+$0x2870] =	vst v1  }
0x3d: {  	[tilespmem:s17+$0x2800] =	vst v1  }
0x3e: {  	[tilespmem:s17+$0x2810] =	vst v1  }
0x3f: {  	[tilespmem:s17+$0x2820] =	vst v1  }
0x40: {  	[tilespmem:s17+$0x2830] =	vst v1  }
0x41: {  	[tilespmem:s17+$0x2840] =	vst v1  }
0x42: {  	[tilespmem:s17+$0x2850] =	vst v1  }
0x43: {  	[tilespmem:s17+$0x2860] =	vst v1;
	s30 =	simm.s32 $0x0  }
0x44: {  	[tilespmem:s30], [sflag:$0x1] =	stream.linear.gather [hbm4b:s9+s30], $0x2800, $0x38;
	[tilespmem:$0x1A800] =	vst v63  }
0x45: {  	_ =	swait.ge [sflag:s13], $0x2800  }
0x46: {  	[sflag:s13] =	ssyncset.done $0x0  }
0x47: {  	s31 =	simm.s32 $0x0;
	[sflag:s13] =	ssyncadd.s32 $0xFFFFD800  }
0x48: {  	[spmem:s2] =	stream.indirect.scatter.add.f32 [tilespmem:s12], [sflag:$0x1], $0x80, s31, s14, $0xb8;
	[tilespmem:$0x1A800] =	vst v63  }
0x49: {  	_ =	swait.ge [sflag:s13], $0x4000  }
0x4a: {  	s17 =	simm.s32 $0x200;
	[sflag:s13] =	ssyncset.done $0x0  }
.LBB2_6:
0x4b: {  	s18 =	sshra.s32 s17, $0x2;
	[sflag:s13] =	ssyncadd.s32 $0xFFFFC000;
	p0 =	sne.s32 s17, $0x9E00  }
0x4c: {  	[spmem:s2] =	stream.indirect.scatter.add.f32 [tilespmem:s12], [sflag:$0x1], $0x80, s18, s14, $0xb8;
	[tilespmem:$0x1A800] =	vst v63  }
.Ltmp2:
0x4d: {  	_ = 	snop;
	(pc) =	sbr.rel @p0 .LBB2_6-.Ltmp2, $4  }
0x4e: {  	_ = 	snop  }
0x4f: {  	s17 =	sadd.s32 $0x200, s17  }
0x50: {  	_ =	swait.ge [sflag:s13], $0x4000  }
0x51: {  	[sflag:s13] =	ssyncset.done $0x0  }
0x52: {  	s3 =	sadd.s32 $0x1, s3  }
0x53: {  	[sflag:s13] =	ssyncadd.s32 $0xFFFFC000;
	p0 =	sne.s32 s3, s11  }
.Ltmp3:
0x54: {  	[bflag:$0x0] =	sbarrier.arrive $0xFFFF;
	(pc) =	sbr.rel @p0 .LBB2_1-.Ltmp3, $4  }
0x55: {  	[hbm:s10], [sflag:s15] =	dma.local [spmem:s16], $0x2800  }
0x56: {  	_ =	swait.ge [sflag:s13], $0x2800  }
0x57: {  	[sflag:s13] =	ssyncset.done $0x0  }
0x58: {  	[sflag:s13] =	ssyncadd.s32 $0xFFFFD800  }
0x59: {  	_ =	sfence.sel $0x180000  }
0x5a: {  	[bflag:$0x0] =	sbarrier.arrive $0xFFFF  }
0x5b: {  	p0 =	sne.s32 s0, $0x0;
	_ =	strace $0x90000047  }
0x5c: {  	s0 =	sadd.s32 @!p0 $0x100000, s1;
	[bflag:$0x2] =	sbarrier.arrive $0xFFFF  }
0x5d: {  	[sflag:s0] =	ssyncadd.tile.s32 @!p0 $0x1;
	_ =	shalt  }
.Lfunc_end2:
_tile_overlayer_lowered:
.L_overlay_start_2:
0x5e: {  	(tag) =	ssettag $0x2  }
0x5f: {  	s0 =	rddreg [dreg:$0x0];
	s2 =	stileid.u32  }
0x60: {  	s1 =	rddreg [dreg:$0x1];
	p0 =	sne.s32 s2, $0x0  }
0x61: {  	s3 =	rddreg [dreg:$0x2];
	[bflag:$0x3] =	sbarrier.arrive $0xFFFF;
	s2 =	simm.s32 @!p0 $0x1C01  }
0x62: {  	[timem:s3], [sflag:s2] =	dma.local @!p0 [hbm:s0], s1  }
0x63: {  	s0 =	simm.s32 @!p0 $0x1  }
0x64: {  	_ =	swait.ge @!p0 [sflag:s0], s1  }
0x65: {  	s1 =	ssub.s32 @!p0 $0x0, s1;
	[sflag:s0] =	ssyncset.done @!p0 $0x0  }
0x66: {  	[sflag:s0] =	ssyncadd.s32 @!p0 s1  }
0x67: {  	[bflag:$0x3] =	sbarrier.arrive $0xFFFF  }
0x68: {  	_ =	shalt  }

// kernel: kernel.13.cloned.1.call-start
scs
__scs_entry_jumppad:
0x0: {  	(pc) =	sbr.rel $0x88, $3  }
0x1: {  	(tag) =	ssettag $0x0;
	lr =	simm.s32 $0x1  }
0x2: {  	[smem:$0x3F99] =	sst lr;
	_ =	strace $0xD0000000  }
0x3: {  	_ = 	snop  }
0x4: {  	_ = 	snop  }
0x5: {  	_ = 	snop  }
0x6: {  	_ = 	snop  }
0x7: {  	_ = 	snop  }
__scs_overlays_trampoline_lowered:
0x8: {  	[smem:$0x3FA8] =	sst s0  }
0x9: {  	[smem:$0x3FA9] =	sst s1  }
0xa: {  	[smem:$0x3FAA] =	sst s2  }
0xb: {  	[smem:$0x3FAB] =	sst s3  }
0xc: {  	[smem:$0x3FAC] =	sst s4  }
0xd: {  	[smem:$0x3FAD] =	sst s5  }
0xe: {  	[smem:$0x3FAE] =	sst s6  }
0xf: {  	[smem:$0x3FAF] =	sst s7  }
0x10: {  	[smem:$0x3FB0] =	sst s8  }
0x11: {  	[smem:$0x3FB1] =	sst s9;
	s0 =	simm.s32 @!p0 $0x0  }
0x12: {  	s1 =	sld [smem:$0x3F97];
	s0 =	simm.s32 @p0 $0x1  }
0x13: {  	[smem:$0x3FB2] =	sst s0;
	s0 =	simm.s32 @!p1 $0x0  }
0x14: {  	s2 =	sld [smem:$0x3F96];
	s0 =	simm.s32 @p1 $0x1  }
0x15: {  	[smem:$0x3FB3] =	sst s0;
	s0 =	simm.s32 @!p2 $0x0  }
0x16: {  	s3 =	sld [smem:$0x3FDB];
	s0 =	simm.s32 @p2 $0x1  }
0x17: {  	s4 =	simm.s32 $0x1BF5;
	[smem:$0x3FB5] =	sst s0  }
0x18: {  	s0 =	sld [smem:$0x3F98];
	_ =	swait.ge [sflag:s4], $0x0  }
0x19: {  	s7 =	sld [smem:$0x3F99]  }
0x1a: {  	s8 =	sadd.s32 $0xFFFFE003, lr  }
0x1b: {  	s9 =	sadd.s32 $0xFFFFFEF7, lr;
	s5 =	simm.s32 $0xFFFFFFFF;
	p2 =	slt.u32 s8, $0xFFFFF086  }
0x1c: {  	p1 =	slt.u32 s9, $0xF7A;
	s5 =	simm.s32 @!p2 $0x0  }
0x1d: {  	s5 =	simm.s32 @p1 $0x1;
	p0 =	seq.s32 s7, s2  }
0x1e: {  	s7 =	smul.u32 @!p0 $0xF7A, s2;
	p2 =	seq.s32 @!p0 s5, $0x0  }
0x1f: {  	s9 =	smul.u32 $0xF7A, s1;
	s8 =	simm.s32 @!p0 $0x1BF5;
	p2 =	por !p2, p0  }
0x20: {  	[sflag:s8] =	ssyncset.s32 @!p0 $0xFFFFF086;
	s6 =	sadd.s32 @!p0 s3, s7;
	s7 =	simm.s32 @!p0 $0x108  }
0x21: {  	s3 =	sadd.s32 s3, s9;
	s6 =	sadd.s32 @!p0 $0x88, s6;
	s7 =	simm.s32 @p2 $0x1082  }
0x22: {  	[simem:s7], [sflag:s8] =	dma.local @!p0 [hbm:s6], $0xF7A  }
0x23: {  	s9 =	sor.u32 $0xD0000000, s2;
	s6 =	simm.s32 $0x108;
	_ =	swait.ge @!p0 [sflag:s8], $0x0  }
0x24: {  	s3 =	sadd.s32 $0x88, s3;
	s6 =	simm.s32 @!p1 $0x1082;
	[sflag:s4] =	ssyncset.s32 $0xFFFFF086  }
0x25: {  	[simem:s6], [sflag:s4] =	dma.local [hbm:s3], $0xF7A  }
0x26: {  	[smem:$0x3F99] =	sst s1;
	(tag) =	ssettag s2;
	_ =	strace s9  }
0x27: {  	s1 =	sld [smem:$0x3FA9]  }
0x28: {  	s2 =	sld [smem:$0x3FAA]  }
0x29: {  	s4 =	sld [smem:$0x3FAC]  }
0x2a: {  	p0 =	seq.s32 s5, $0x0;
	s5 =	sld [smem:$0x3FAD]  }
0x2b: {  	s6 =	sld [smem:$0x3FAE]  }
0x2c: {  	s7 =	sld [smem:$0x3FAF]  }
0x2d: {  	s3 =	simm.s32 $0x108;
	s8 =	sld [smem:$0x3FB0]  }
0x2e: {  	s3 =	simm.s32 @!p0 $0x1082;
	s9 =	sld [smem:$0x3FB1]  }
0x2f: {  	lr =	sadd.s32 s0, s3;
	s0 =	sld [smem:$0x3FA8]  }
0x30: {  	s3 =	sld [smem:$0x3FAB]  }
0x31: {  	[smem:$0x3FB4] =	sst s10  }
0x32: {  	s10 =	sld [smem:$0x3FB2];
	_ =	sdelay $0x3  }
0x33: {  	p0 =	seq.s32 s10, $0x1;
	s10 =	sld [smem:$0x3FB4];
	_ =	sdelay $0x3  }
0x34: {  	[smem:$0x3FB4] =	sst s10  }
0x35: {  	s10 =	sld [smem:$0x3FB3];
	_ =	sdelay $0x3  }
0x36: {  	p1 =	seq.s32 s10, $0x1;
	s10 =	sld [smem:$0x3FB4];
	_ =	sdelay $0x3  }
0x37: {  	[smem:$0x3FB4] =	sst s10  }
0x38: {  	s10 =	sld [smem:$0x3FB5]  }
0x39: {  	_ = 	snop;
	(pc) =	sbr.ind lr, $3  }
0x3a: {  	_ = 	snop  }
0x3b: {  	_ = 	snop  }
0x3c: {  	p2 =	seq.s32 s10, $0x1;
	s10 =	sld [smem:$0x3FB4]  }
0x3d: {  	_ =	shalt  }
0x3e: {  	_ =	shalt  }
0x3f: {  	_ =	shalt  }
0x40: {  	_ =	shalt  }
0x41: {  	_ =	shalt  }
0x42: {  	_ =	shalt  }
0x43: {  	_ =	shalt  }
0x44: {  	_ =	shalt  }
0x45: {  	_ =	shalt  }
0x46: {  	_ =	shalt  }
0x47: {  	_ =	shalt  }
0x48: {  	_ =	shalt  }
0x49: {  	_ =	shalt  }
0x4a: {  	_ =	shalt  }
0x4b: {  	_ =	shalt  }
0x4c: {  	_ =	shalt  }
0x4d: {  	_ =	shalt  }
0x4e: {  	_ =	shalt  }
0x4f: {  	_ =	shalt  }
0x50: {  	_ =	shalt  }
0x51: {  	_ =	shalt  }
0x52: {  	_ =	shalt  }
0x53: {  	_ =	shalt  }
0x54: {  	_ =	shalt  }
0x55: {  	_ =	shalt  }
0x56: {  	_ =	shalt  }
0x57: {  	_ =	shalt  }
0x58: {  	_ =	shalt  }
0x59: {  	_ =	shalt  }
0x5a: {  	_ =	shalt  }
0x5b: {  	_ =	shalt  }
0x5c: {  	_ =	shalt  }
0x5d: {  	_ =	shalt  }
0x5e: {  	_ =	shalt  }
0x5f: {  	_ =	shalt  }
0x60: {  	_ =	shalt  }
0x61: {  	_ =	shalt  }
0x62: {  	_ =	shalt  }
0x63: {  	_ =	shalt  }
0x64: {  	_ =	shalt  }
0x65: {  	_ =	shalt  }
0x66: {  	_ =	shalt  }
0x67: {  	_ =	shalt  }
0x68: {  	_ =	shalt  }
0x69: {  	_ =	shalt  }
0x6a: {  	_ =	shalt  }
0x6b: {  	_ =	shalt  }
0x6c: {  	_ =	shalt  }
0x6d: {  	_ =	shalt  }
0x6e: {  	_ =	shalt  }
0x6f: {  	_ =	shalt  }
0x70: {  	_ =	shalt  }
0x71: {  	_ =	shalt  }
0x72: {  	_ =	shalt  }
0x73: {  	_ =	shalt  }
0x74: {  	_ =	shalt  }
0x75: {  	_ =	shalt  }
0x76: {  	_ =	shalt  }
0x77: {  	_ =	shalt  }
0x78: {  	_ =	shalt  }
0x79: {  	_ =	shalt  }
0x7a: {  	_ =	shalt  }
0x7b: {  	_ =	shalt  }
0x7c: {  	_ =	shalt  }
0x7d: {  	_ =	shalt  }
0x7e: {  	_ =	shalt  }
0x7f: {  	_ =	shalt  }
0x80: {  	_ =	shalt  }
0x81: {  	_ =	shalt  }
0x82: {  	_ =	shalt  }
0x83: {  	_ =	shalt  }
0x84: {  	_ =	shalt  }
0x85: {  	_ =	shalt  }
0x86: {  	_ =	shalt  }
0x87: {  	_ =	shalt  }
.Lfunc_end0:
.L_simem_size_0:
called_computation.1_lowered:
.L_overlay_start_0:
0x88: {  	s2 =	sld [smem:$0x3FD9]  }
0x89: {  	s3 =	sld [smem:$0x3FFE];
	_ =	sdelay $0x1  }
0x8a: {  	s1 =	srdreg.scid  }
0x8b: {  	s0 =	sand.u32 $0x1, s1  }
0x8c: {  	s16 =	sshll.u32 s0, $0xA;
	s2 =	sadd.s32 s3, s2  }
0x8d: {  	s2 =	sadd.s32 s2, s16  }
0x8e: {  	[smem:$0x3FC0] =	sst s2  }
0x8f: {  	_ = 	snop  }
0x90: {  	(tm) =	ssettm $0x1  }
0x91: {  	s17 =	sld [smem:$0x3FFB];
	_ =	sdelay $0x3  }
0x92: {  	_ =	strace s17  }
0x93: {  	s2 =	sld [smem:$0x3FFC];
	_ =	sdelay $0x3  }
0x94: {  	_ =	strace s2  }
0x95: {  	s2 =	sld [smem:$0x3FFD];
	_ =	sdelay $0x3  }
0x96: {  	_ =	strace s2  }
0x97: {  	_ =	strace $0x8FFFFFFF  }
0x98: {  	s18 =	sld [smem:$0x3FDB];
	_ =	sdelay $0x1  }
0x99: {  	s19 =	simm.s32 $_scs_section_size  }
0x9a: {  	s4 =	simm.s32 $_size__tile_overlayer_lowered;
	s5 =	simm.s32 $_tile_overlayer_lowered  }
0x9b: {  	s22 =	simm.s32 $0x1BFF;
	s21 =	sshll.u32 s5, $0x1;
	s2 =	sadd.s32 s19, s18  }
0x9c: {  	s6 =	simm.s32 $0x0;
	s20 =	sshll.u32 s4, $0x1;
	s4 =	sadd.s32 s21, s2  }
0x9d: {  	[timem:s6], [sflag:s22] =	dma.local [hbm:s4], s20  }
0x9e: {  	_ =	swait.ge [sflag:s22], s20  }
0x9f: {  	s3 =	ssub.s32 $0x0, s20;
	[sflag:s22] =	ssyncset.done $0x0  }
0xa0: {  	[sflag:s22] =	ssyncadd.s32 s3;
	_ =	sdelay $0x1  }
0xa1: {  	s23 =	simm.s32 $0x1B8B  }
0xa2: {  	_ =	swait.ge [sflag:s23], $0x1  }
0xa3: {  	[sflag:s23] =	ssyncset.done $0x0  }
0xa4: {  	s25 =	simm.s32 $0x1B8E;
	s24 =	sld [smem:$0x3FFE];
	[sflag:s23] =	ssyncadd.s32 $0xFFFFFFFF  }
0xa5: {  	s26 =	simm.s32 $execute0_lowered;
	[smem:$0x3FD2] =	sst s25  }
0xa6: {  	s4 =	sshll.u32 s26, $0x1;
	_ =	strace $0x80000049;
	[dreg:$0x1] =	wrdreg $0xFFFFFFFF  }
0xa7: {  	s28 =	simm.s32 $_size_execute0_lowered;
	s2 =	sadd.s32 s2, s4;
	[dreg:$0x0] =	wrdreg $0x0  }
0xa8: {  	s4 =	sshll.u32 s28, $0x1;
	[dreg:$0x2] =	wrdreg s2  }
0xa9: {  	[dreg:$0x3] =	wrdreg s4  }
0xaa: {  	[dreg:$0x4] =	wrdreg $0xC0  }
0xab: {  	_ =	task [dreg:s6], $0x5FFFF  }
0xac: {  	[dreg:$0x1] =	wrdreg $0xFFFFFFFF  }
0xad: {  	[dreg:$0x0] =	wrdreg $0x60  }
0xae: {  	[dreg:$0x2] =	wrdreg s24  }
0xaf: {  	[dreg:$0x3] =	wrdreg $0xA8000  }
0xb0: {  	[dreg:$0x4] =	wrdreg $0x9  }
0xb1: {  	_ =	task.clear_ibuf [dreg:s6], $0x5FFFF;
	_ =	strace $0x90000049  }
0xb2: {  	s29 =	simm.s32 $0x9;
	_ =	strace $0x8000004B  }
0xb3: {  	_ =	swait.ge [sflag:s29], $0x1  }
0xb4: {  	[sflag:s29] =	ssyncadd.s32 $0xFFFFFFFF  }
0xb5: {  	_ =	strace $0x9000004B  }
0xb6: {  	_ =	sfence  }
0xb7: {  	s30 =	sld [smem:$0x0];
	_ =	sdelay $0x2  }
0xb8: {  	s31 =	sshll.u32 s1, $0xD;
	s1 =	sshrl.u32 s1, $0x2  }
0xb9: {  	s3 =	sand.u32 $0x4000, s31;
	s1 =	sadd.s32 s1, s30  }
0xba: {  	s0 =	sor.u32 s3, s0;
	s1 =	sshll.u32 s1, $0x11  }
0xbb: {  	s0 =	sor.u32 s1, s0  }
0xbc: {  	s0 =	sadd.s32 $0x8F2B, s0  }
0xbd: {  	[sflag:s0] =	ssyncadd.remote.s32 $0x1  }
0xbe: {  	_ =	sfence.sel $0xFFFF  }
0xbf: {  	[dreg:$0x0] =	wrdreg $0xFFFFFFFF;
	(pc) =	sbr.abs _section_cstart, $3  }
0xc0: {  	[dreg:$0x1] =	wrdreg $0xFFFFFFFF  }
0xc1: {  	_ =	task.clear_ibuf [dreg:s6], $0x2FFFF;
	_ =	strace $0x9FFFFFFF  }
0xc2: {  	(tm) =	ssettm $0x7FFFFFFF  }
0xc3: {  	_ =	shalt  }
tec
execute0_lowered:
.L_overlay_start_1:
0x0: {  	(tag) =	ssettag $0x1  }
0x1: {  	s6 =	rddreg [dreg:$0x0]  }
0x2: {  	s1 =	rddreg [dreg:$0x1];
	s2 =	srdreg.scid  }
0x3: {  	s0 =	rddreg [dreg:$0x2];
	s3 =	simm.s32 $0x0;
	s17 =	simm.s32 $0x3  }
0x4: {  	s18 =	simm.s32 $0x1400;
	s19 =	simm.s32 $0x80;
	s20 =	simm.s32 $0x6800  }
0x5: {  	s21 =	simm.s32 $0x1;
	s5 =	sand.u32 $0x1, s2;
	s2 =	stileid.u32  }
0x6: {  	s22 =	simm.s32 $0x2;
	[smem:$0x7FF] =	sst s3;
	s7 =	smul.u32 $0x140000, s5  }
0x7: {  	s4 =	sadd.s32 $0xCC00, s6;
	s12 =	sadd.s32 $0x5CC00, s6;
	s8 =	smul.u32 $0x14000, s2  }
0x8: {  	s13 =	sadd.s32 $0x2C00, s6;
	s29 =	smul.u32 $0x50000, s2;
	s9 =	sshll.u32 s2, $0x1  }
0x9: {  	_ =	strace $0x8000004A;
	s10 =	ssub.s32 $0x2, s5;
	s9 =	sor.u32 s5, s9  }
0xa: {  	s31 =	sshrl.u32 s10, $0x1;
	s7 =	sadd.s32 s8, s7;
	s30 =	sshrl.u32 s29, $0x2  }
0xb: {  	s9 =	smul.u32 $0x2800, s9;
	s15 =	ssub.s32 s10, s31;
	s7 =	sshrl.u32 s7, $0x3  }
0xc: {  	s5 =	sadd.s32 s30, s1;
	s15 =	smax.u32 s15, $0x1;
	s14 =	sadd.s32 s7, s6  }
0xd: {  	s6 =	sadd.s32 $0x4000, s5;
	s7 =	sadd.s32 $0x8000, s5;
	s11 =	sshrl.u32 s9, $0x3  }
0xe: {  	s8 =	sadd.s32 $0xC000, s5;
	s9 =	sadd.s32 $0x10000, s5;
	s10 =	sadd.s32 s12, s11  }
0xf: {  	s16 =	sadd.s32 $0x280, s11;
	s11 =	sadd.s32 s13, s11;
	s14 =	sadd.s32 $0x66C00, s14  }
0x10: {  	v0 =	vimm.f32 $0.0e+00;
	s12 =	sadd.s32 s12, s16;
	s13 =	sadd.s32 s13, s16;
	s16 =	simm.s32 $0x2800  }
.LBB2_1:
0x11: {  	s23 =	simm.s32 $0x0;
	s24 =	simm.s32 $0x200  }
.LBB2_2:
0x12: {  	p0 =	sne.s32 s24, $0xFE00;
	[tilespmem:s23+$0x2870] =	vst v0  }
0x13: {  	[tilespmem:s23+$0x2800] =	vst v0  }
0x14: {  	[tilespmem:s23+$0x2810] =	vst v0  }
.Ltmp0:
0x15: {  	[tilespmem:s23+$0x2820] =	vst v0;
	(pc) =	sbr.rel @p0 .LBB2_2-.Ltmp0, $4  }
0x16: {  	[tilespmem:s23+$0x2830] =	vst v0  }
0x17: {  	[tilespmem:s23+$0x2840] =	vst v0  }
0x18: {  	[tilespmem:s23+$0x2850] =	vst v0  }
0x19: {  	[tilespmem:s23+$0x2860] =	vst v0;
	s23 =	sshra.s32 s24, $0x2;
	s24 =	sadd.s32 $0x200, s24  }
0x1a: {  	[tilespmem:s23+$0x2870] =	vst v0  }
0x1b: {  	[tilespmem:s23+$0x2800] =	vst v0  }
0x1c: {  	[tilespmem:s23+$0x2810] =	vst v0  }
0x1d: {  	[tilespmem:s23+$0x2820] =	vst v0  }
0x1e: {  	[tilespmem:s23+$0x2830] =	vst v0  }
0x1f: {  	[tilespmem:s23+$0x2840] =	vst v0  }
0x20: {  	[tilespmem:s23+$0x2850] =	vst v0  }
0x21: {  	[tilespmem:s23+$0x2860] =	vst v0  }
0x22: {  	[spmem:s5] =	stream.linear.scatter [tilespmem:s16], [sflag:$0x3], $0x4000, $0x38;
	[tilespmem:$0x1E800] =	vst v63  }
0x23: {  	_ =	swait.ge [sflag:s17], $0x4000  }
0x24: {  	[sflag:s17] =	ssyncset.done $0x0  }
0x25: {  	[sflag:s17] =	ssyncadd.s32 $0xFFFFC000  }
0x26: {  	[spmem:s6] =	stream.linear.scatter [tilespmem:s16], [sflag:$0x3], $0x4000, $0x38;
	[tilespmem:$0x1E800] =	vst v63  }
0x27: {  	_ =	swait.ge [sflag:s17], $0x4000  }
0x28: {  	[sflag:s17] =	ssyncset.done $0x0  }
0x29: {  	[sflag:s17] =	ssyncadd.s32 $0xFFFFC000  }
0x2a: {  	[spmem:s7] =	stream.linear.scatter [tilespmem:s16], [sflag:$0x3], $0x4000, $0x38;
	[tilespmem:$0x1E800] =	vst v63  }
0x2b: {  	_ =	swait.ge [sflag:s17], $0x4000  }
0x2c: {  	[sflag:s17] =	ssyncset.done $0x0  }
0x2d: {  	[sflag:s17] =	ssyncadd.s32 $0xFFFFC000  }
0x2e: {  	[spmem:s8] =	stream.linear.scatter [tilespmem:s16], [sflag:$0x3], $0x4000, $0x38;
	[tilespmem:$0x1E800] =	vst v63  }
0x2f: {  	_ =	swait.ge [sflag:s17], $0x4000  }
0x30: {  	[sflag:s17] =	ssyncset.done $0x0  }
0x31: {  	[sflag:s17] =	ssyncadd.s32 $0xFFFFC000  }
0x32: {  	[spmem:s9] =	stream.linear.scatter [tilespmem:s16], [sflag:$0x3], $0x4000, $0x38;
	[tilespmem:$0x1E800] =	vst v63  }
0x33: {  	_ =	swait.ge [sflag:s17], $0x4000  }
0x34: {  	[sflag:s17] =	ssyncset.done $0x0  }
0x35: {  	[sflag:s17] =	ssyncadd.s32 $0xFFFFC000  }
0x36: {  	s26 =	simm.s32 $0x0;
	[bflag:$0x0] =	sbarrier.arrive $0xFFFF  }
0x37: {  	[tilespmem:s26], [sflag:$0x3] =	stream.linear.gather [hbm4b:s10+s26], $0x1400, $0x38;
	[tilespmem:$0x1E800] =	vst v63  }
0x38: {  	_ =	swait.ge [sflag:s17], $0x1400  }
0x39: {  	[sflag:s17] =	ssyncset.done $0x0  }
0x3a: {  	[sflag:s17] =	ssyncadd.s32 $0xFFFFEC00  }
0x3b: {  	[tilespmem:s18], [sflag:$0x3] =	stream.linear.gather [hbm4b:s11+s26], $0x1400, $0x38;
	[tilespmem:$0x1E800] =	vst v63  }
0x3c: {  	_ =	swait.ge [sflag:s17], $0x1400  }
0x3d: {  	[sflag:s17] =	ssyncset.done $0x0  }
0x3e: {  	s28 =	simm.s32 $0x0;
	[sflag:s17] =	ssyncadd.s32 $0xFFFFEC00  }
0x3f: {  	[tilespmem:s16], [sflag:$0x1] =	stream.indirect.gather [hbm4b:s4+s19], $0x80, s28, s19, $0xb8;
	[tilespmem:$0x1E800] =	vst v63  }
0x40: {  	s29 =	simm.s32 $0x80  }
0x41: {  	[tilespmem:s20], [sflag:$0x2] =	stream.indirect.gather [hbm4b:s4+s19], $0x80, s29, s19, $0xb8;
	[tilespmem:$0x1E800] =	vst v63  }
0x42: {  	_ =	swait.ge [sflag:s21], $0x4000  }
0x43: {  	[sflag:s21] =	ssyncset.done $0x0  }
0x44: {  	s30 =	simm.s32 $0x1400;
	[sflag:s21] =	ssyncadd.s32 $0xFFFFC000  }
0x45: {  	[spmem:s1] =	stream.indirect.scatter.add.f32 [tilespmem:s16], [sflag:$0x3], $0x80, s30, s19, $0xb8;
	[tilespmem:$0x1E800] =	vst v63  }
0x46: {  	_ =	swait.ge [sflag:s17], $0x4000  }
0x47: {  	[sflag:s17] =	ssyncset.done $0x0  }
0x48: {  	[sflag:s17] =	ssyncadd.s32 $0xFFFFC000  }
0x49: {  	_ =	swait.ge [sflag:s22], $0x4000  }
0x4a: {  	[sflag:s22] =	ssyncset.done $0x0  }
0x4b: {  	s31 =	simm.s32 $0x1480;
	[sflag:s22] =	ssyncadd.s32 $0xFFFFC000  }
0x4c: {  	[spmem:s1] =	stream.indirect.scatter.add.f32 [tilespmem:s20], [sflag:$0x3], $0x80, s31, s19, $0xb8;
	[tilespmem:$0x1E800] =	vst v63  }
0x4d: {  	_ =	swait.ge [sflag:s17], $0x4000  }
0x4e: {  	s23 =	simm.s32 $0x400;
	s24 =	simm.s32 $0x800;
	[sflag:s17] =	ssyncset.done $0x0  }
.LBB2_4:
0x4f: {  	s25 =	sshra.s32 s23, $0x2  }
0x50: {  	[sflag:s17] =	ssyncadd.s32 $0xFFFFC000;
	s23 =	smov.u32 s24;
	s26 =	sadd.s32 $0x400, s24  }
0x51: {  	[tilespmem:s16], [sflag:$0x1] =	stream.indirect.gather [hbm4b:s4+s19], $0x80, s25, s19, $0xb8;
	[tilespmem:$0x1E800] =	vst v63  }
0x52: {  	p0 =	sne.s32 s24, $0x4C00;
	s24 =	sadd.s32 $0x80, s25  }
0x53: {  	[tilespmem:s20], [sflag:$0x2] =	stream.indirect.gather [hbm4b:s4+s19], $0x80, s24, s19, $0xb8;
	[tilespmem:$0x1E800] =	vst v63  }
0x54: {  	_ =	swait.ge [sflag:s21], $0x4000  }
0x55: {  	[sflag:s21] =	ssyncset.done $0x0  }
0x56: {  	s24 =	sadd.s32 $0x1400, s25;
	[sflag:s21] =	ssyncadd.s32 $0xFFFFC000  }
0x57: {  	[spmem:s1] =	stream.indirect.scatter.add.f32 [tilespmem:s16], [sflag:$0x3], $0x80, s24, s19, $0xb8;
	[tilespmem:$0x1E800] =	vst v63  }
0x58: {  	_ =	swait.ge [sflag:s17], $0x4000  }
0x59: {  	[sflag:s17] =	ssyncset.done $0x0  }
0x5a: {  	[sflag:s17] =	ssyncadd.s32 $0xFFFFC000  }
0x5b: {  	_ =	swait.ge [sflag:s22], $0x4000  }
.Ltmp1:
0x5c: {  	[sflag:s22] =	ssyncset.done $0x0;
	(pc) =	sbr.rel @p0 .LBB2_4-.Ltmp1, $4  }
0x5d: {  	s24 =	sadd.s32 $0x1480, s25;
	[sflag:s22] =	ssyncadd.s32 $0xFFFFC000  }
0x5e: {  	[spmem:s1] =	stream.indirect.scatter.add.f32 [tilespmem:s20], [sflag:$0x3], $0x80, s24, s19, $0xb8;
	[tilespmem:$0x1E800] =	vst v63  }
0x5f: {  	_ =	swait.ge [sflag:s17], $0x4000  }
0x60: {  	s24 =	smov.u32 s26;
	[sflag:s17] =	ssyncset.done $0x0  }
0x61: {  	s23 =	sshra.s32 s23, $0x2;
	[sflag:s17] =	ssyncadd.s32 $0xFFFFC000  }
0x62: {  	[tilespmem:s16], [sflag:$0x1] =	stream.indirect.gather [hbm4b:s4+s19], $0x80, s23, s19, $0xb8;
	[tilespmem:$0x1E800] =	vst v63  }
0x63: {  	s24 =	sadd.s32 $0x80, s23  }
0x64: {  	[tilespmem:s20], [sflag:$0x2] =	stream.indirect.gather [hbm4b:s4+s19], $0x80, s24, s19, $0xb8;
	[tilespmem:$0x1E800] =	vst v63  }
0x65: {  	_ =	swait.ge [sflag:s21], $0x4000  }
0x66: {  	[sflag:s21] =	ssyncset.done $0x0  }
0x67: {  	s25 =	sadd.s32 $0x1400, s23;
	[sflag:s21] =	ssyncadd.s32 $0xFFFFC000  }
0x68: {  	[spmem:s1] =	stream.indirect.scatter.add.f32 [tilespmem:s16], [sflag:$0x3], $0x80, s25, s19, $0xb8;
	[tilespmem:$0x1E800] =	vst v63  }
0x69: {  	_ =	swait.ge [sflag:s17], $0x4000  }
0x6a: {  	[sflag:s17] =	ssyncset.done $0x0  }
0x6b: {  	[sflag:s17] =	ssyncadd.s32 $0xFFFFC000  }
0x6c: {  	_ =	swait.ge [sflag:s22], $0x4000  }
0x6d: {  	[sflag:s22] =	ssyncset.done $0x0  }
0x6e: {  	s23 =	sadd.s32 $0x1480, s23;
	[sflag:s22] =	ssyncadd.s32 $0xFFFFC000  }
0x6f: {  	[spmem:s1] =	stream.indirect.scatter.add.f32 [tilespmem:s20], [sflag:$0x3], $0x80, s23, s19, $0xb8;
	[tilespmem:$0x1E800] =	vst v63  }
0x70: {  	_ =	swait.ge [sflag:s17], $0x4000  }
0x71: {  	[sflag:s17] =	ssyncset.done $0x0  }
0x72: {  	s26 =	simm.s32 $0x0;
	[sflag:s17] =	ssyncadd.s32 $0xFFFFC000  }
0x73: {  	[tilespmem:s26], [sflag:$0x3] =	stream.linear.gather [hbm4b:s12+s26], $0x1400, $0x38;
	[tilespmem:$0x1E800] =	vst v63  }
0x74: {  	_ =	swait.ge [sflag:s17], $0x1400  }
0x75: {  	[sflag:s17] =	ssyncset.done $0x0  }
0x76: {  	[sflag:s17] =	ssyncadd.s32 $0xFFFFEC00  }
0x77: {  	[tilespmem:s18], [sflag:$0x3] =	stream.linear.gather [hbm4b:s13+s26], $0x1400, $0x38;
	[tilespmem:$0x1E800] =	vst v63  }
0x78: {  	_ =	swait.ge [sflag:s17], $0x1400  }
0x79: {  	[sflag:s17] =	ssyncset.done $0x0  }
0x7a: {  	s28 =	simm.s32 $0x0;
	[sflag:s17] =	ssyncadd.s32 $0xFFFFEC00  }
0x7b: {  	[tilespmem:s16], [sflag:$0x1] =	stream.indirect.gather [hbm4b:s4+s19], $0x80, s28, s19, $0xb8;
	[tilespmem:$0x1E800] =	vst v63  }
0x7c: {  	s29 =	simm.s32 $0x80  }
0x7d: {  	[tilespmem:s20], [sflag:$0x2] =	stream.indirect.gather [hbm4b:s4+s19], $0x80, s29, s19, $0xb8;
	[tilespmem:$0x1E800] =	vst v63  }
0x7e: {  	_ =	swait.ge [sflag:s21], $0x4000  }
0x7f: {  	[sflag:s21] =	ssyncset.done $0x0  }
0x80: {  	s30 =	simm.s32 $0x1400;
	[sflag:s21] =	ssyncadd.s32 $0xFFFFC000  }
0x81: {  	[spmem:s1] =	stream.indirect.scatter.add.f32 [tilespmem:s16], [sflag:$0x3], $0x80, s30, s19, $0xb8;
	[tilespmem:$0x1E800] =	vst v63  }
0x82: {  	_ =	swait.ge [sflag:s17], $0x4000  }
0x83: {  	[sflag:s17] =	ssyncset.done $0x0  }
0x84: {  	[sflag:s17] =	ssyncadd.s32 $0xFFFFC000  }
0x85: {  	_ =	swait.ge [sflag:s22], $0x4000  }
0x86: {  	[sflag:s22] =	ssyncset.done $0x0  }
0x87: {  	s31 =	simm.s32 $0x1480;
	[sflag:s22] =	ssyncadd.s32 $0xFFFFC000  }
0x88: {  	[spmem:s1] =	stream.indirect.scatter.add.f32 [tilespmem:s20], [sflag:$0x3], $0x80, s31, s19, $0xb8;
	[tilespmem:$0x1E800] =	vst v63  }
0x89: {  	_ =	swait.ge [sflag:s17], $0x4000  }
0x8a: {  	s24 =	simm.s32 $0x800;
	s23 =	simm.s32 $0x400;
	[sflag:s17] =	ssyncset.done $0x0  }
.LBB2_6:
0x8b: {  	s25 =	sshra.s32 s23, $0x2  }
0x8c: {  	[sflag:s17] =	ssyncadd.s32 $0xFFFFC000;
	s23 =	smov.u32 s24;
	s26 =	sadd.s32 $0x400, s24  }
0x8d: {  	[tilespmem:s16], [sflag:$0x1] =	stream.indirect.gather [hbm4b:s4+s19], $0x80, s25, s19, $0xb8;
	[tilespmem:$0x1E800] =	vst v63  }
0x8e: {  	p0 =	sne.s32 s24, $0x4C00;
	s24 =	sadd.s32 $0x80, s25  }
0x8f: {  	[tilespmem:s20], [sflag:$0x2] =	stream.indirect.gather [hbm4b:s4+s19], $0x80, s24, s19, $0xb8;
	[tilespmem:$0x1E800] =	vst v63  }
0x90: {  	_ =	swait.ge [sflag:s21], $0x4000  }
0x91: {  	[sflag:s21] =	ssyncset.done $0x0  }
0x92: {  	s24 =	sadd.s32 $0x1400, s25;
	[sflag:s21] =	ssyncadd.s32 $0xFFFFC000  }
0x93: {  	[spmem:s1] =	stream.indirect.scatter.add.f32 [tilespmem:s16], [sflag:$0x3], $0x80, s24, s19, $0xb8;
	[tilespmem:$0x1E800] =	vst v63  }
0x94: {  	_ =	swait.ge [sflag:s17], $0x4000  }
0x95: {  	[sflag:s17] =	ssyncset.done $0x0  }
0x96: {  	[sflag:s17] =	ssyncadd.s32 $0xFFFFC000  }
0x97: {  	_ =	swait.ge [sflag:s22], $0x4000  }
.Ltmp2:
0x98: {  	[sflag:s22] =	ssyncset.done $0x0;
	(pc) =	sbr.rel @p0 .LBB2_6-.Ltmp2, $4  }
0x99: {  	s24 =	sadd.s32 $0x1480, s25;
	[sflag:s22] =	ssyncadd.s32 $0xFFFFC000  }
0x9a: {  	[spmem:s1] =	stream.indirect.scatter.add.f32 [tilespmem:s20], [sflag:$0x3], $0x80, s24, s19, $0xb8;
	[tilespmem:$0x1E800] =	vst v63  }
0x9b: {  	_ =	swait.ge [sflag:s17], $0x4000  }
0x9c: {  	s24 =	smov.u32 s26;
	[sflag:s17] =	ssyncset.done $0x0  }
0x9d: {  	s23 =	sshra.s32 s23, $0x2;
	[sflag:s17] =	ssyncadd.s32 $0xFFFFC000  }
0x9e: {  	[tilespmem:s16], [sflag:$0x1] =	stream.indirect.gather [hbm4b:s4+s19], $0x80, s23, s19, $0xb8;
	[tilespmem:$0x1E800] =	vst v63  }
0x9f: {  	s24 =	sadd.s32 $0x80, s23  }
0xa0: {  	[tilespmem:s20], [sflag:$0x2] =	stream.indirect.gather [hbm4b:s4+s19], $0x80, s24, s19, $0xb8;
	[tilespmem:$0x1E800] =	vst v63  }
0xa1: {  	_ =	swait.ge [sflag:s21], $0x4000  }
0xa2: {  	[sflag:s21] =	ssyncset.done $0x0  }
0xa3: {  	s29 =	sadd.s32 $0x1400, s23;
	[sflag:s21] =	ssyncadd.s32 $0xFFFFC000  }
0xa4: {  	[spmem:s1] =	stream.indirect.scatter.add.f32 [tilespmem:s16], [sflag:$0x3], $0x80, s29, s19, $0xb8;
	[tilespmem:$0x1E800] =	vst v63  }
0xa5: {  	_ =	swait.ge [sflag:s17], $0x4000  }
0xa6: {  	[sflag:s17] =	ssyncset.done $0x0  }
0xa7: {  	[sflag:s17] =	ssyncadd.s32 $0xFFFFC000  }
0xa8: {  	_ =	swait.ge [sflag:s22], $0x4000  }
0xa9: {  	[sflag:s22] =	ssyncset.done $0x0  }
0xaa: {  	s23 =	sadd.s32 $0x1480, s23;
	[sflag:s22] =	ssyncadd.s32 $0xFFFFC000  }
0xab: {  	[spmem:s1] =	stream.indirect.scatter.add.f32 [tilespmem:s20], [sflag:$0x3], $0x80, s23, s19, $0xb8;
	[tilespmem:$0x1E800] =	vst v63  }
0xac: {  	_ =	swait.ge [sflag:s17], $0x4000  }
0xad: {  	s30 =	sshll.u32 s2, $0x6;
	s3 =	sadd.s32 $0x1, s3;
	[sflag:s17] =	ssyncset.done $0x0  }
0xae: {  	s31 =	sshrl.u32 s5, $0x3;
	p0 =	sne.s32 s3, s15;
	[sflag:s17] =	ssyncadd.s32 $0xFFFFC000  }
.Ltmp3:
0xaf: {  	s23 =	sor.u32 $0x1C03, s30;
	[bflag:$0x0] =	sbarrier.arrive $0xFFFF;
	(pc) =	sbr.rel @p0 .LBB2_1-.Ltmp3, $4  }
0xb0: {  	[hbm:s14], [sflag:s23] =	dma.local [spmem:s31], $0x2800  }
0xb1: {  	_ =	swait.ge [sflag:s17], $0x2800  }
0xb2: {  	[sflag:s17] =	ssyncset.done $0x0  }
0xb3: {  	[sflag:s17] =	ssyncadd.s32 $0xFFFFD800  }
0xb4: {  	_ =	sfence.sel $0x180000  }
0xb5: {  	[bflag:$0x0] =	sbarrier.arrive $0xFFFF  }
0xb6: {  	p0 =	sne.s32 s2, $0x0;
	_ =	strace $0x9000004A  }
0xb7: {  	s0 =	sadd.s32 @!p0 $0x100000, s0;
	[bflag:$0x2] =	sbarrier.arrive $0xFFFF  }
0xb8: {  	[sflag:s0] =	ssyncadd.tile.s32 @!p0 $0x1;
	_ =	shalt  }
.Lfunc_end2:
_tile_overlayer_lowered:
.L_overlay_start_2:
0xb9: {  	(tag) =	ssettag $0x2  }
0xba: {  	s0 =	rddreg [dreg:$0x0];
	s2 =	stileid.u32  }
0xbb: {  	s1 =	rddreg [dreg:$0x1];
	p0 =	sne.s32 s2, $0x0  }
0xbc: {  	s3 =	rddreg [dreg:$0x2];
	[bflag:$0x3] =	sbarrier.arrive $0xFFFF;
	s2 =	simm.s32 @!p0 $0x1C03  }
0xbd: {  	[timem:s3], [sflag:s2] =	dma.local @!p0 [hbm:s0], s1  }
0xbe: {  	s0 =	simm.s32 @!p0 $0x3  }
0xbf: {  	_ =	swait.ge @!p0 [sflag:s0], s1  }
0xc0: {  	s1 =	ssub.s32 @!p0 $0x0, s1;
	[sflag:s0] =	ssyncset.done @!p0 $0x0  }
0xc1: {  	[sflag:s0] =	ssyncadd.s32 @!p0 s1  }
0xc2: {  	[bflag:$0x3] =	sbarrier.arrive $0xFFFF  }
0xc3: {  	_ =	shalt  }

// kernel: kernel.16.cloned.1.call-start
scs
__scs_entry_jumppad:
0x0: {  	(pc) =	sbr.rel $0x88, $3  }
0x1: {  	(tag) =	ssettag $0x0;
	lr =	simm.s32 $0x1  }
0x2: {  	[smem:$0x3F99] =	sst lr;
	_ =	strace $0xD0000000  }
0x3: {  	_ = 	snop  }
0x4: {  	_ = 	snop  }
0x5: {  	_ = 	snop  }
0x6: {  	_ = 	snop  }
0x7: {  	_ = 	snop  }
__scs_overlays_trampoline_lowered:
0x8: {  	[smem:$0x3FA8] =	sst s0  }
0x9: {  	[smem:$0x3FA9] =	sst s1  }
0xa: {  	[smem:$0x3FAA] =	sst s2  }
0xb: {  	[smem:$0x3FAB] =	sst s3  }
0xc: {  	[smem:$0x3FAC] =	sst s4  }
0xd: {  	[smem:$0x3FAD] =	sst s5  }
0xe: {  	[smem:$0x3FAE] =	sst s6  }
0xf: {  	[smem:$0x3FAF] =	sst s7  }
0x10: {  	[smem:$0x3FB0] =	sst s8  }
0x11: {  	[smem:$0x3FB1] =	sst s9;
	s0 =	simm.s32 @!p0 $0x0  }
0x12: {  	s1 =	sld [smem:$0x3F97];
	s0 =	simm.s32 @p0 $0x1  }
0x13: {  	[smem:$0x3FB2] =	sst s0;
	s0 =	simm.s32 @!p1 $0x0  }
0x14: {  	s2 =	sld [smem:$0x3F96];
	s0 =	simm.s32 @p1 $0x1  }
0x15: {  	[smem:$0x3FB3] =	sst s0;
	s0 =	simm.s32 @!p2 $0x0  }
0x16: {  	s3 =	sld [smem:$0x3FDB];
	s0 =	simm.s32 @p2 $0x1  }
0x17: {  	s4 =	simm.s32 $0x1BF5;
	[smem:$0x3FB5] =	sst s0  }
0x18: {  	s0 =	sld [smem:$0x3F98];
	_ =	swait.ge [sflag:s4], $0x0  }
0x19: {  	s7 =	sld [smem:$0x3F99]  }
0x1a: {  	s8 =	sadd.s32 $0xFFFFE003, lr  }
0x1b: {  	s9 =	sadd.s32 $0xFFFFFEF7, lr;
	s5 =	simm.s32 $0xFFFFFFFF;
	p2 =	slt.u32 s8, $0xFFFFF086  }
0x1c: {  	p1 =	slt.u32 s9, $0xF7A;
	s5 =	simm.s32 @!p2 $0x0  }
0x1d: {  	s5 =	simm.s32 @p1 $0x1;
	p0 =	seq.s32 s7, s2  }
0x1e: {  	s7 =	smul.u32 @!p0 $0xF7A, s2;
	p2 =	seq.s32 @!p0 s5, $0x0  }
0x1f: {  	s9 =	smul.u32 $0xF7A, s1;
	s8 =	simm.s32 @!p0 $0x1BF5;
	p2 =	por !p2, p0  }
0x20: {  	[sflag:s8] =	ssyncset.s32 @!p0 $0xFFFFF086;
	s6 =	sadd.s32 @!p0 s3, s7;
	s7 =	simm.s32 @!p0 $0x108  }
0x21: {  	s3 =	sadd.s32 s3, s9;
	s6 =	sadd.s32 @!p0 $0x88, s6;
	s7 =	simm.s32 @p2 $0x1082  }
0x22: {  	[simem:s7], [sflag:s8] =	dma.local @!p0 [hbm:s6], $0xF7A  }
0x23: {  	s9 =	sor.u32 $0xD0000000, s2;
	s6 =	simm.s32 $0x108;
	_ =	swait.ge @!p0 [sflag:s8], $0x0  }
0x24: {  	s3 =	sadd.s32 $0x88, s3;
	s6 =	simm.s32 @!p1 $0x1082;
	[sflag:s4] =	ssyncset.s32 $0xFFFFF086  }
0x25: {  	[simem:s6], [sflag:s4] =	dma.local [hbm:s3], $0xF7A  }
0x26: {  	[smem:$0x3F99] =	sst s1;
	(tag) =	ssettag s2;
	_ =	strace s9  }
0x27: {  	s1 =	sld [smem:$0x3FA9]  }
0x28: {  	s2 =	sld [smem:$0x3FAA]  }
0x29: {  	s4 =	sld [smem:$0x3FAC]  }
0x2a: {  	p0 =	seq.s32 s5, $0x0;
	s5 =	sld [smem:$0x3FAD]  }
0x2b: {  	s6 =	sld [smem:$0x3FAE]  }
0x2c: {  	s7 =	sld [smem:$0x3FAF]  }
0x2d: {  	s3 =	simm.s32 $0x108;
	s8 =	sld [smem:$0x3FB0]  }
0x2e: {  	s3 =	simm.s32 @!p0 $0x1082;
	s9 =	sld [smem:$0x3FB1]  }
0x2f: {  	lr =	sadd.s32 s0, s3;
	s0 =	sld [smem:$0x3FA8]  }
0x30: {  	s3 =	sld [smem:$0x3FAB]  }
0x31: {  	[smem:$0x3FB4] =	sst s10  }
0x32: {  	s10 =	sld [smem:$0x3FB2];
	_ =	sdelay $0x3  }
0x33: {  	p0 =	seq.s32 s10, $0x1;
	s10 =	sld [smem:$0x3FB4];
	_ =	sdelay $0x3  }
0x34: {  	[smem:$0x3FB4] =	sst s10  }
0x35: {  	s10 =	sld [smem:$0x3FB3];
	_ =	sdelay $0x3  }
0x36: {  	p1 =	seq.s32 s10, $0x1;
	s10 =	sld [smem:$0x3FB4];
	_ =	sdelay $0x3  }
0x37: {  	[smem:$0x3FB4] =	sst s10  }
0x38: {  	s10 =	sld [smem:$0x3FB5]  }
0x39: {  	_ = 	snop;
	(pc) =	sbr.ind lr, $3  }
0x3a: {  	_ = 	snop  }
0x3b: {  	_ = 	snop  }
0x3c: {  	p2 =	seq.s32 s10, $0x1;
	s10 =	sld [smem:$0x3FB4]  }
0x3d: {  	_ =	shalt  }
0x3e: {  	_ =	shalt  }
0x3f: {  	_ =	shalt  }
0x40: {  	_ =	shalt  }
0x41: {  	_ =	shalt  }
0x42: {  	_ =	shalt  }
0x43: {  	_ =	shalt  }
0x44: {  	_ =	shalt  }
0x45: {  	_ =	shalt  }
0x46: {  	_ =	shalt  }
0x47: {  	_ =	shalt  }
0x48: {  	_ =	shalt  }
0x49: {  	_ =	shalt  }
0x4a: {  	_ =	shalt  }
0x4b: {  	_ =	shalt  }
0x4c: {  	_ =	shalt  }
0x4d: {  	_ =	shalt  }
0x4e: {  	_ =	shalt  }
0x4f: {  	_ =	shalt  }
0x50: {  	_ =	shalt  }
0x51: {  	_ =	shalt  }
0x52: {  	_ =	shalt  }
0x53: {  	_ =	shalt  }
0x54: {  	_ =	shalt  }
0x55: {  	_ =	shalt  }
0x56: {  	_ =	shalt  }
0x57: {  	_ =	shalt  }
0x58: {  	_ =	shalt  }
0x59: {  	_ =	shalt  }
0x5a: {  	_ =	shalt  }
0x5b: {  	_ =	shalt  }
0x5c: {  	_ =	shalt  }
0x5d: {  	_ =	shalt  }
0x5e: {  	_ =	shalt  }
0x5f: {  	_ =	shalt  }
0x60: {  	_ =	shalt  }
0x61: {  	_ =	shalt  }
0x62: {  	_ =	shalt  }
0x63: {  	_ =	shalt  }
0x64: {  	_ =	shalt  }
0x65: {  	_ =	shalt  }
0x66: {  	_ =	shalt  }
0x67: {  	_ =	shalt  }
0x68: {  	_ =	shalt  }
0x69: {  	_ =	shalt  }
0x6a: {  	_ =	shalt  }
0x6b: {  	_ =	shalt  }
0x6c: {  	_ =	shalt  }
0x6d: {  	_ =	shalt  }
0x6e: {  	_ =	shalt  }
0x6f: {  	_ =	shalt  }
0x70: {  	_ =	shalt  }
0x71: {  	_ =	shalt  }
0x72: {  	_ =	shalt  }
0x73: {  	_ =	shalt  }
0x74: {  	_ =	shalt  }
0x75: {  	_ =	shalt  }
0x76: {  	_ =	shalt  }
0x77: {  	_ =	shalt  }
0x78: {  	_ =	shalt  }
0x79: {  	_ =	shalt  }
0x7a: {  	_ =	shalt  }
0x7b: {  	_ =	shalt  }
0x7c: {  	_ =	shalt  }
0x7d: {  	_ =	shalt  }
0x7e: {  	_ =	shalt  }
0x7f: {  	_ =	shalt  }
0x80: {  	_ =	shalt  }
0x81: {  	_ =	shalt  }
0x82: {  	_ =	shalt  }
0x83: {  	_ =	shalt  }
0x84: {  	_ =	shalt  }
0x85: {  	_ =	shalt  }
0x86: {  	_ =	shalt  }
0x87: {  	_ =	shalt  }
.Lfunc_end0:
.L_simem_size_0:
called_computation.2_lowered:
.L_overlay_start_0:
0x88: {  	s2 =	sld [smem:$0x3FD9]  }
0x89: {  	s3 =	sld [smem:$0x3FFE];
	_ =	sdelay $0x1  }
0x8a: {  	s1 =	srdreg.scid  }
0x8b: {  	s0 =	sand.u32 $0x1, s1  }
0x8c: {  	s16 =	sshll.u32 s0, $0xA;
	s2 =	sadd.s32 s3, s2  }
0x8d: {  	s2 =	sadd.s32 s2, s16  }
0x8e: {  	[smem:$0x3FC0] =	sst s2  }
0x8f: {  	_ = 	snop  }
0x90: {  	(tm) =	ssettm $0x1  }
0x91: {  	s17 =	sld [smem:$0x3FFB];
	_ =	sdelay $0x3  }
0x92: {  	_ =	strace s17  }
0x93: {  	s2 =	sld [smem:$0x3FFC];
	_ =	sdelay $0x3  }
0x94: {  	_ =	strace s2  }
0x95: {  	s2 =	sld [smem:$0x3FFD];
	_ =	sdelay $0x3  }
0x96: {  	_ =	strace s2  }
0x97: {  	_ =	strace $0x8FFFFFFF  }
0x98: {  	s18 =	sld [smem:$0x3FDB];
	_ =	sdelay $0x1  }
0x99: {  	s19 =	simm.s32 $_scs_section_size  }
0x9a: {  	s4 =	simm.s32 $_size__tile_overlayer_lowered;
	s5 =	simm.s32 $_tile_overlayer_lowered  }
0x9b: {  	s22 =	simm.s32 $0x1BFF;
	s21 =	sshll.u32 s5, $0x1;
	s2 =	sadd.s32 s19, s18  }
0x9c: {  	s6 =	simm.s32 $0x0;
	s20 =	sshll.u32 s4, $0x1;
	s4 =	sadd.s32 s21, s2  }
0x9d: {  	[timem:s6], [sflag:s22] =	dma.local [hbm:s4], s20  }
0x9e: {  	_ =	swait.ge [sflag:s22], s20  }
0x9f: {  	s3 =	ssub.s32 $0x0, s20;
	[sflag:s22] =	ssyncset.done $0x0  }
0xa0: {  	[sflag:s22] =	ssyncadd.s32 s3;
	_ =	sdelay $0x1  }
0xa1: {  	s23 =	simm.s32 $0x1B8B  }
0xa2: {  	_ =	swait.ge [sflag:s23], $0x1  }
0xa3: {  	[sflag:s23] =	ssyncset.done $0x0  }
0xa4: {  	s25 =	simm.s32 $0x1B8E;
	s24 =	sld [smem:$0x3FFE];
	[sflag:s23] =	ssyncadd.s32 $0xFFFFFFFF  }
0xa5: {  	s26 =	simm.s32 $execute0_lowered;
	[smem:$0x3FD2] =	sst s25  }
0xa6: {  	s4 =	sshll.u32 s26, $0x1;
	_ =	strace $0x8000004C;
	[dreg:$0x1] =	wrdreg $0xFFFFFFFF  }
0xa7: {  	s28 =	simm.s32 $_size_execute0_lowered;
	s2 =	sadd.s32 s2, s4;
	[dreg:$0x0] =	wrdreg $0x0  }
0xa8: {  	s4 =	sshll.u32 s28, $0x1;
	[dreg:$0x2] =	wrdreg s2  }
0xa9: {  	[dreg:$0x3] =	wrdreg s4  }
0xaa: {  	[dreg:$0x4] =	wrdreg $0xC0  }
0xab: {  	_ =	task [dreg:s6], $0x5FFFF  }
0xac: {  	[dreg:$0x1] =	wrdreg $0xFFFFFFFF  }
0xad: {  	[dreg:$0x0] =	wrdreg $0x60  }
0xae: {  	[dreg:$0x2] =	wrdreg s24  }
0xaf: {  	[dreg:$0x3] =	wrdreg $0xA8000  }
0xb0: {  	[dreg:$0x4] =	wrdreg $0x9  }
0xb1: {  	_ =	task.clear_ibuf [dreg:s6], $0x5FFFF;
	_ =	strace $0x9000004C  }
0xb2: {  	s29 =	simm.s32 $0x9;
	_ =	strace $0x8000004E  }
0xb3: {  	_ =	swait.ge [sflag:s29], $0x1  }
0xb4: {  	[sflag:s29] =	ssyncadd.s32 $0xFFFFFFFF  }
0xb5: {  	_ =	strace $0x9000004E  }
0xb6: {  	_ =	sfence  }
0xb7: {  	s30 =	sld [smem:$0x0];
	_ =	sdelay $0x2  }
0xb8: {  	s31 =	sshll.u32 s1, $0xD;
	s1 =	sshrl.u32 s1, $0x2  }
0xb9: {  	s3 =	sand.u32 $0x4000, s31;
	s1 =	sadd.s32 s1, s30  }
0xba: {  	s0 =	sor.u32 s3, s0;
	s1 =	sshll.u32 s1, $0x11  }
0xbb: {  	s0 =	sor.u32 s1, s0  }
0xbc: {  	s0 =	sadd.s32 $0x8F2B, s0  }
0xbd: {  	[sflag:s0] =	ssyncadd.remote.s32 $0x1  }
0xbe: {  	_ =	sfence.sel $0xFFFF  }
0xbf: {  	[dreg:$0x0] =	wrdreg $0xFFFFFFFF;
	(pc) =	sbr.abs _section_cstart, $3  }
0xc0: {  	[dreg:$0x1] =	wrdreg $0xFFFFFFFF  }
0xc1: {  	_ =	task.clear_ibuf [dreg:s6], $0x2FFFF;
	_ =	strace $0x9FFFFFFF  }
0xc2: {  	(tm) =	ssettm $0x7FFFFFFF  }
0xc3: {  	_ =	shalt  }
tec
execute0_lowered:
.L_overlay_start_1:
0x0: {  	(tag) =	ssettag $0x1  }
0x1: {  	s6 =	rddreg [dreg:$0x0]  }
0x2: {  	s1 =	rddreg [dreg:$0x1];
	s2 =	srdreg.scid  }
0x3: {  	s0 =	rddreg [dreg:$0x2];
	s3 =	simm.s32 $0x0;
	s17 =	simm.s32 $0x3  }
0x4: {  	s18 =	simm.s32 $0x1400;
	s19 =	simm.s32 $0x80;
	s20 =	simm.s32 $0x6800  }
0x5: {  	s21 =	simm.s32 $0x1;
	s5 =	sand.u32 $0x1, s2;
	s2 =	stileid.u32  }
0x6: {  	s22 =	simm.s32 $0x2;
	[smem:$0x7FF] =	sst s3;
	s7 =	smul.u32 $0x140000, s5  }
0x7: {  	s4 =	sadd.s32 $0xCC00, s6;
	s12 =	sadd.s32 $0x5CC00, s6;
	s8 =	smul.u32 $0x14000, s2  }
0x8: {  	s13 =	sadd.s32 $0x2C00, s6;
	s29 =	smul.u32 $0x50000, s2;
	s9 =	sshll.u32 s2, $0x1  }
0x9: {  	_ =	strace $0x8000004D;
	s10 =	ssub.s32 $0x2, s5;
	s9 =	sor.u32 s5, s9  }
0xa: {  	s31 =	sshrl.u32 s10, $0x1;
	s7 =	sadd.s32 s8, s7;
	s30 =	sshrl.u32 s29, $0x2  }
0xb: {  	s9 =	smul.u32 $0x2800, s9;
	s15 =	ssub.s32 s10, s31;
	s7 =	sshrl.u32 s7, $0x3  }
0xc: {  	s5 =	sadd.s32 s30, s1;
	s15 =	smax.u32 s15, $0x1;
	s14 =	sadd.s32 s7, s6  }
0xd: {  	s6 =	sadd.s32 $0x4000, s5;
	s7 =	sadd.s32 $0x8000, s5;
	s11 =	sshrl.u32 s9, $0x3  }
0xe: {  	s8 =	sadd.s32 $0xC000, s5;
	s9 =	sadd.s32 $0x10000, s5;
	s10 =	sadd.s32 s12, s11  }
0xf: {  	s16 =	sadd.s32 $0x280, s11;
	s11 =	sadd.s32 s13, s11;
	s14 =	sadd.s32 $0x66C00, s14  }
0x10: {  	v0 =	vimm.f32 $0.0e+00;
	s12 =	sadd.s32 s12, s16;
	s13 =	sadd.s32 s13, s16;
	s16 =	simm.s32 $0x2800  }
.LBB2_1:
0x11: {  	s23 =	simm.s32 $0x0;
	s24 =	simm.s32 $0x200  }
.LBB2_2:
0x12: {  	p0 =	sne.s32 s24, $0xFE00;
	[tilespmem:s23+$0x2870] =	vst v0  }
0x13: {  	[tilespmem:s23+$0x2800] =	vst v0  }
0x14: {  	[tilespmem:s23+$0x2810] =	vst v0  }
.Ltmp0:
0x15: {  	[tilespmem:s23+$0x2820] =	vst v0;
	(pc) =	sbr.rel @p0 .LBB2_2-.Ltmp0, $4  }
0x16: {  	[tilespmem:s23+$0x2830] =	vst v0  }
0x17: {  	[tilespmem:s23+$0x2840] =	vst v0  }
0x18: {  	[tilespmem:s23+$0x2850] =	vst v0  }
0x19: {  	[tilespmem:s23+$0x2860] =	vst v0;
	s23 =	sshra.s32 s24, $0x2;
	s24 =	sadd.s32 $0x200, s24  }
0x1a: {  	[tilespmem:s23+$0x2870] =	vst v0  }
0x1b: {  	[tilespmem:s23+$0x2800] =	vst v0  }
0x1c: {  	[tilespmem:s23+$0x2810] =	vst v0  }
0x1d: {  	[tilespmem:s23+$0x2820] =	vst v0  }
0x1e: {  	[tilespmem:s23+$0x2830] =	vst v0  }
0x1f: {  	[tilespmem:s23+$0x2840] =	vst v0  }
0x20: {  	[tilespmem:s23+$0x2850] =	vst v0  }
0x21: {  	[tilespmem:s23+$0x2860] =	vst v0  }
0x22: {  	[spmem:s5] =	stream.linear.scatter [tilespmem:s16], [sflag:$0x3], $0x4000, $0x38;
	[tilespmem:$0x1E800] =	vst v63  }
0x23: {  	_ =	swait.ge [sflag:s17], $0x4000  }
0x24: {  	[sflag:s17] =	ssyncset.done $0x0  }
0x25: {  	[sflag:s17] =	ssyncadd.s32 $0xFFFFC000  }
0x26: {  	[spmem:s6] =	stream.linear.scatter [tilespmem:s16], [sflag:$0x3], $0x4000, $0x38;
	[tilespmem:$0x1E800] =	vst v63  }
0x27: {  	_ =	swait.ge [sflag:s17], $0x4000  }
0x28: {  	[sflag:s17] =	ssyncset.done $0x0  }
0x29: {  	[sflag:s17] =	ssyncadd.s32 $0xFFFFC000  }
0x2a: {  	[spmem:s7] =	stream.linear.scatter [tilespmem:s16], [sflag:$0x3], $0x4000, $0x38;
	[tilespmem:$0x1E800] =	vst v63  }
0x2b: {  	_ =	swait.ge [sflag:s17], $0x4000  }
0x2c: {  	[sflag:s17] =	ssyncset.done $0x0  }
0x2d: {  	[sflag:s17] =	ssyncadd.s32 $0xFFFFC000  }
0x2e: {  	[spmem:s8] =	stream.linear.scatter [tilespmem:s16], [sflag:$0x3], $0x4000, $0x38;
	[tilespmem:$0x1E800] =	vst v63  }
0x2f: {  	_ =	swait.ge [sflag:s17], $0x4000  }
0x30: {  	[sflag:s17] =	ssyncset.done $0x0  }
0x31: {  	[sflag:s17] =	ssyncadd.s32 $0xFFFFC000  }
0x32: {  	[spmem:s9] =	stream.linear.scatter [tilespmem:s16], [sflag:$0x3], $0x4000, $0x38;
	[tilespmem:$0x1E800] =	vst v63  }
0x33: {  	_ =	swait.ge [sflag:s17], $0x4000  }
0x34: {  	[sflag:s17] =	ssyncset.done $0x0  }
0x35: {  	[sflag:s17] =	ssyncadd.s32 $0xFFFFC000  }
0x36: {  	s26 =	simm.s32 $0x0;
	[bflag:$0x0] =	sbarrier.arrive $0xFFFF  }
0x37: {  	[tilespmem:s26], [sflag:$0x3] =	stream.linear.gather [hbm4b:s10+s26], $0x1400, $0x38;
	[tilespmem:$0x1E800] =	vst v63  }
0x38: {  	_ =	swait.ge [sflag:s17], $0x1400  }
0x39: {  	[sflag:s17] =	ssyncset.done $0x0  }
0x3a: {  	[sflag:s17] =	ssyncadd.s32 $0xFFFFEC00  }
0x3b: {  	[tilespmem:s18], [sflag:$0x3] =	stream.linear.gather [hbm4b:s11+s26], $0x1400, $0x38;
	[tilespmem:$0x1E800] =	vst v63  }
0x3c: {  	_ =	swait.ge [sflag:s17], $0x1400  }
0x3d: {  	[sflag:s17] =	ssyncset.done $0x0  }
0x3e: {  	s28 =	simm.s32 $0x0;
	[sflag:s17] =	ssyncadd.s32 $0xFFFFEC00  }
0x3f: {  	[tilespmem:s16], [sflag:$0x1] =	stream.indirect.gather [hbm4b:s4+s19], $0x80, s28, s19, $0xb8;
	[tilespmem:$0x1E800] =	vst v63  }
0x40: {  	s29 =	simm.s32 $0x80  }
0x41: {  	[tilespmem:s20], [sflag:$0x2] =	stream.indirect.gather [hbm4b:s4+s19], $0x80, s29, s19, $0xb8;
	[tilespmem:$0x1E800] =	vst v63  }
0x42: {  	_ =	swait.ge [sflag:s21], $0x4000  }
0x43: {  	[sflag:s21] =	ssyncset.done $0x0  }
0x44: {  	s30 =	simm.s32 $0x1400;
	[sflag:s21] =	ssyncadd.s32 $0xFFFFC000  }
0x45: {  	[spmem:s1] =	stream.indirect.scatter.add.f32 [tilespmem:s16], [sflag:$0x3], $0x80, s30, s19, $0xb8;
	[tilespmem:$0x1E800] =	vst v63  }
0x46: {  	_ =	swait.ge [sflag:s17], $0x4000  }
0x47: {  	[sflag:s17] =	ssyncset.done $0x0  }
0x48: {  	[sflag:s17] =	ssyncadd.s32 $0xFFFFC000  }
0x49: {  	_ =	swait.ge [sflag:s22], $0x4000  }
0x4a: {  	[sflag:s22] =	ssyncset.done $0x0  }
0x4b: {  	s31 =	simm.s32 $0x1480;
	[sflag:s22] =	ssyncadd.s32 $0xFFFFC000  }
0x4c: {  	[spmem:s1] =	stream.indirect.scatter.add.f32 [tilespmem:s20], [sflag:$0x3], $0x80, s31, s19, $0xb8;
	[tilespmem:$0x1E800] =	vst v63  }
0x4d: {  	_ =	swait.ge [sflag:s17], $0x4000  }
0x4e: {  	s23 =	simm.s32 $0x400;
	s24 =	simm.s32 $0x800;
	[sflag:s17] =	ssyncset.done $0x0  }
.LBB2_4:
0x4f: {  	s25 =	sshra.s32 s23, $0x2  }
0x50: {  	[sflag:s17] =	ssyncadd.s32 $0xFFFFC000;
	s23 =	smov.u32 s24;
	s26 =	sadd.s32 $0x400, s24  }
0x51: {  	[tilespmem:s16], [sflag:$0x1] =	stream.indirect.gather [hbm4b:s4+s19], $0x80, s25, s19, $0xb8;
	[tilespmem:$0x1E800] =	vst v63  }
0x52: {  	p0 =	sne.s32 s24, $0x4C00;
	s24 =	sadd.s32 $0x80, s25  }
0x53: {  	[tilespmem:s20], [sflag:$0x2] =	stream.indirect.gather [hbm4b:s4+s19], $0x80, s24, s19, $0xb8;
	[tilespmem:$0x1E800] =	vst v63  }
0x54: {  	_ =	swait.ge [sflag:s21], $0x4000  }
0x55: {  	[sflag:s21] =	ssyncset.done $0x0  }
0x56: {  	s24 =	sadd.s32 $0x1400, s25;
	[sflag:s21] =	ssyncadd.s32 $0xFFFFC000  }
0x57: {  	[spmem:s1] =	stream.indirect.scatter.add.f32 [tilespmem:s16], [sflag:$0x3], $0x80, s24, s19, $0xb8;
	[tilespmem:$0x1E800] =	vst v63  }
0x58: {  	_ =	swait.ge [sflag:s17], $0x4000  }
0x59: {  	[sflag:s17] =	ssyncset.done $0x0  }
0x5a: {  	[sflag:s17] =	ssyncadd.s32 $0xFFFFC000  }
0x5b: {  	_ =	swait.ge [sflag:s22], $0x4000  }
.Ltmp1:
0x5c: {  	[sflag:s22] =	ssyncset.done $0x0;
	(pc) =	sbr.rel @p0 .LBB2_4-.Ltmp1, $4  }
0x5d: {  	s24 =	sadd.s32 $0x1480, s25;
	[sflag:s22] =	ssyncadd.s32 $0xFFFFC000  }
0x5e: {  	[spmem:s1] =	stream.indirect.scatter.add.f32 [tilespmem:s20], [sflag:$0x3], $0x80, s24, s19, $0xb8;
	[tilespmem:$0x1E800] =	vst v63  }
0x5f: {  	_ =	swait.ge [sflag:s17], $0x4000  }
0x60: {  	s24 =	smov.u32 s26;
	[sflag:s17] =	ssyncset.done $0x0  }
0x61: {  	s23 =	sshra.s32 s23, $0x2;
	[sflag:s17] =	ssyncadd.s32 $0xFFFFC000  }
0x62: {  	[tilespmem:s16], [sflag:$0x1] =	stream.indirect.gather [hbm4b:s4+s19], $0x80, s23, s19, $0xb8;
	[tilespmem:$0x1E800] =	vst v63  }
0x63: {  	s24 =	sadd.s32 $0x80, s23  }
0x64: {  	[tilespmem:s20], [sflag:$0x2] =	stream.indirect.gather [hbm4b:s4+s19], $0x80, s24, s19, $0xb8;
	[tilespmem:$0x1E800] =	vst v63  }
0x65: {  	_ =	swait.ge [sflag:s21], $0x4000  }
0x66: {  	[sflag:s21] =	ssyncset.done $0x0  }
0x67: {  	s25 =	sadd.s32 $0x1400, s23;
	[sflag:s21] =	ssyncadd.s32 $0xFFFFC000  }
0x68: {  	[spmem:s1] =	stream.indirect.scatter.add.f32 [tilespmem:s16], [sflag:$0x3], $0x80, s25, s19, $0xb8;
	[tilespmem:$0x1E800] =	vst v63  }
0x69: {  	_ =	swait.ge [sflag:s17], $0x4000  }
0x6a: {  	[sflag:s17] =	ssyncset.done $0x0  }
0x6b: {  	[sflag:s17] =	ssyncadd.s32 $0xFFFFC000  }
0x6c: {  	_ =	swait.ge [sflag:s22], $0x4000  }
0x6d: {  	[sflag:s22] =	ssyncset.done $0x0  }
0x6e: {  	s23 =	sadd.s32 $0x1480, s23;
	[sflag:s22] =	ssyncadd.s32 $0xFFFFC000  }
0x6f: {  	[spmem:s1] =	stream.indirect.scatter.add.f32 [tilespmem:s20], [sflag:$0x3], $0x80, s23, s19, $0xb8;
	[tilespmem:$0x1E800] =	vst v63  }
0x70: {  	_ =	swait.ge [sflag:s17], $0x4000  }
0x71: {  	[sflag:s17] =	ssyncset.done $0x0  }
0x72: {  	s26 =	simm.s32 $0x0;
	[sflag:s17] =	ssyncadd.s32 $0xFFFFC000  }
0x73: {  	[tilespmem:s26], [sflag:$0x3] =	stream.linear.gather [hbm4b:s12+s26], $0x1400, $0x38;
	[tilespmem:$0x1E800] =	vst v63  }
0x74: {  	_ =	swait.ge [sflag:s17], $0x1400  }
0x75: {  	[sflag:s17] =	ssyncset.done $0x0  }
0x76: {  	[sflag:s17] =	ssyncadd.s32 $0xFFFFEC00  }
0x77: {  	[tilespmem:s18], [sflag:$0x3] =	stream.linear.gather [hbm4b:s13+s26], $0x1400, $0x38;
	[tilespmem:$0x1E800] =	vst v63  }
0x78: {  	_ =	swait.ge [sflag:s17], $0x1400  }
0x79: {  	[sflag:s17] =	ssyncset.done $0x0  }
0x7a: {  	s28 =	simm.s32 $0x0;
	[sflag:s17] =	ssyncadd.s32 $0xFFFFEC00  }
0x7b: {  	[tilespmem:s16], [sflag:$0x1] =	stream.indirect.gather [hbm4b:s4+s19], $0x80, s28, s19, $0xb8;
	[tilespmem:$0x1E800] =	vst v63  }
0x7c: {  	s29 =	simm.s32 $0x80  }
0x7d: {  	[tilespmem:s20], [sflag:$0x2] =	stream.indirect.gather [hbm4b:s4+s19], $0x80, s29, s19, $0xb8;
	[tilespmem:$0x1E800] =	vst v63  }
0x7e: {  	_ =	swait.ge [sflag:s21], $0x4000  }
0x7f: {  	[sflag:s21] =	ssyncset.done $0x0  }
0x80: {  	s30 =	simm.s32 $0x1400;
	[sflag:s21] =	ssyncadd.s32 $0xFFFFC000  }
0x81: {  	[spmem:s1] =	stream.indirect.scatter.add.f32 [tilespmem:s16], [sflag:$0x3], $0x80, s30, s19, $0xb8;
	[tilespmem:$0x1E800] =	vst v63  }
0x82: {  	_ =	swait.ge [sflag:s17], $0x4000  }
0x83: {  	[sflag:s17] =	ssyncset.done $0x0  }
0x84: {  	[sflag:s17] =	ssyncadd.s32 $0xFFFFC000  }
0x85: {  	_ =	swait.ge [sflag:s22], $0x4000  }
0x86: {  	[sflag:s22] =	ssyncset.done $0x0  }
0x87: {  	s31 =	simm.s32 $0x1480;
	[sflag:s22] =	ssyncadd.s32 $0xFFFFC000  }
0x88: {  	[spmem:s1] =	stream.indirect.scatter.add.f32 [tilespmem:s20], [sflag:$0x3], $0x80, s31, s19, $0xb8;
	[tilespmem:$0x1E800] =	vst v63  }
0x89: {  	_ =	swait.ge [sflag:s17], $0x4000  }
0x8a: {  	s24 =	simm.s32 $0x800;
	s23 =	simm.s32 $0x400;
	[sflag:s17] =	ssyncset.done $0x0  }
.LBB2_6:
0x8b: {  	s25 =	sshra.s32 s23, $0x2  }
0x8c: {  	[sflag:s17] =	ssyncadd.s32 $0xFFFFC000;
	s23 =	smov.u32 s24;
	s26 =	sadd.s32 $0x400, s24  }
0x8d: {  	[tilespmem:s16], [sflag:$0x1] =	stream.indirect.gather [hbm4b:s4+s19], $0x80, s25, s19, $0xb8;
	[tilespmem:$0x1E800] =	vst v63  }
0x8e: {  	p0 =	sne.s32 s24, $0x4C00;
	s24 =	sadd.s32 $0x80, s25  }
0x8f: {  	[tilespmem:s20], [sflag:$0x2] =	stream.indirect.gather [hbm4b:s4+s19], $0x80, s24, s19, $0xb8;
	[tilespmem:$0x1E800] =	vst v63  }
0x90: {  	_ =	swait.ge [sflag:s21], $0x4000  }
0x91: {  	[sflag:s21] =	ssyncset.done $0x0  }
0x92: {  	s24 =	sadd.s32 $0x1400, s25;
	[sflag:s21] =	ssyncadd.s32 $0xFFFFC000  }
0x93: {  	[spmem:s1] =	stream.indirect.scatter.add.f32 [tilespmem:s16], [sflag:$0x3], $0x80, s24, s19, $0xb8;
	[tilespmem:$0x1E800] =	vst v63  }
0x94: {  	_ =	swait.ge [sflag:s17], $0x4000  }
0x95: {  	[sflag:s17] =	ssyncset.done $0x0  }
0x96: {  	[sflag:s17] =	ssyncadd.s32 $0xFFFFC000  }
0x97: {  	_ =	swait.ge [sflag:s22], $0x4000  }
.Ltmp2:
0x98: {  	[sflag:s22] =	ssyncset.done $0x0;
	(pc) =	sbr.rel @p0 .LBB2_6-.Ltmp2, $4  }
0x99: {  	s24 =	sadd.s32 $0x1480, s25;
	[sflag:s22] =	ssyncadd.s32 $0xFFFFC000  }
0x9a: {  	[spmem:s1] =	stream.indirect.scatter.add.f32 [tilespmem:s20], [sflag:$0x3], $0x80, s24, s19, $0xb8;
	[tilespmem:$0x1E800] =	vst v63  }
0x9b: {  	_ =	swait.ge [sflag:s17], $0x4000  }
0x9c: {  	s24 =	smov.u32 s26;
	[sflag:s17] =	ssyncset.done $0x0  }
0x9d: {  	s23 =	sshra.s32 s23, $0x2;
	[sflag:s17] =	ssyncadd.s32 $0xFFFFC000  }
0x9e: {  	[tilespmem:s16], [sflag:$0x1] =	stream.indirect.gather [hbm4b:s4+s19], $0x80, s23, s19, $0xb8;
	[tilespmem:$0x1E800] =	vst v63  }
0x9f: {  	s24 =	sadd.s32 $0x80, s23  }
0xa0: {  	[tilespmem:s20], [sflag:$0x2] =	stream.indirect.gather [hbm4b:s4+s19], $0x80, s24, s19, $0xb8;
	[tilespmem:$0x1E800] =	vst v63  }
0xa1: {  	_ =	swait.ge [sflag:s21], $0x4000  }
0xa2: {  	[sflag:s21] =	ssyncset.done $0x0  }
0xa3: {  	s29 =	sadd.s32 $0x1400, s23;
	[sflag:s21] =	ssyncadd.s32 $0xFFFFC000  }
0xa4: {  	[spmem:s1] =	stream.indirect.scatter.add.f32 [tilespmem:s16], [sflag:$0x3], $0x80, s29, s19, $0xb8;
	[tilespmem:$0x1E800] =	vst v63  }
0xa5: {  	_ =	swait.ge [sflag:s17], $0x4000  }
0xa6: {  	[sflag:s17] =	ssyncset.done $0x0  }
0xa7: {  	[sflag:s17] =	ssyncadd.s32 $0xFFFFC000  }
0xa8: {  	_ =	swait.ge [sflag:s22], $0x4000  }
0xa9: {  	[sflag:s22] =	ssyncset.done $0x0  }
0xaa: {  	s23 =	sadd.s32 $0x1480, s23;
	[sflag:s22] =	ssyncadd.s32 $0xFFFFC000  }
0xab: {  	[spmem:s1] =	stream.indirect.scatter.add.f32 [tilespmem:s20], [sflag:$0x3], $0x80, s23, s19, $0xb8;
	[tilespmem:$0x1E800] =	vst v63  }
0xac: {  	_ =	swait.ge [sflag:s17], $0x4000  }
0xad: {  	s30 =	sshll.u32 s2, $0x6;
	s3 =	sadd.s32 $0x1, s3;
	[sflag:s17] =	ssyncset.done $0x0  }
0xae: {  	s31 =	sshrl.u32 s5, $0x3;
	p0 =	sne.s32 s3, s15;
	[sflag:s17] =	ssyncadd.s32 $0xFFFFC000  }
.Ltmp3:
0xaf: {  	s23 =	sor.u32 $0x1C03, s30;
	[bflag:$0x0] =	sbarrier.arrive $0xFFFF;
	(pc) =	sbr.rel @p0 .LBB2_1-.Ltmp3, $4  }
0xb0: {  	[hbm:s14], [sflag:s23] =	dma.local [spmem:s31], $0x2800  }
0xb1: {  	_ =	swait.ge [sflag:s17], $0x2800  }
0xb2: {  	[sflag:s17] =	ssyncset.done $0x0  }
0xb3: {  	[sflag:s17] =	ssyncadd.s32 $0xFFFFD800  }
0xb4: {  	_ =	sfence.sel $0x180000  }
0xb5: {  	[bflag:$0x0] =	sbarrier.arrive $0xFFFF  }
0xb6: {  	p0 =	sne.s32 s2, $0x0;
	_ =	strace $0x9000004D  }
0xb7: {  	s0 =	sadd.s32 @!p0 $0x100000, s0;
	[bflag:$0x2] =	sbarrier.arrive $0xFFFF  }
0xb8: {  	[sflag:s0] =	ssyncadd.tile.s32 @!p0 $0x1;
	_ =	shalt  }
.Lfunc_end2:
_tile_overlayer_lowered:
.L_overlay_start_2:
0xb9: {  	(tag) =	ssettag $0x2  }
0xba: {  	s0 =	rddreg [dreg:$0x0];
	s2 =	stileid.u32  }
0xbb: {  	s1 =	rddreg [dreg:$0x1];
	p0 =	sne.s32 s2, $0x0  }
0xbc: {  	s3 =	rddreg [dreg:$0x2];
	[bflag:$0x3] =	sbarrier.arrive $0xFFFF;
	s2 =	simm.s32 @!p0 $0x1C03  }
0xbd: {  	[timem:s3], [sflag:s2] =	dma.local @!p0 [hbm:s0], s1  }
0xbe: {  	s0 =	simm.s32 @!p0 $0x3  }
0xbf: {  	_ =	swait.ge @!p0 [sflag:s0], s1  }
0xc0: {  	s1 =	ssub.s32 @!p0 $0x0, s1;
	[sflag:s0] =	ssyncset.done @!p0 $0x0  }
0xc1: {  	[sflag:s0] =	ssyncadd.s32 @!p0 s1  }
0xc2: {  	[bflag:$0x3] =	sbarrier.arrive $0xFFFF  }
0xc3: {  	_ =	shalt  }

// kernel: kernel.19.cloned.1.call-start
scs
__scs_entry_jumppad:
0x0: {  	(pc) =	sbr.rel $0x88, $3  }
0x1: {  	(tag) =	ssettag $0x0;
	lr =	simm.s32 $0x1  }
0x2: {  	[smem:$0x3F99] =	sst lr;
	_ =	strace $0xD0000000  }
0x3: {  	_ = 	snop  }
0x4: {  	_ = 	snop  }
0x5: {  	_ = 	snop  }
0x6: {  	_ = 	snop  }
0x7: {  	_ = 	snop  }
__scs_overlays_trampoline_lowered:
0x8: {  	[smem:$0x3FA8] =	sst s0  }
0x9: {  	[smem:$0x3FA9] =	sst s1  }
0xa: {  	[smem:$0x3FAA] =	sst s2  }
0xb: {  	[smem:$0x3FAB] =	sst s3  }
0xc: {  	[smem:$0x3FAC] =	sst s4  }
0xd: {  	[smem:$0x3FAD] =	sst s5  }
0xe: {  	[smem:$0x3FAE] =	sst s6  }
0xf: {  	[smem:$0x3FAF] =	sst s7  }
0x10: {  	[smem:$0x3FB0] =	sst s8  }
0x11: {  	[smem:$0x3FB1] =	sst s9;
	s0 =	simm.s32 @!p0 $0x0  }
0x12: {  	s1 =	sld [smem:$0x3F97];
	s0 =	simm.s32 @p0 $0x1  }
0x13: {  	[smem:$0x3FB2] =	sst s0;
	s0 =	simm.s32 @!p1 $0x0  }
0x14: {  	s2 =	sld [smem:$0x3F96];
	s0 =	simm.s32 @p1 $0x1  }
0x15: {  	[smem:$0x3FB3] =	sst s0;
	s0 =	simm.s32 @!p2 $0x0  }
0x16: {  	s3 =	sld [smem:$0x3FDB];
	s0 =	simm.s32 @p2 $0x1  }
0x17: {  	s4 =	simm.s32 $0x1BF5;
	[smem:$0x3FB5] =	sst s0  }
0x18: {  	s0 =	sld [smem:$0x3F98];
	_ =	swait.ge [sflag:s4], $0x0  }
0x19: {  	s7 =	sld [smem:$0x3F99]  }
0x1a: {  	s8 =	sadd.s32 $0xFFFFE003, lr  }
0x1b: {  	s9 =	sadd.s32 $0xFFFFFEF7, lr;
	s5 =	simm.s32 $0xFFFFFFFF;
	p2 =	slt.u32 s8, $0xFFFFF086  }
0x1c: {  	p1 =	slt.u32 s9, $0xF7A;
	s5 =	simm.s32 @!p2 $0x0  }
0x1d: {  	s5 =	simm.s32 @p1 $0x1;
	p0 =	seq.s32 s7, s2  }
0x1e: {  	s7 =	smul.u32 @!p0 $0xF7A, s2;
	p2 =	seq.s32 @!p0 s5, $0x0  }
0x1f: {  	s9 =	smul.u32 $0xF7A, s1;
	s8 =	simm.s32 @!p0 $0x1BF5;
	p2 =	por !p2, p0  }
0x20: {  	[sflag:s8] =	ssyncset.s32 @!p0 $0xFFFFF086;
	s6 =	sadd.s32 @!p0 s3, s7;
	s7 =	simm.s32 @!p0 $0x108  }
0x21: {  	s3 =	sadd.s32 s3, s9;
	s6 =	sadd.s32 @!p0 $0x88, s6;
	s7 =	simm.s32 @p2 $0x1082  }
0x22: {  	[simem:s7], [sflag:s8] =	dma.local @!p0 [hbm:s6], $0xF7A  }
0x23: {  	s9 =	sor.u32 $0xD0000000, s2;
	s6 =	simm.s32 $0x108;
	_ =	swait.ge @!p0 [sflag:s8], $0x0  }
0x24: {  	s3 =	sadd.s32 $0x88, s3;
	s6 =	simm.s32 @!p1 $0x1082;
	[sflag:s4] =	ssyncset.s32 $0xFFFFF086  }
0x25: {  	[simem:s6], [sflag:s4] =	dma.local [hbm:s3], $0xF7A  }
0x26: {  	[smem:$0x3F99] =	sst s1;
	(tag) =	ssettag s2;
	_ =	strace s9  }
0x27: {  	s1 =	sld [smem:$0x3FA9]  }
0x28: {  	s2 =	sld [smem:$0x3FAA]  }
0x29: {  	s4 =	sld [smem:$0x3FAC]  }
0x2a: {  	p0 =	seq.s32 s5, $0x0;
	s5 =	sld [smem:$0x3FAD]  }
0x2b: {  	s6 =	sld [smem:$0x3FAE]  }
0x2c: {  	s7 =	sld [smem:$0x3FAF]  }
0x2d: {  	s3 =	simm.s32 $0x108;
	s8 =	sld [smem:$0x3FB0]  }
0x2e: {  	s3 =	simm.s32 @!p0 $0x1082;
	s9 =	sld [smem:$0x3FB1]  }
0x2f: {  	lr =	sadd.s32 s0, s3;
	s0 =	sld [smem:$0x3FA8]  }
0x30: {  	s3 =	sld [smem:$0x3FAB]  }
0x31: {  	[smem:$0x3FB4] =	sst s10  }
0x32: {  	s10 =	sld [smem:$0x3FB2];
	_ =	sdelay $0x3  }
0x33: {  	p0 =	seq.s32 s10, $0x1;
	s10 =	sld [smem:$0x3FB4];
	_ =	sdelay $0x3  }
0x34: {  	[smem:$0x3FB4] =	sst s10  }
0x35: {  	s10 =	sld [smem:$0x3FB3];
	_ =	sdelay $0x3  }
0x36: {  	p1 =	seq.s32 s10, $0x1;
	s10 =	sld [smem:$0x3FB4];
	_ =	sdelay $0x3  }
0x37: {  	[smem:$0x3FB4] =	sst s10  }
0x38: {  	s10 =	sld [smem:$0x3FB5]  }
0x39: {  	_ = 	snop;
	(pc) =	sbr.ind lr, $3  }
0x3a: {  	_ = 	snop  }
0x3b: {  	_ = 	snop  }
0x3c: {  	p2 =	seq.s32 s10, $0x1;
	s10 =	sld [smem:$0x3FB4]  }
0x3d: {  	_ =	shalt  }
0x3e: {  	_ =	shalt  }
0x3f: {  	_ =	shalt  }
0x40: {  	_ =	shalt  }
0x41: {  	_ =	shalt  }
0x42: {  	_ =	shalt  }
0x43: {  	_ =	shalt  }
0x44: {  	_ =	shalt  }
0x45: {  	_ =	shalt  }
0x46: {  	_ =	shalt  }
0x47: {  	_ =	shalt  }
0x48: {  	_ =	shalt  }
0x49: {  	_ =	shalt  }
0x4a: {  	_ =	shalt  }
0x4b: {  	_ =	shalt  }
0x4c: {  	_ =	shalt  }
0x4d: {  	_ =	shalt  }
0x4e: {  	_ =	shalt  }
0x4f: {  	_ =	shalt  }
0x50: {  	_ =	shalt  }
0x51: {  	_ =	shalt  }
0x52: {  	_ =	shalt  }
0x53: {  	_ =	shalt  }
0x54: {  	_ =	shalt  }
0x55: {  	_ =	shalt  }
0x56: {  	_ =	shalt  }
0x57: {  	_ =	shalt  }
0x58: {  	_ =	shalt  }
0x59: {  	_ =	shalt  }
0x5a: {  	_ =	shalt  }
0x5b: {  	_ =	shalt  }
0x5c: {  	_ =	shalt  }
0x5d: {  	_ =	shalt  }
0x5e: {  	_ =	shalt  }
0x5f: {  	_ =	shalt  }
0x60: {  	_ =	shalt  }
0x61: {  	_ =	shalt  }
0x62: {  	_ =	shalt  }
0x63: {  	_ =	shalt  }
0x64: {  	_ =	shalt  }
0x65: {  	_ =	shalt  }
0x66: {  	_ =	shalt  }
0x67: {  	_ =	shalt  }
0x68: {  	_ =	shalt  }
0x69: {  	_ =	shalt  }
0x6a: {  	_ =	shalt  }
0x6b: {  	_ =	shalt  }
0x6c: {  	_ =	shalt  }
0x6d: {  	_ =	shalt  }
0x6e: {  	_ =	shalt  }
0x6f: {  	_ =	shalt  }
0x70: {  	_ =	shalt  }
0x71: {  	_ =	shalt  }
0x72: {  	_ =	shalt  }
0x73: {  	_ =	shalt  }
0x74: {  	_ =	shalt  }
0x75: {  	_ =	shalt  }
0x76: {  	_ =	shalt  }
0x77: {  	_ =	shalt  }
0x78: {  	_ =	shalt  }
0x79: {  	_ =	shalt  }
0x7a: {  	_ =	shalt  }
0x7b: {  	_ =	shalt  }
0x7c: {  	_ =	shalt  }
0x7d: {  	_ =	shalt  }
0x7e: {  	_ =	shalt  }
0x7f: {  	_ =	shalt  }
0x80: {  	_ =	shalt  }
0x81: {  	_ =	shalt  }
0x82: {  	_ =	shalt  }
0x83: {  	_ =	shalt  }
0x84: {  	_ =	shalt  }
0x85: {  	_ =	shalt  }
0x86: {  	_ =	shalt  }
0x87: {  	_ =	shalt  }
.Lfunc_end0:
.L_simem_size_0:
called_computation.3_lowered:
.L_overlay_start_0:
0x88: {  	s2 =	sld [smem:$0x3FD9]  }
0x89: {  	s3 =	sld [smem:$0x3FFE];
	_ =	sdelay $0x1  }
0x8a: {  	s1 =	srdreg.scid  }
0x8b: {  	s0 =	sand.u32 $0x1, s1  }
0x8c: {  	s16 =	sshll.u32 s0, $0xA;
	s2 =	sadd.s32 s3, s2  }
0x8d: {  	s2 =	sadd.s32 s2, s16  }
0x8e: {  	[smem:$0x3FC0] =	sst s2  }
0x8f: {  	_ = 	snop  }
0x90: {  	(tm) =	ssettm $0x1  }
0x91: {  	s17 =	sld [smem:$0x3FFB];
	_ =	sdelay $0x3  }
0x92: {  	_ =	strace s17  }
0x93: {  	s2 =	sld [smem:$0x3FFC];
	_ =	sdelay $0x3  }
0x94: {  	_ =	strace s2  }
0x95: {  	s2 =	sld [smem:$0x3FFD];
	_ =	sdelay $0x3  }
0x96: {  	_ =	strace s2  }
0x97: {  	_ =	strace $0x8FFFFFFF  }
0x98: {  	s18 =	sld [smem:$0x3FDB];
	_ =	sdelay $0x1  }
0x99: {  	s19 =	simm.s32 $_scs_section_size  }
0x9a: {  	s4 =	simm.s32 $_size__tile_overlayer_lowered;
	s5 =	simm.s32 $_tile_overlayer_lowered  }
0x9b: {  	s22 =	simm.s32 $0x1BFF;
	s21 =	sshll.u32 s5, $0x1;
	s2 =	sadd.s32 s19, s18  }
0x9c: {  	s6 =	simm.s32 $0x0;
	s20 =	sshll.u32 s4, $0x1;
	s4 =	sadd.s32 s21, s2  }
0x9d: {  	[timem:s6], [sflag:s22] =	dma.local [hbm:s4], s20  }
0x9e: {  	_ =	swait.ge [sflag:s22], s20  }
0x9f: {  	s3 =	ssub.s32 $0x0, s20;
	[sflag:s22] =	ssyncset.done $0x0  }
0xa0: {  	[sflag:s22] =	ssyncadd.s32 s3;
	_ =	sdelay $0x1  }
0xa1: {  	s23 =	simm.s32 $0x1B8B  }
0xa2: {  	_ =	swait.ge [sflag:s23], $0x1  }
0xa3: {  	[sflag:s23] =	ssyncset.done $0x0  }
0xa4: {  	s25 =	simm.s32 $0x1B8E;
	s24 =	sld [smem:$0x3FFE];
	[sflag:s23] =	ssyncadd.s32 $0xFFFFFFFF  }
0xa5: {  	s26 =	simm.s32 $execute0_lowered;
	[smem:$0x3FD2] =	sst s25  }
0xa6: {  	s4 =	sshll.u32 s26, $0x1;
	_ =	strace $0x8000004F;
	[dreg:$0x1] =	wrdreg $0xFFFFFFFF  }
0xa7: {  	s28 =	simm.s32 $_size_execute0_lowered;
	s2 =	sadd.s32 s2, s4;
	[dreg:$0x0] =	wrdreg $0x0  }
0xa8: {  	s4 =	sshll.u32 s28, $0x1;
	[dreg:$0x2] =	wrdreg s2  }
0xa9: {  	[dreg:$0x3] =	wrdreg s4  }
0xaa: {  	[dreg:$0x4] =	wrdreg $0xC0  }
0xab: {  	_ =	task [dreg:s6], $0x5FFFF  }
0xac: {  	[dreg:$0x1] =	wrdreg $0xFFFFFFFF  }
0xad: {  	[dreg:$0x0] =	wrdreg $0x60  }
0xae: {  	[dreg:$0x2] =	wrdreg s24  }
0xaf: {  	[dreg:$0x3] =	wrdreg $0xA8000  }
0xb0: {  	[dreg:$0x4] =	wrdreg $0x9  }
0xb1: {  	_ =	task.clear_ibuf [dreg:s6], $0x5FFFF;
	_ =	strace $0x9000004F  }
0xb2: {  	s29 =	simm.s32 $0x9;
	_ =	strace $0x80000051  }
0xb3: {  	_ =	swait.ge [sflag:s29], $0x1  }
0xb4: {  	[sflag:s29] =	ssyncadd.s32 $0xFFFFFFFF  }
0xb5: {  	_ =	strace $0x90000051  }
0xb6: {  	_ =	sfence  }
0xb7: {  	s30 =	sld [smem:$0x0];
	_ =	sdelay $0x2  }
0xb8: {  	s31 =	sshll.u32 s1, $0xD;
	s1 =	sshrl.u32 s1, $0x2  }
0xb9: {  	s3 =	sand.u32 $0x4000, s31;
	s1 =	sadd.s32 s1, s30  }
0xba: {  	s0 =	sor.u32 s3, s0;
	s1 =	sshll.u32 s1, $0x11  }
0xbb: {  	s0 =	sor.u32 s1, s0  }
0xbc: {  	s0 =	sadd.s32 $0x8F2B, s0  }
0xbd: {  	[sflag:s0] =	ssyncadd.remote.s32 $0x1  }
0xbe: {  	_ =	sfence.sel $0xFFFF  }
0xbf: {  	[dreg:$0x0] =	wrdreg $0xFFFFFFFF;
	(pc) =	sbr.abs _section_cstart, $3  }
0xc0: {  	[dreg:$0x1] =	wrdreg $0xFFFFFFFF  }
0xc1: {  	_ =	task.clear_ibuf [dreg:s6], $0x2FFFF;
	_ =	strace $0x9FFFFFFF  }
0xc2: {  	(tm) =	ssettm $0x7FFFFFFF  }
0xc3: {  	_ =	shalt  }
tec
execute0_lowered:
.L_overlay_start_1:
0x0: {  	(tag) =	ssettag $0x1  }
0x1: {  	s6 =	rddreg [dreg:$0x0]  }
0x2: {  	s1 =	rddreg [dreg:$0x1];
	s2 =	srdreg.scid  }
0x3: {  	s0 =	rddreg [dreg:$0x2];
	s3 =	simm.s32 $0x0;
	s17 =	simm.s32 $0x3  }
0x4: {  	s18 =	simm.s32 $0x1400;
	s19 =	simm.s32 $0x80;
	s20 =	simm.s32 $0x6800  }
0x5: {  	s21 =	simm.s32 $0x1;
	s5 =	sand.u32 $0x1, s2;
	s2 =	stileid.u32  }
0x6: {  	s22 =	simm.s32 $0x2;
	[smem:$0x7FF] =	sst s3;
	s7 =	smul.u32 $0x140000, s5  }
0x7: {  	s4 =	sadd.s32 $0xCC00, s6;
	s12 =	sadd.s32 $0x5CC00, s6;
	s8 =	smul.u32 $0x14000, s2  }
0x8: {  	s13 =	sadd.s32 $0x2C00, s6;
	s29 =	smul.u32 $0x50000, s2;
	s9 =	sshll.u32 s2, $0x1  }
0x9: {  	_ =	strace $0x80000050;
	s10 =	ssub.s32 $0x2, s5;
	s9 =	sor.u32 s5, s9  }
0xa: {  	s31 =	sshrl.u32 s10, $0x1;
	s7 =	sadd.s32 s8, s7;
	s30 =	sshrl.u32 s29, $0x2  }
0xb: {  	s9 =	smul.u32 $0x2800, s9;
	s15 =	ssub.s32 s10, s31;
	s7 =	sshrl.u32 s7, $0x3  }
0xc: {  	s5 =	sadd.s32 s30, s1;
	s15 =	smax.u32 s15, $0x1;
	s14 =	sadd.s32 s7, s6  }
0xd: {  	s6 =	sadd.s32 $0x4000, s5;
	s7 =	sadd.s32 $0x8000, s5;
	s11 =	sshrl.u32 s9, $0x3  }
0xe: {  	s8 =	sadd.s32 $0xC000, s5;
	s9 =	sadd.s32 $0x10000, s5;
	s10 =	sadd.s32 s12, s11  }
0xf: {  	s16 =	sadd.s32 $0x280, s11;
	s11 =	sadd.s32 s13, s11;
	s14 =	sadd.s32 $0x66C00, s14  }
0x10: {  	v0 =	vimm.f32 $0.0e+00;
	s12 =	sadd.s32 s12, s16;
	s13 =	sadd.s32 s13, s16;
	s16 =	simm.s32 $0x2800  }
.LBB2_1:
0x11: {  	s23 =	simm.s32 $0x0;
	s24 =	simm.s32 $0x200  }
.LBB2_2:
0x12: {  	p0 =	sne.s32 s24, $0xFE00;
	[tilespmem:s23+$0x2870] =	vst v0  }
0x13: {  	[tilespmem:s23+$0x2800] =	vst v0  }
0x14: {  	[tilespmem:s23+$0x2810] =	vst v0  }
.Ltmp0:
0x15: {  	[tilespmem:s23+$0x2820] =	vst v0;
	(pc) =	sbr.rel @p0 .LBB2_2-.Ltmp0, $4  }
0x16: {  	[tilespmem:s23+$0x2830] =	vst v0  }
0x17: {  	[tilespmem:s23+$0x2840] =	vst v0  }
0x18: {  	[tilespmem:s23+$0x2850] =	vst v0  }
0x19: {  	[tilespmem:s23+$0x2860] =	vst v0;
	s23 =	sshra.s32 s24, $0x2;
	s24 =	sadd.s32 $0x200, s24  }
0x1a: {  	[tilespmem:s23+$0x2870] =	vst v0  }
0x1b: {  	[tilespmem:s23+$0x2800] =	vst v0  }
0x1c: {  	[tilespmem:s23+$0x2810] =	vst v0  }
0x1d: {  	[tilespmem:s23+$0x2820] =	vst v0  }
0x1e: {  	[tilespmem:s23+$0x2830] =	vst v0  }
0x1f: {  	[tilespmem:s23+$0x2840] =	vst v0  }
0x20: {  	[tilespmem:s23+$0x2850] =	vst v0  }
0x21: {  	[tilespmem:s23+$0x2860] =	vst v0  }
0x22: {  	[spmem:s5] =	stream.linear.scatter [tilespmem:s16], [sflag:$0x3], $0x4000, $0x38;
	[tilespmem:$0x1E800] =	vst v63  }
0x23: {  	_ =	swait.ge [sflag:s17], $0x4000  }
0x24: {  	[sflag:s17] =	ssyncset.done $0x0  }
0x25: {  	[sflag:s17] =	ssyncadd.s32 $0xFFFFC000  }
0x26: {  	[spmem:s6] =	stream.linear.scatter [tilespmem:s16], [sflag:$0x3], $0x4000, $0x38;
	[tilespmem:$0x1E800] =	vst v63  }
0x27: {  	_ =	swait.ge [sflag:s17], $0x4000  }
0x28: {  	[sflag:s17] =	ssyncset.done $0x0  }
0x29: {  	[sflag:s17] =	ssyncadd.s32 $0xFFFFC000  }
0x2a: {  	[spmem:s7] =	stream.linear.scatter [tilespmem:s16], [sflag:$0x3], $0x4000, $0x38;
	[tilespmem:$0x1E800] =	vst v63  }
0x2b: {  	_ =	swait.ge [sflag:s17], $0x4000  }
0x2c: {  	[sflag:s17] =	ssyncset.done $0x0  }
0x2d: {  	[sflag:s17] =	ssyncadd.s32 $0xFFFFC000  }
0x2e: {  	[spmem:s8] =	stream.linear.scatter [tilespmem:s16], [sflag:$0x3], $0x4000, $0x38;
	[tilespmem:$0x1E800] =	vst v63  }
0x2f: {  	_ =	swait.ge [sflag:s17], $0x4000  }
0x30: {  	[sflag:s17] =	ssyncset.done $0x0  }
0x31: {  	[sflag:s17] =	ssyncadd.s32 $0xFFFFC000  }
0x32: {  	[spmem:s9] =	stream.linear.scatter [tilespmem:s16], [sflag:$0x3], $0x4000, $0x38;
	[tilespmem:$0x1E800] =	vst v63  }
0x33: {  	_ =	swait.ge [sflag:s17], $0x4000  }
0x34: {  	[sflag:s17] =	ssyncset.done $0x0  }
0x35: {  	[sflag:s17] =	ssyncadd.s32 $0xFFFFC000  }
0x36: {  	s26 =	simm.s32 $0x0;
	[bflag:$0x0] =	sbarrier.arrive $0xFFFF  }
0x37: {  	[tilespmem:s26], [sflag:$0x3] =	stream.linear.gather [hbm4b:s10+s26], $0x1400, $0x38;
	[tilespmem:$0x1E800] =	vst v63  }
0x38: {  	_ =	swait.ge [sflag:s17], $0x1400  }
0x39: {  	[sflag:s17] =	ssyncset.done $0x0  }
0x3a: {  	[sflag:s17] =	ssyncadd.s32 $0xFFFFEC00  }
0x3b: {  	[tilespmem:s18], [sflag:$0x3] =	stream.linear.gather [hbm4b:s11+s26], $0x1400, $0x38;
	[tilespmem:$0x1E800] =	vst v63  }
0x3c: {  	_ =	swait.ge [sflag:s17], $0x1400  }
0x3d: {  	[sflag:s17] =	ssyncset.done $0x0  }
0x3e: {  	s28 =	simm.s32 $0x0;
	[sflag:s17] =	ssyncadd.s32 $0xFFFFEC00  }
0x3f: {  	[tilespmem:s16], [sflag:$0x1] =	stream.indirect.gather [hbm4b:s4+s19], $0x80, s28, s19, $0xb8;
	[tilespmem:$0x1E800] =	vst v63  }
0x40: {  	s29 =	simm.s32 $0x80  }
0x41: {  	[tilespmem:s20], [sflag:$0x2] =	stream.indirect.gather [hbm4b:s4+s19], $0x80, s29, s19, $0xb8;
	[tilespmem:$0x1E800] =	vst v63  }
0x42: {  	_ =	swait.ge [sflag:s21], $0x4000  }
0x43: {  	[sflag:s21] =	ssyncset.done $0x0  }
0x44: {  	s30 =	simm.s32 $0x1400;
	[sflag:s21] =	ssyncadd.s32 $0xFFFFC000  }
0x45: {  	[spmem:s1] =	stream.indirect.scatter.add.f32 [tilespmem:s16], [sflag:$0x3], $0x80, s30, s19, $0xb8;
	[tilespmem:$0x1E800] =	vst v63  }
0x46: {  	_ =	swait.ge [sflag:s17], $0x4000  }
0x47: {  	[sflag:s17] =	ssyncset.done $0x0  }
0x48: {  	[sflag:s17] =	ssyncadd.s32 $0xFFFFC000  }
0x49: {  	_ =	swait.ge [sflag:s22], $0x4000  }
0x4a: {  	[sflag:s22] =	ssyncset.done $0x0  }
0x4b: {  	s31 =	simm.s32 $0x1480;
	[sflag:s22] =	ssyncadd.s32 $0xFFFFC000  }
0x4c: {  	[spmem:s1] =	stream.indirect.scatter.add.f32 [tilespmem:s20], [sflag:$0x3], $0x80, s31, s19, $0xb8;
	[tilespmem:$0x1E800] =	vst v63  }
0x4d: {  	_ =	swait.ge [sflag:s17], $0x4000  }
0x4e: {  	s23 =	simm.s32 $0x400;
	s24 =	simm.s32 $0x800;
	[sflag:s17] =	ssyncset.done $0x0  }
.LBB2_4:
0x4f: {  	s25 =	sshra.s32 s23, $0x2  }
0x50: {  	[sflag:s17] =	ssyncadd.s32 $0xFFFFC000;
	s23 =	smov.u32 s24;
	s26 =	sadd.s32 $0x400, s24  }
0x51: {  	[tilespmem:s16], [sflag:$0x1] =	stream.indirect.gather [hbm4b:s4+s19], $0x80, s25, s19, $0xb8;
	[tilespmem:$0x1E800] =	vst v63  }
0x52: {  	p0 =	sne.s32 s24, $0x4C00;
	s24 =	sadd.s32 $0x80, s25  }
0x53: {  	[tilespmem:s20], [sflag:$0x2] =	stream.indirect.gather [hbm4b:s4+s19], $0x80, s24, s19, $0xb8;
	[tilespmem:$0x1E800] =	vst v63  }
0x54: {  	_ =	swait.ge [sflag:s21], $0x4000  }
0x55: {  	[sflag:s21] =	ssyncset.done $0x0  }
0x56: {  	s24 =	sadd.s32 $0x1400, s25;
	[sflag:s21] =	ssyncadd.s32 $0xFFFFC000  }
0x57: {  	[spmem:s1] =	stream.indirect.scatter.add.f32 [tilespmem:s16], [sflag:$0x3], $0x80, s24, s19, $0xb8;
	[tilespmem:$0x1E800] =	vst v63  }
0x58: {  	_ =	swait.ge [sflag:s17], $0x4000  }
0x59: {  	[sflag:s17] =	ssyncset.done $0x0  }
0x5a: {  	[sflag:s17] =	ssyncadd.s32 $0xFFFFC000  }
0x5b: {  	_ =	swait.ge [sflag:s22], $0x4000  }
.Ltmp1:
0x5c: {  	[sflag:s22] =	ssyncset.done $0x0;
	(pc) =	sbr.rel @p0 .LBB2_4-.Ltmp1, $4  }
0x5d: {  	s24 =	sadd.s32 $0x1480, s25;
	[sflag:s22] =	ssyncadd.s32 $0xFFFFC000  }
0x5e: {  	[spmem:s1] =	stream.indirect.scatter.add.f32 [tilespmem:s20], [sflag:$0x3], $0x80, s24, s19, $0xb8;
	[tilespmem:$0x1E800] =	vst v63  }
0x5f: {  	_ =	swait.ge [sflag:s17], $0x4000  }
0x60: {  	s24 =	smov.u32 s26;
	[sflag:s17] =	ssyncset.done $0x0  }
0x61: {  	s23 =	sshra.s32 s23, $0x2;
	[sflag:s17] =	ssyncadd.s32 $0xFFFFC000  }
0x62: {  	[tilespmem:s16], [sflag:$0x1] =	stream.indirect.gather [hbm4b:s4+s19], $0x80, s23, s19, $0xb8;
	[tilespmem:$0x1E800] =	vst v63  }
0x63: {  	s24 =	sadd.s32 $0x80, s23  }
0x64: {  	[tilespmem:s20], [sflag:$0x2] =	stream.indirect.gather [hbm4b:s4+s19], $0x80, s24, s19, $0xb8;
	[tilespmem:$0x1E800] =	vst v63  }
0x65: {  	_ =	swait.ge [sflag:s21], $0x4000  }
0x66: {  	[sflag:s21] =	ssyncset.done $0x0  }
0x67: {  	s25 =	sadd.s32 $0x1400, s23;
	[sflag:s21] =	ssyncadd.s32 $0xFFFFC000  }
0x68: {  	[spmem:s1] =	stream.indirect.scatter.add.f32 [tilespmem:s16], [sflag:$0x3], $0x80, s25, s19, $0xb8;
	[tilespmem:$0x1E800] =	vst v63  }
0x69: {  	_ =	swait.ge [sflag:s17], $0x4000  }
0x6a: {  	[sflag:s17] =	ssyncset.done $0x0  }
0x6b: {  	[sflag:s17] =	ssyncadd.s32 $0xFFFFC000  }
0x6c: {  	_ =	swait.ge [sflag:s22], $0x4000  }
0x6d: {  	[sflag:s22] =	ssyncset.done $0x0  }
0x6e: {  	s23 =	sadd.s32 $0x1480, s23;
	[sflag:s22] =	ssyncadd.s32 $0xFFFFC000  }
0x6f: {  	[spmem:s1] =	stream.indirect.scatter.add.f32 [tilespmem:s20], [sflag:$0x3], $0x80, s23, s19, $0xb8;
	[tilespmem:$0x1E800] =	vst v63  }
0x70: {  	_ =	swait.ge [sflag:s17], $0x4000  }
0x71: {  	[sflag:s17] =	ssyncset.done $0x0  }
0x72: {  	s26 =	simm.s32 $0x0;
	[sflag:s17] =	ssyncadd.s32 $0xFFFFC000  }
0x73: {  	[tilespmem:s26], [sflag:$0x3] =	stream.linear.gather [hbm4b:s12+s26], $0x1400, $0x38;
	[tilespmem:$0x1E800] =	vst v63  }
0x74: {  	_ =	swait.ge [sflag:s17], $0x1400  }
0x75: {  	[sflag:s17] =	ssyncset.done $0x0  }
0x76: {  	[sflag:s17] =	ssyncadd.s32 $0xFFFFEC00  }
0x77: {  	[tilespmem:s18], [sflag:$0x3] =	stream.linear.gather [hbm4b:s13+s26], $0x1400, $0x38;
	[tilespmem:$0x1E800] =	vst v63  }
0x78: {  	_ =	swait.ge [sflag:s17], $0x1400  }
0x79: {  	[sflag:s17] =	ssyncset.done $0x0  }
0x7a: {  	s28 =	simm.s32 $0x0;
	[sflag:s17] =	ssyncadd.s32 $0xFFFFEC00  }
0x7b: {  	[tilespmem:s16], [sflag:$0x1] =	stream.indirect.gather [hbm4b:s4+s19], $0x80, s28, s19, $0xb8;
	[tilespmem:$0x1E800] =	vst v63  }
0x7c: {  	s29 =	simm.s32 $0x80  }
0x7d: {  	[tilespmem:s20], [sflag:$0x2] =	stream.indirect.gather [hbm4b:s4+s19], $0x80, s29, s19, $0xb8;
	[tilespmem:$0x1E800] =	vst v63  }
0x7e: {  	_ =	swait.ge [sflag:s21], $0x4000  }
0x7f: {  	[sflag:s21] =	ssyncset.done $0x0  }
0x80: {  	s30 =	simm.s32 $0x1400;
	[sflag:s21] =	ssyncadd.s32 $0xFFFFC000  }
0x81: {  	[spmem:s1] =	stream.indirect.scatter.add.f32 [tilespmem:s16], [sflag:$0x3], $0x80, s30, s19, $0xb8;
	[tilespmem:$0x1E800] =	vst v63  }
0x82: {  	_ =	swait.ge [sflag:s17], $0x4000  }
0x83: {  	[sflag:s17] =	ssyncset.done $0x0  }
0x84: {  	[sflag:s17] =	ssyncadd.s32 $0xFFFFC000  }
0x85: {  	_ =	swait.ge [sflag:s22], $0x4000  }
0x86: {  	[sflag:s22] =	ssyncset.done $0x0  }
0x87: {  	s31 =	simm.s32 $0x1480;
	[sflag:s22] =	ssyncadd.s32 $0xFFFFC000  }
0x88: {  	[spmem:s1] =	stream.indirect.scatter.add.f32 [tilespmem:s20], [sflag:$0x3], $0x80, s31, s19, $0xb8;
	[tilespmem:$0x1E800] =	vst v63  }
0x89: {  	_ =	swait.ge [sflag:s17], $0x4000  }
0x8a: {  	s24 =	simm.s32 $0x800;
	s23 =	simm.s32 $0x400;
	[sflag:s17] =	ssyncset.done $0x0  }
.LBB2_6:
0x8b: {  	s25 =	sshra.s32 s23, $0x2  }
0x8c: {  	[sflag:s17] =	ssyncadd.s32 $0xFFFFC000;
	s23 =	smov.u32 s24;
	s26 =	sadd.s32 $0x400, s24  }
0x8d: {  	[tilespmem:s16], [sflag:$0x1] =	stream.indirect.gather [hbm4b:s4+s19], $0x80, s25, s19, $0xb8;
	[tilespmem:$0x1E800] =	vst v63  }
0x8e: {  	p0 =	sne.s32 s24, $0x4C00;
	s24 =	sadd.s32 $0x80, s25  }
0x8f: {  	[tilespmem:s20], [sflag:$0x2] =	stream.indirect.gather [hbm4b:s4+s19], $0x80, s24, s19, $0xb8;
	[tilespmem:$0x1E800] =	vst v63  }
0x90: {  	_ =	swait.ge [sflag:s21], $0x4000  }
0x91: {  	[sflag:s21] =	ssyncset.done $0x0  }
0x92: {  	s24 =	sadd.s32 $0x1400, s25;
	[sflag:s21] =	ssyncadd.s32 $0xFFFFC000  }
0x93: {  	[spmem:s1] =	stream.indirect.scatter.add.f32 [tilespmem:s16], [sflag:$0x3], $0x80, s24, s19, $0xb8;
	[tilespmem:$0x1E800] =	vst v63  }
0x94: {  	_ =	swait.ge [sflag:s17], $0x4000  }
0x95: {  	[sflag:s17] =	ssyncset.done $0x0  }
0x96: {  	[sflag:s17] =	ssyncadd.s32 $0xFFFFC000  }
0x97: {  	_ =	swait.ge [sflag:s22], $0x4000  }
.Ltmp2:
0x98: {  	[sflag:s22] =	ssyncset.done $0x0;
	(pc) =	sbr.rel @p0 .LBB2_6-.Ltmp2, $4  }
0x99: {  	s24 =	sadd.s32 $0x1480, s25;
	[sflag:s22] =	ssyncadd.s32 $0xFFFFC000  }
0x9a: {  	[spmem:s1] =	stream.indirect.scatter.add.f32 [tilespmem:s20], [sflag:$0x3], $0x80, s24, s19, $0xb8;
	[tilespmem:$0x1E800] =	vst v63  }
0x9b: {  	_ =	swait.ge [sflag:s17], $0x4000  }
0x9c: {  	s24 =	smov.u32 s26;
	[sflag:s17] =	ssyncset.done $0x0  }
0x9d: {  	s23 =	sshra.s32 s23, $0x2;
	[sflag:s17] =	ssyncadd.s32 $0xFFFFC000  }
0x9e: {  	[tilespmem:s16], [sflag:$0x1] =	stream.indirect.gather [hbm4b:s4+s19], $0x80, s23, s19, $0xb8;
	[tilespmem:$0x1E800] =	vst v63  }
0x9f: {  	s24 =	sadd.s32 $0x80, s23  }
0xa0: {  	[tilespmem:s20], [sflag:$0x2] =	stream.indirect.gather [hbm4b:s4+s19], $0x80, s24, s19, $0xb8;
	[tilespmem:$0x1E800] =	vst v63  }
0xa1: {  	_ =	swait.ge [sflag:s21], $0x4000  }
0xa2: {  	[sflag:s21] =	ssyncset.done $0x0  }
0xa3: {  	s29 =	sadd.s32 $0x1400, s23;
	[sflag:s21] =	ssyncadd.s32 $0xFFFFC000  }
0xa4: {  	[spmem:s1] =	stream.indirect.scatter.add.f32 [tilespmem:s16], [sflag:$0x3], $0x80, s29, s19, $0xb8;
	[tilespmem:$0x1E800] =	vst v63  }
0xa5: {  	_ =	swait.ge [sflag:s17], $0x4000  }
0xa6: {  	[sflag:s17] =	ssyncset.done $0x0  }
0xa7: {  	[sflag:s17] =	ssyncadd.s32 $0xFFFFC000  }
0xa8: {  	_ =	swait.ge [sflag:s22], $0x4000  }
0xa9: {  	[sflag:s22] =	ssyncset.done $0x0  }
0xaa: {  	s23 =	sadd.s32 $0x1480, s23;
	[sflag:s22] =	ssyncadd.s32 $0xFFFFC000  }
0xab: {  	[spmem:s1] =	stream.indirect.scatter.add.f32 [tilespmem:s20], [sflag:$0x3], $0x80, s23, s19, $0xb8;
	[tilespmem:$0x1E800] =	vst v63  }
0xac: {  	_ =	swait.ge [sflag:s17], $0x4000  }
0xad: {  	s30 =	sshll.u32 s2, $0x6;
	s3 =	sadd.s32 $0x1, s3;
	[sflag:s17] =	ssyncset.done $0x0  }
0xae: {  	s31 =	sshrl.u32 s5, $0x3;
	p0 =	sne.s32 s3, s15;
	[sflag:s17] =	ssyncadd.s32 $0xFFFFC000  }
.Ltmp3:
0xaf: {  	s23 =	sor.u32 $0x1C03, s30;
	[bflag:$0x0] =	sbarrier.arrive $0xFFFF;
	(pc) =	sbr.rel @p0 .LBB2_1-.Ltmp3, $4  }
0xb0: {  	[hbm:s14], [sflag:s23] =	dma.local [spmem:s31], $0x2800  }
0xb1: {  	_ =	swait.ge [sflag:s17], $0x2800  }
0xb2: {  	[sflag:s17] =	ssyncset.done $0x0  }
0xb3: {  	[sflag:s17] =	ssyncadd.s32 $0xFFFFD800  }
0xb4: {  	_ =	sfence.sel $0x180000  }
0xb5: {  	[bflag:$0x0] =	sbarrier.arrive $0xFFFF  }
0xb6: {  	p0 =	sne.s32 s2, $0x0;
	_ =	strace $0x90000050  }
0xb7: {  	s0 =	sadd.s32 @!p0 $0x100000, s0;
	[bflag:$0x2] =	sbarrier.arrive $0xFFFF  }
0xb8: {  	[sflag:s0] =	ssyncadd.tile.s32 @!p0 $0x1;
	_ =	shalt  }
.Lfunc_end2:
_tile_overlayer_lowered:
.L_overlay_start_2:
0xb9: {  	(tag) =	ssettag $0x2  }
0xba: {  	s0 =	rddreg [dreg:$0x0];
	s2 =	stileid.u32  }
0xbb: {  	s1 =	rddreg [dreg:$0x1];
	p0 =	sne.s32 s2, $0x0  }
0xbc: {  	s3 =	rddreg [dreg:$0x2];
	[bflag:$0x3] =	sbarrier.arrive $0xFFFF;
	s2 =	simm.s32 @!p0 $0x1C03  }
0xbd: {  	[timem:s3], [sflag:s2] =	dma.local @!p0 [hbm:s0], s1  }
0xbe: {  	s0 =	simm.s32 @!p0 $0x3  }
0xbf: {  	_ =	swait.ge @!p0 [sflag:s0], s1  }
0xc0: {  	s1 =	ssub.s32 @!p0 $0x0, s1;
	[sflag:s0] =	ssyncset.done @!p0 $0x0  }
0xc1: {  	[sflag:s0] =	ssyncadd.s32 @!p0 s1  }
0xc2: {  	[bflag:$0x3] =	sbarrier.arrive $0xFFFF  }
0xc3: {  	_ =	shalt  }

</sc_bundles>
